<compile_context>
chip_gen: v7x
topology: tpu7x:2x2x1
jax: 0.10.2.dev20260603
libtpu: 0.0.44.dev20260713+nightly
codegen_flags: <defaults>
</compile_context>

<pallas_src>
import jax
import jax.numpy as jnp
from jax import lax
from jax.experimental import pallas as pl
from jax.experimental.pallas import tpu as pltpu
from jax.experimental.pallas import tpu_sc as plsc

N = 10000
E = 160000
D = 256
H = 4
DH = 64
LL = 2
B = 32
S = 20

NC = 2
NS = 16
VL = 16


_BN = 400
_GRID_N = N // _BN


def _attn_tables(z, asrc_ref, adst_ref, eemb_ref, wedge_ref,
                 z2_ref, elh_ref, erph_ref):
    z2_ref[0] = z[:, :128]
    z2_ref[1] = z[:, 128:]
    el = jnp.dot(z, asrc_ref[...], preferred_element_type=jnp.float32)
    er = jnp.dot(z, adst_ref[...], preferred_element_type=jnp.float32)
    eft = jnp.dot(eemb_ref[...], wedge_ref[...],
                  preferred_element_type=jnp.float32)
    pad = jnp.zeros((z.shape[0], VL - 2), jnp.float32)
    for c in range(2):
        elh_ref[c] = jnp.concatenate([el[:, 2 * c:2 * c + 2], pad], axis=-1)
        for t in range(2):
            erph_ref[c, t] = jnp.concatenate(
                [er[:, 2 * c:2 * c + 2] + eft[t:t + 1, 2 * c:2 * c + 2], pad],
                axis=-1)


def _tc_layer0_body(emb_ref, nt_ref, nte_ref, wnode_ref, w_ref, asrc_ref,
                    adst_ref, eemb_ref, wedge_ref,
                    x_ref, z2_ref, elh_ref, erph_ref):
    rows = jnp.dot(nte_ref[...], wnode_ref[...],
                   preferred_element_type=jnp.float32)
    nt = nt_ref[...]
    sel = jnp.where(nt == 0, rows[0:1, :], rows[1:2, :])
    x = emb_ref[...] + sel
    x_ref[...] = x
    z = jnp.dot(x, w_ref[...], preferred_element_type=jnp.float32)
    _attn_tables(z, asrc_ref, adst_ref, eemb_ref, wedge_ref,
                 z2_ref, elh_ref, erph_ref)


def _tc_layer1_body(x0_ref, agg_ref, w_ref, asrc_ref, adst_ref, eemb_ref,
                    wedge_ref,
                    x_ref, z2_ref, elh_ref, erph_ref):
    h = x0_ref[...] + jnp.concatenate([agg_ref[0], agg_ref[1]], axis=-1)
    x = jax.nn.gelu(h)
    x_ref[...] = x
    z = jnp.dot(x, w_ref[...], preferred_element_type=jnp.float32)
    _attn_tables(z, asrc_ref, adst_ref, eemb_ref, wedge_ref,
                 z2_ref, elh_ref, erph_ref)


def _tc_layer_outs():
    return (
        jax.ShapeDtypeStruct((N, D), jnp.float32),
        jax.ShapeDtypeStruct((2, N, 128), jnp.float32),
        jax.ShapeDtypeStruct((2, N, VL), jnp.float32),
        jax.ShapeDtypeStruct((2, 2, N, VL), jnp.float32),
    )


def _tc_layer_outspecs():
    return (
        pl.BlockSpec((_BN, D), lambda i: (i, 0)),
        pl.BlockSpec((2, _BN, 128), lambda i: (0, i, 0)),
        pl.BlockSpec((2, _BN, VL), lambda i: (0, i, 0)),
        pl.BlockSpec((2, 2, _BN, VL), lambda i: (0, 0, i, 0)),
    )


def _full(shape):
    return pl.BlockSpec(shape, lambda i: tuple(0 for _ in shape))


def _tc_layer0(emb, nt2, nte, wnode, w_l, asrc_bd, adst_bd, eemb_l, wedge_l):
    return pl.pallas_call(
        _tc_layer0_body,
        grid=(_GRID_N,),
        in_specs=[
            pl.BlockSpec((_BN, D), lambda i: (i, 0)),
            pl.BlockSpec((_BN, 1), lambda i: (i, 0)),
            _full((2, 20)),
            _full((20, D)),
            _full((D, D)),
            _full((D, H)),
            _full((D, H)),
            _full((2, 20)),
            _full((20, H)),
        ],
        out_specs=_tc_layer_outspecs(),
        out_shape=_tc_layer_outs(),
    )(emb, nt2, nte, wnode, w_l, asrc_bd, adst_bd, eemb_l, wedge_l)


def _tc_layer1(x0, agg, w_l, asrc_bd, adst_bd, eemb_l, wedge_l):
    return pl.pallas_call(
        _tc_layer1_body,
        grid=(_GRID_N,),
        in_specs=[
            pl.BlockSpec((_BN, D), lambda i: (i, 0)),
            pl.BlockSpec((2, _BN, 128), lambda i: (0, i, 0)),
            _full((D, D)),
            _full((D, H)),
            _full((D, H)),
            _full((2, 20)),
            _full((20, H)),
        ],
        out_specs=_tc_layer_outspecs(),
        out_shape=_tc_layer_outs(),
    )(x0, agg, w_l, asrc_bd, adst_bd, eemb_l, wedge_l)



_KA = 80
_EPW_A = E // NS
_NCH_A = _EPW_A // _KA
_DZR = 1000


def _sc_edge_kernel(src_hbm, dst_hbm, et_hbm, elh_hbm, erph_hbm,
                    ex_hbm, den_hbm,
                    src_v, dst_v, et_v, idx2_v, elg_v, erg_v, ex_v, zrow_v,
                    den_sp):
    cid = lax.axis_index("c")
    sid = lax.axis_index("s")

    zf = jnp.zeros((VL,), jnp.float32)

    def zrow(i, _):
        zrow_v[i] = zf
        return 0

    lax.fori_loop(0, _DZR, zrow, 0)

    @pl.when(sid < N // _DZR)
    def _zero():
        pltpu.sync_copy(zrow_v, den_sp.at[pl.ds(sid * _DZR, _DZR)])

    plsc.subcore_barrier()

    base0 = sid * _EPW_A
    eloff = cid * N
    eroff = cid * (2 * N)

    def chunk(ci, _):
        base = base0 + ci * _KA
        pltpu.sync_copy(src_hbm.at[pl.ds(base, _KA)], src_v)
        pltpu.sync_copy(dst_hbm.at[pl.ds(base, _KA)], dst_v)
        pltpu.sync_copy(et_hbm.at[pl.ds(base, _KA)], et_v)
        for j in range(_KA // VL):
            s_ = pl.ds(j * VL, VL)
            idx2_v[s_] = dst_v[s_] + et_v[s_] * N + eroff
            src_v[s_] = src_v[s_] + eloff
        pltpu.sync_copy(elh_hbm.at[src_v], elg_v)
        pltpu.sync_copy(erph_hbm.at[idx2_v], erg_v)

        def row(i, _):
            v = elg_v[i] + erg_v[i]
            e = jnp.where(v >= 0.0, v, 0.2 * v)
            ex_v[i] = jnp.exp(e)
            return 0

        lax.fori_loop(0, _KA, row, 0)
        pltpu.sync_copy(ex_v, ex_hbm.at[pl.ds(cid * E + base, _KA)])
        pltpu.sync_copy(ex_v, den_sp.at[dst_v], add=True)
        return 0

    lax.fori_loop(0, _NCH_A, chunk, 0)

    plsc.subcore_barrier()

    @pl.when(sid < N // _DZR)
    def _out():
        pltpu.sync_copy(den_sp.at[pl.ds(sid * _DZR, _DZR)],
                        den_hbm.at[pl.ds(cid * N + sid * _DZR, _DZR)])


def _sc_edge(src, dst, et, elh_flat, erph_flat):
    mesh = plsc.VectorSubcoreMesh(core_axis_name="c", subcore_axis_name="s")
    f = pl.kernel(
        _sc_edge_kernel,
        out_type=(
            jax.ShapeDtypeStruct((2 * E, VL), jnp.float32),
            jax.ShapeDtypeStruct((2 * N, VL), jnp.float32),
        ),
        mesh=mesh,
        scratch_types=(
            pltpu.VMEM((_KA,), jnp.int32),
            pltpu.VMEM((_KA,), jnp.int32),
            pltpu.VMEM((_KA,), jnp.int32),
            pltpu.VMEM((_KA,), jnp.int32),
            pltpu.VMEM((_KA, VL), jnp.float32),
            pltpu.VMEM((_KA, VL), jnp.float32),
            pltpu.VMEM((_KA, VL), jnp.float32),
            pltpu.VMEM((_DZR, VL), jnp.float32),
            pltpu.VMEM_SHARED((N, VL), jnp.float32),
        ),
        compiler_params=pltpu.CompilerParams(use_tc_tiling_on_sc=False,
                                             needs_layout_passes=False),
    )
    return f(src, dst, et, elh_flat, erph_flat)



_KB = 80
_EPW_B = E // NS
_NCH_B = _EPW_B // _KB
_ZROWS = 25
_NZCH = N // _ZROWS


def _sc_agg_kernel(src_hbm, dst_hbm, ex_hbm, den_hbm, z2_hbm,
                   agg_hbm,
                   src_v, dst_v, idxd_v, ex_v, deng_v, zbuf_v, zero_v,
                   agg_sp):
    cid = lax.axis_index("c")
    sid = lax.axis_index("s")

    zf = jnp.zeros((VL,), jnp.float32)

    def zrow(i, _):
        for j in range(128 // VL):
            zero_v[i, pl.ds(j * VL, VL)] = zf
        return 0

    lax.fori_loop(0, _ZROWS, zrow, 0)

    def zchunk(k, _):
        q = sid + k * NS
        pltpu.sync_copy(zero_v, agg_sp.at[pl.ds(q * _ZROWS, _ZROWS)])
        return 0

    lax.fori_loop(0, _NZCH // NS, zchunk, 0)

    plsc.subcore_barrier()

    base0 = sid * _EPW_B
    coff = cid * N

    def chunk(ci, _):
        base = base0 + ci * _KB
        pltpu.sync_copy(src_hbm.at[pl.ds(base, _KB)], src_v)
        pltpu.sync_copy(dst_hbm.at[pl.ds(base, _KB)], dst_v)
        pltpu.sync_copy(ex_hbm.at[pl.ds(cid * E + base, _KB)], ex_v)
        for j in range(_KB // VL):
            s_ = pl.ds(j * VL, VL)
            idxd_v[s_] = dst_v[s_] + coff
            src_v[s_] = src_v[s_] + coff
        pltpu.sync_copy(den_hbm.at[idxd_v], deng_v)

        def arow(i, _):
            ex_v[i] = ex_v[i] / (deng_v[i] + 1e-9)
            return 0

        lax.fori_loop(0, _KB, arow, 0)
        pltpu.sync_copy(z2_hbm.at[src_v], zbuf_v)

        iz = jnp.zeros((VL,), jnp.int32)

        def edge(ei, _):
            r = ex_v[ei]
            a0 = r[iz]
            a1 = r[iz + 1]
            for j in range(8):
                s_ = pl.ds(j * VL, VL)
                a = a0 if j < 4 else a1
                zbuf_v[ei, s_] = zbuf_v[ei, s_] * a
            return 0

        lax.fori_loop(0, _KB, edge, 0)
        pltpu.sync_copy(zbuf_v, agg_sp.at[dst_v], add=True)
        return 0

    lax.fori_loop(0, _NCH_B, chunk, 0)

    plsc.subcore_barrier()

    def ochunk(k, _):
        q = sid + k * NS
        pltpu.sync_copy(agg_sp.at[pl.ds(q * _ZROWS, _ZROWS)],
                        agg_hbm.at[pl.ds(coff + q * _ZROWS, _ZROWS)])
        return 0

    lax.fori_loop(0, _NZCH // NS, ochunk, 0)


def _sc_agg(src, dst, ex, den, z2_flat):
    mesh = plsc.VectorSubcoreMesh(core_axis_name="c", subcore_axis_name="s")
    f = pl.kernel(
        _sc_agg_kernel,
        out_type=jax.ShapeDtypeStruct((2 * N, 128), jnp.float32),
        mesh=mesh,
        scratch_types=(
            pltpu.VMEM((_KB,), jnp.int32),
            pltpu.VMEM((_KB,), jnp.int32),
            pltpu.VMEM((_KB,), jnp.int32),
            pltpu.VMEM((_KB, VL), jnp.float32),
            pltpu.VMEM((_KB, VL), jnp.float32),
            pltpu.VMEM((_KB, 128), jnp.float32),
            pltpu.VMEM((_ZROWS, 128), jnp.float32),
            pltpu.VMEM_SHARED((N, 128), jnp.float32),
        ),
        compiler_params=pltpu.CompilerParams(use_tc_tiling_on_sc=False,
                                             needs_layout_passes=False),
    )
    return f(src, dst, ex, den, z2_flat)



_ROWS_C = (B * S) // NS


def _sc_sent_kernel(sent_hbm, x_hbm, agg_hbm,
                    xg_hbm, a0_hbm, a1_hbm,
                    idx_v, idx2_v, xg_v, ag_v):
    cid = lax.axis_index("c")
    sid = lax.axis_index("s")

    @pl.when(cid == 0)
    def _go():
        base = sid * _ROWS_C
        pltpu.sync_copy(sent_hbm.at[pl.ds(base, _ROWS_C)], idx_v)
        pltpu.sync_copy(x_hbm.at[idx_v], xg_v)
        pltpu.sync_copy(xg_v, xg_hbm.at[pl.ds(base, _ROWS_C)])
        pltpu.sync_copy(agg_hbm.at[idx_v], ag_v)
        pltpu.sync_copy(ag_v, a0_hbm.at[pl.ds(base, _ROWS_C)])
        for off in (0, VL, _ROWS_C - VL):
            s_ = pl.ds(off, VL)
            idx2_v[s_] = idx_v[s_] + N
        pltpu.sync_copy(agg_hbm.at[idx2_v], ag_v)
        pltpu.sync_copy(ag_v, a1_hbm.at[pl.ds(base, _ROWS_C)])


def _sc_sent(sent_idx, x1, agg_flat):
    mesh = plsc.VectorSubcoreMesh(core_axis_name="c", subcore_axis_name="s")
    f = pl.kernel(
        _sc_sent_kernel,
        out_type=(
            jax.ShapeDtypeStruct((B * S, D), jnp.float32),
            jax.ShapeDtypeStruct((B * S, 128), jnp.float32),
            jax.ShapeDtypeStruct((B * S, 128), jnp.float32),
        ),
        mesh=mesh,
        scratch_types=(
            pltpu.VMEM((_ROWS_C,), jnp.int32),
            pltpu.VMEM((_ROWS_C,), jnp.int32),
            pltpu.VMEM((_ROWS_C, D), jnp.float32),
            pltpu.VMEM((_ROWS_C, 128), jnp.float32),
        ),
        compiler_params=pltpu.CompilerParams(use_tc_tiling_on_sc=False,
                                             needs_layout_passes=False),
    )
    return f(sent_idx, x1, agg_flat)



def _tc_head_body(xg_ref, a0_ref, a1_ref, wd_ref, bd_ref, wo_ref, bo_ref,
                  scol_ref):
    s = xg_ref[...] + jnp.concatenate([a0_ref[...], a1_ref[...]], axis=-1)
    hdn = jnp.tanh(jnp.dot(s, wd_ref[...], preferred_element_type=jnp.float32)
                   + bd_ref[...])
    scol_ref[...] = (jnp.dot(hdn, wo_ref[...],
                             preferred_element_type=jnp.float32) + bo_ref[...])


def _tc_head(xg, a0, a1, Wd, bd2, Wo, bo2):
    return pl.pallas_call(
        _tc_head_body,
        out_shape=jax.ShapeDtypeStruct((B * S, 1), jnp.float32),
    )(xg, a0, a1, Wd, bd2, Wo, bo2)


def _tc_loss_body(sc_ref, lab_ref, loss_ref):
    sc = sc_ref[...]
    m = jnp.max(sc, axis=1, keepdims=True)
    lse = m + jnp.log(jnp.sum(jnp.exp(sc - m), axis=1, keepdims=True))
    ii = lax.broadcasted_iota(jnp.int32, (B, S), 1)
    oh = (ii == lab_ref[...]).astype(jnp.float32)
    pick = jnp.sum(sc * oh, axis=1, keepdims=True)
    loss_ref[...] = -jnp.mean(pick - lse, keepdims=True).reshape(1, 1)


def _tc_loss(scores, lab2):
    return pl.pallas_call(
        _tc_loss_body,
        out_shape=jax.ShapeDtypeStruct((1, 1), jnp.float32),
    )(scores, lab2)



def _blockdiag(a_l):
    eye = jnp.eye(H, dtype=jnp.float32)
    return (a_l[:, :, None] * eye[:, None, :]).reshape(D, H)


def kernel(embedding, edge_index, edge_type, node_type, sent_idx, label,
           node_type_emb, W_node, W, a_src, a_dst, edge_emb, W_edge,
           Wd, bd, Wo, bo):
    src = edge_index[0].astype(jnp.int32)
    dst = edge_index[1].astype(jnp.int32)
    et = edge_type.astype(jnp.int32)
    nt2 = node_type.astype(jnp.int32).reshape(N, 1)
    sent = sent_idx.astype(jnp.int32)
    lab2 = label.astype(jnp.int32).reshape(B, 1)

    x = None
    agg = None
    for l in range(LL):
        asrc_bd = _blockdiag(a_src[l])
        adst_bd = _blockdiag(a_dst[l])
        if l == 0:
            x, z2, elh, erph = _tc_layer0(
                embedding, nt2, node_type_emb, W_node, W[l], asrc_bd, adst_bd,
                edge_emb[l], W_edge[l])
        else:
            x, z2, elh, erph = _tc_layer1(
                x, agg.reshape(2, N, 128), W[l], asrc_bd, adst_bd,
                edge_emb[l], W_edge[l])
        elh_flat = elh.reshape(2 * N, VL)
        erph_flat = erph.reshape(4 * N, VL)
        z2_flat = z2.reshape(2 * N, 128)
        ex, den = _sc_edge(src, dst, et, elh_flat, erph_flat)
        agg = _sc_agg(src, dst, ex, den, z2_flat)

    xg, a0, a1 = _sc_sent(sent, x, agg)
    scol = _tc_head(xg, a0, a1, Wd, bd.reshape(1, D), Wo, bo.reshape(1, 1))
    scores = scol.reshape(B, S)
    loss = _tc_loss(scores, lab2).reshape(())
    return loss, scores

# --- scband reference (transcript-rebuilt; emitter-appended) ---
"""Pipeline reference for scband-node-selection-model-83897891160444 (READ-ONLY COPY).

The authoritative reference and input builder live on the scoring server;
editing this copy changes nothing except your own understanding.
"""

import jax, jax.numpy as jnp
import numpy as np

N = 10000
E = 160000
D = 256
H = 4
DH = 64
L = 2
B = 32
S = 20


def setup_inputs(seed: int = 0) -> dict:
    key = jax.random.key(seed)
    ks = jax.random.split(key, 24)
    inp = {}
    inp["embedding"] = jax.random.normal(ks[0], (N, D), dtype=jnp.float32) * 0.1
    inp["edge_index"] = jax.random.randint(ks[1], (2, E), 0, N)
    inp["edge_type"] = jax.random.randint(ks[2], (E,), 0, 2)
    inp["node_type"] = jax.random.randint(ks[3], (N,), 0, 2)
    inp["sent_idx"] = jax.random.randint(ks[4], (B * S,), 0, N)
    inp["label"] = jax.random.randint(ks[5], (B,), 0, S)
    # EdgeAwareGAT parameters (edge_types=2, edge_features=20, node_types=2, node_features=20)
    inp["node_type_emb"] = jax.random.normal(ks[6], (2, 20), dtype=jnp.float32) * 0.02
    inp["W_node"] = jax.random.normal(ks[7], (20, D), dtype=jnp.float32) * 0.05
    inp["W"] = jax.random.normal(ks[8], (L, D, H * DH), dtype=jnp.float32) * (1.0 / np.sqrt(D))
    inp["a_src"] = jax.random.normal(ks[9], (L, H, DH), dtype=jnp.float32) * 0.1
    inp["a_dst"] = jax.random.normal(ks[10], (L, H, DH), dtype=jnp.float32) * 0.1
    inp["edge_emb"] = jax.random.normal(ks[11], (L, 2, 20), dtype=jnp.float32) * 0.02
    inp["W_edge"] = jax.random.normal(ks[12], (L, 20, H), dtype=jnp.float32) * 0.1
    # ClassificationHead parameters
    inp["Wd"] = jax.random.normal(ks[13], (D, D), dtype=jnp.float32) * (1.0 / np.sqrt(D))
    inp["bd"] = jnp.zeros((D,), dtype=jnp.float32)
    inp["Wo"] = jax.random.normal(ks[14], (D, 1), dtype=jnp.float32) * (1.0 / np.sqrt(D))
    inp["bo"] = jnp.zeros((1,), dtype=jnp.float32)
    return inp


def _forward(embedding, edge_index, edge_type, node_type, sent_idx, label,
             node_type_emb, W_node, W, a_src, a_dst, edge_emb, W_edge,
             Wd, bd, Wo, bo):
    src = edge_index[0]
    dst = edge_index[1]
    # node-type aware input features
    x = embedding + node_type_emb[node_type] @ W_node
    for l in range(L):
        z = (x @ W[l]).reshape(N, H, DH)
        # edge-type embedding contribution to attention logits
        ef = edge_emb[l][edge_type] @ W_edge[l]  # (E, H)
        el = (z * a_src[l]).sum(-1)  # (N, H)
        er = (z * a_dst[l]).sum(-1)  # (N, H)
        e = jax.nn.leaky_relu(el[src] + er[dst] + ef, 0.2)  # (E, H)
        # softmax over incoming edges of each dst node
        emax = jax.ops.segment_max(e, dst, num_segments=N)
        emax = jnp.where(jnp.isfinite(emax), emax, 0.0)
        ex = jnp.exp(e - emax[dst])
        den = jax.ops.segment_sum(ex, dst, num_segments=N)
        alpha = ex / (den[dst] + 1e-9)
        agg = jax.ops.segment_sum(z[src] * alpha[:, :, None], dst, num_segments=N)
        h = agg.reshape(N, H * DH) + x  # residual
        x = jax.nn.gelu(h) if l < L - 1 else h
    # select sentence nodes (boolean mask replaced by explicit index gather)
    s = x[sent_idx]
    hdn = jnp.tanh(s @ Wd + bd)
    scores = (hdn @ Wo + bo).reshape(B, S)
    # CrossEntropyLoss
    logz = jax.scipy.special.logsumexp(scores, axis=1, keepdims=True)
    logp = scores - logz
    loss = -jnp.mean(logp[jnp.arange(B), label])
    return loss, scores


def reference(embedding, edge_index, edge_type, node_type, sent_idx, label,
              node_type_emb, W_node, W, a_src, a_dst, edge_emb, W_edge,
              Wd, bd, Wo, bo):
    return _forward(embedding, edge_index, edge_type, node_type, sent_idx, label,
                    node_type_emb, W_node, W, a_src, a_dst, edge_emb, W_edge,
                    Wd, bd, Wo, bo)

if __name__ == "__main__":
    import jax
    _d = setup_inputs()
    print(jax.jit(kernel)(*tuple(_d.values())))

</pallas_src>

<mosaic_0001>
#map = affine_map<(d0, d1) -> (0)>
#map1 = affine_map<(d0, d1) -> (0, 0)>
module attributes {stable_mosaic.version = 14 : i64} {
  func.func @_sc_edge_kernel(%arg0: i32, %arg1: i32, %arg2: memref<160000xi32, #tpu.memory_space<hbm>>, %arg3: memref<160000xi32, #tpu.memory_space<hbm>>, %arg4: memref<160000xi32, #tpu.memory_space<hbm>>, %arg5: memref<20000x16xf32, #tpu.memory_space<hbm>>, %arg6: memref<40000x16xf32, #tpu.memory_space<hbm>>, %arg7: memref<320000x16xf32, #tpu.memory_space<hbm>>, %arg8: memref<20000x16xf32, #tpu.memory_space<hbm>>, %arg9: memref<80xi32, #tpu.memory_space<vmem>>, %arg10: memref<80xi32, #tpu.memory_space<vmem>>, %arg11: memref<80xi32, #tpu.memory_space<vmem>>, %arg12: memref<80xi32, #tpu.memory_space<vmem>>, %arg13: memref<80x16xf32, #tpu.memory_space<vmem>>, %arg14: memref<80x16xf32, #tpu.memory_space<vmem>>, %arg15: memref<80x16xf32, #tpu.memory_space<vmem>>, %arg16: memref<1000x16xf32, #tpu.memory_space<vmem>>, %arg17: memref<10000x16xf32, #tpu.memory_space<vmem_shared>>) attributes {dimension_semantics = [#tpu.dimension_semantics<core_parallel>, #tpu.dimension_semantics<subcore_parallel>], iteration_bounds = array<i64: 2, 16>, scalar_prefetch = 0 : i64, scratch_operands = 9 : i64, tpu.core_type = #tpu.core_type<sc_vector_subcore>, window_params = [{transform_indices = #map}, {transform_indices = #map}, {transform_indices = #map}, {transform_indices = #map1}, {transform_indices = #map1}, {transform_indices = #map1}, {transform_indices = #map1}]} {
    %broadcast_in_dim3A = arith.constant 0.000000e+00 : f32
    %broadcast_in_dim3A_0 = vector.broadcast %broadcast_in_dim3A : f32 to vector<16xf32>
    %scan3A = arith.constant 0 : i32
    %scan3A_1 = arith.constant 0 : i32
    %scan3A_2 = arith.constant 1000 : i32
    %scan3A_3 = arith.addi %scan3A_1, %scan3A_2 : i32
    %scan3A_4 = arith.constant 1 : i32
    %scan3A_5 = scf.for %scan3A_27 = %scan3A_1 to %scan3A_3 step %scan3A_4 iter_args(%scan3A_28 = %scan3A) -> (i32)  : i32 {
      %swap3A = arith.index_cast %scan3A_27 : i32 to index
      %swap3A_29 = arith.constant 0 : index
      %swap3A_30 = tpu.vector_load %arg16[%swap3A, %swap3A_29] {strides = array<i32>} : memref<1000x16xf32, #tpu.memory_space<vmem>>, vector<16xf32>,
      tpu.vector_store %arg16[%swap3A, %swap3A_29], %broadcast_in_dim3A_0 {strides = array<i32>} : memref<1000x16xf32, #tpu.memory_space<vmem>>, vector<16xf32>,
      %scan3A_31 = arith.constant 0 : i32
      scf.yield %scan3A_31 : i32
    }
    %scan3A_6 = arith.constant 1000 : i32
    %lt3A = arith.constant 10 : i32
    %lt3A_7 = arith.cmpi slt, %arg1, %lt3A : i32
    %convert_element_type3A = arith.extui %lt3A_7 : i1 to i32
    %cond3A = arith.constant 0 : i32
    %cond3A_8 = arith.cmpi ne, %convert_element_type3A, %cond3A : i32
    scf.if %cond3A_8 {
      %mul3A_27 = arith.constant 1000 : i32
      %mul3A_28 = arith.muli %arg1, %mul3A_27 : i32
      "tpu.region"() ({
        %run_scoped3A = tpu.sem_alloc : memref<!tpu.dma_semaphore, #tpu.memory_space<semaphore_mem>>
        %dma_start3A = arith.constant 0 : i32
        %dma_start3A_29 = tpu.memref_slice %arg17[%mul3A_28, %dma_start3A] : memref<10000x16xf32, #tpu.memory_space<vmem_shared>> -> memref<1000x16xf32, #tpu.memory_space<vmem_shared>>
        %dma_start3A_30 = arith.constant 0 : i32
        %dma_start3A_31 = tpu.memref_slice %arg17[%mul3A_28, %dma_start3A_30] : memref<10000x16xf32, #tpu.memory_space<vmem_shared>> -> memref<1000x16xf32, #tpu.memory_space<vmem_shared>>
        tpu.enqueue_dma source(%arg16 : memref<1000x16xf32, #tpu.memory_space<vmem>>) target(%dma_start3A_31 : memref<1000x16xf32, #tpu.memory_space<vmem_shared>>) target_semaphore(%run_scoped3A : memref<!tpu.dma_semaphore, #tpu.memory_space<semaphore_mem>>)
        %dma_wait3A = arith.constant 0 : i32
        %dma_wait3A_32 = tpu.memref_slice %arg17[%mul3A_28, %dma_wait3A] : memref<10000x16xf32, #tpu.memory_space<vmem_shared>> -> memref<1000x16xf32, #tpu.memory_space<vmem_shared>>
        %dma_wait3A_33 = arith.constant 0 : i32
        %dma_wait3A_34 = tpu.memref_slice %arg17[%mul3A_28, %dma_wait3A_33] : memref<10000x16xf32, #tpu.memory_space<vmem_shared>> -> memref<1000x16xf32, #tpu.memory_space<vmem_shared>>
        tpu.wait_dma2 semaphore(%run_scoped3A : memref<!tpu.dma_semaphore, #tpu.memory_space<semaphore_mem>>) src(%arg16 : memref<1000x16xf32, #tpu.memory_space<vmem>>) dst(%dma_wait3A_34 : memref<1000x16xf32, #tpu.memory_space<vmem_shared>>)
        tpu.yield
      }) : () -> ()
    } else {
    }
    %barrier3A = arith.constant 0 : index
    tpu.barrier barrier_id(%barrier3A)
    %mul3A = arith.constant 10000 : i32
    %mul3A_9 = arith.muli %arg1, %mul3A : i32
    %mul3A_10 = arith.constant 10000 : i32
    %mul3A_11 = arith.muli %arg0, %mul3A_10 : i32
    %mul3A_12 = arith.constant 20000 : i32
    %mul3A_13 = arith.muli %arg0, %mul3A_12 : i32
    %scan3A_14 = arith.constant 0 : i32
    %scan3A_15 = arith.constant 0 : i32
    %scan3A_16 = arith.constant 125 : i32
    %scan3A_17 = arith.addi %scan3A_15, %scan3A_16 : i32
    %scan3A_18 = arith.constant 1 : i32
    %scan3A_19 = scf.for %scan3A_27 = %scan3A_15 to %scan3A_17 step %scan3A_18 iter_args(%scan3A_28 = %scan3A_14) -> (i32)  : i32 {
      %mul3A_29 = arith.constant 80 : i32
      %mul3A_30 = arith.muli %scan3A_27, %mul3A_29 : i32
      %add3A = arith.addi %mul3A_9, %mul3A_30 : i32
      "tpu.region"() ({
        %run_scoped3A = tpu.sem_alloc : memref<!tpu.dma_semaphore, #tpu.memory_space<semaphore_mem>>
        %dma_start3A = tpu.memref_slice %arg2[%add3A] : memref<160000xi32, #tpu.memory_space<hbm>> -> memref<80xi32, #tpu.memory_space<hbm>>
        %dma_start3A_130 = tpu.memref_slice %arg2[%add3A] : memref<160000xi32, #tpu.memory_space<hbm>> -> memref<80xi32, #tpu.memory_space<hbm>>
        tpu.enqueue_dma source(%dma_start3A_130 : memref<80xi32, #tpu.memory_space<hbm>>) target(%arg9 : memref<80xi32, #tpu.memory_space<vmem>>) target_semaphore(%run_scoped3A : memref<!tpu.dma_semaphore, #tpu.memory_space<semaphore_mem>>)
        %dma_wait3A = tpu.memref_slice %arg2[%add3A] : memref<160000xi32, #tpu.memory_space<hbm>> -> memref<80xi32, #tpu.memory_space<hbm>>
        %dma_wait3A_131 = tpu.memref_slice %arg2[%add3A] : memref<160000xi32, #tpu.memory_space<hbm>> -> memref<80xi32, #tpu.memory_space<hbm>>
        tpu.wait_dma2 semaphore(%run_scoped3A : memref<!tpu.dma_semaphore, #tpu.memory_space<semaphore_mem>>) src(%dma_wait3A_131 : memref<80xi32, #tpu.memory_space<hbm>>) dst(%arg9 : memref<80xi32, #tpu.memory_space<vmem>>)
        tpu.yield
      }) : () -> ()
      "tpu.region"() ({
        %run_scoped3A = tpu.sem_alloc : memref<!tpu.dma_semaphore, #tpu.memory_space<semaphore_mem>>
        %dma_start3A = tpu.memref_slice %arg3[%add3A] : memref<160000xi32, #tpu.memory_space<hbm>> -> memref<80xi32, #tpu.memory_space<hbm>>
        %dma_start3A_130 = tpu.memref_slice %arg3[%add3A] : memref<160000xi32, #tpu.memory_space<hbm>> -> memref<80xi32, #tpu.memory_space<hbm>>
        tpu.enqueue_dma source(%dma_start3A_130 : memref<80xi32, #tpu.memory_space<hbm>>) target(%arg10 : memref<80xi32, #tpu.memory_space<vmem>>) target_semaphore(%run_scoped3A : memref<!tpu.dma_semaphore, #tpu.memory_space<semaphore_mem>>)
        %dma_wait3A = tpu.memref_slice %arg3[%add3A] : memref<160000xi32, #tpu.memory_space<hbm>> -> memref<80xi32, #tpu.memory_space<hbm>>
        %dma_wait3A_131 = tpu.memref_slice %arg3[%add3A] : memref<160000xi32, #tpu.memory_space<hbm>> -> memref<80xi32, #tpu.memory_space<hbm>>
        tpu.wait_dma2 semaphore(%run_scoped3A : memref<!tpu.dma_semaphore, #tpu.memory_space<semaphore_mem>>) src(%dma_wait3A_131 : memref<80xi32, #tpu.memory_space<hbm>>) dst(%arg10 : memref<80xi32, #tpu.memory_space<vmem>>)
        tpu.yield
      }) : () -> ()
      "tpu.region"() ({
        %run_scoped3A = tpu.sem_alloc : memref<!tpu.dma_semaphore, #tpu.memory_space<semaphore_mem>>
        %dma_start3A = tpu.memref_slice %arg4[%add3A] : memref<160000xi32, #tpu.memory_space<hbm>> -> memref<80xi32, #tpu.memory_space<hbm>>
        %dma_start3A_130 = tpu.memref_slice %arg4[%add3A] : memref<160000xi32, #tpu.memory_space<hbm>> -> memref<80xi32, #tpu.memory_space<hbm>>
        tpu.enqueue_dma source(%dma_start3A_130 : memref<80xi32, #tpu.memory_space<hbm>>) target(%arg11 : memref<80xi32, #tpu.memory_space<vmem>>) target_semaphore(%run_scoped3A : memref<!tpu.dma_semaphore, #tpu.memory_space<semaphore_mem>>)
        %dma_wait3A = tpu.memref_slice %arg4[%add3A] : memref<160000xi32, #tpu.memory_space<hbm>> -> memref<80xi32, #tpu.memory_space<hbm>>
        %dma_wait3A_131 = tpu.memref_slice %arg4[%add3A] : memref<160000xi32, #tpu.memory_space<hbm>> -> memref<80xi32, #tpu.memory_space<hbm>>
        tpu.wait_dma2 semaphore(%run_scoped3A : memref<!tpu.dma_semaphore, #tpu.memory_space<semaphore_mem>>) src(%dma_wait3A_131 : memref<80xi32, #tpu.memory_space<hbm>>) dst(%arg11 : memref<80xi32, #tpu.memory_space<vmem>>)
        tpu.yield
      }) : () -> ()
      %get3A = arith.constant 0 : index
      %get3A_31 = tpu.vector_load %arg10[%get3A] {strides = array<i32>} : memref<80xi32, #tpu.memory_space<vmem>>, vector<16xi32>,
      %get3A_32 = arith.constant 0 : index
      %get3A_33 = tpu.vector_load %arg11[%get3A_32] {strides = array<i32>} : memref<80xi32, #tpu.memory_space<vmem>>, vector<16xi32>,
      %mul3A_34 = arith.constant 10000 : i32
      %mul3A_35 = vector.broadcast %mul3A_34 : i32 to vector<16xi32>
      %mul3A_36 = arith.muli %get3A_33, %mul3A_35 : vector<16xi32>
      %add3A_37 = arith.addi %get3A_31, %mul3A_36 : vector<16xi32>
      %add3A_38 = vector.broadcast %mul3A_13 : i32 to vector<16xi32>
      %add3A_39 = arith.addi %add3A_37, %add3A_38 : vector<16xi32>
      %swap3A = arith.constant 0 : index
      %swap3A_40 = tpu.vector_load %arg12[%swap3A] {strides = array<i32>} : memref<80xi32, #tpu.memory_space<vmem>>, vector<16xi32>,
      tpu.vector_store %arg12[%swap3A], %add3A_39 {strides = array<i32>} : memref<80xi32, #tpu.memory_space<vmem>>, vector<16xi32>,
      %get3A_41 = arith.constant 0 : index
      %get3A_42 = tpu.vector_load %arg9[%get3A_41] {strides = array<i32>} : memref<80xi32, #tpu.memory_space<vmem>>, vector<16xi32>,
      %add3A_43 = vector.broadcast %mul3A_11 : i32 to vector<16xi32>
      %add3A_44 = arith.addi %get3A_42, %add3A_43 : vector<16xi32>
      %swap3A_45 = arith.constant 0 : index
      %swap3A_46 = tpu.vector_load %arg9[%swap3A_45] {strides = array<i32>} : memref<80xi32, #tpu.memory_space<vmem>>, vector<16xi32>,
      tpu.vector_store %arg9[%swap3A_45], %add3A_44 {strides = array<i32>} : memref<80xi32, #tpu.memory_space<vmem>>, vector<16xi32>,
      %get3A_47 = arith.constant 16 : index
      %get3A_48 = tpu.vector_load %arg10[%get3A_47] {strides = array<i32>} : memref<80xi32, #tpu.memory_space<vmem>>, vector<16xi32>,
      %get3A_49 = arith.constant 16 : index
      %get3A_50 = tpu.vector_load %arg11[%get3A_49] {strides = array<i32>} : memref<80xi32, #tpu.memory_space<vmem>>, vector<16xi32>,
      %mul3A_51 = arith.constant 10000 : i32
      %mul3A_52 = vector.broadcast %mul3A_51 : i32 to vector<16xi32>
      %mul3A_53 = arith.muli %get3A_50, %mul3A_52 : vector<16xi32>
      %add3A_54 = arith.addi %get3A_48, %mul3A_53 : vector<16xi32>
      %add3A_55 = vector.broadcast %mul3A_13 : i32 to vector<16xi32>
      %add3A_56 = arith.addi %add3A_54, %add3A_55 : vector<16xi32>
      %swap3A_57 = arith.constant 16 : index
      %swap3A_58 = tpu.vector_load %arg12[%swap3A_57] {strides = array<i32>} : memref<80xi32, #tpu.memory_space<vmem>>, vector<16xi32>,
      tpu.vector_store %arg12[%swap3A_57], %add3A_56 {strides = array<i32>} : memref<80xi32, #tpu.memory_space<vmem>>, vector<16xi32>,
      %get3A_59 = arith.constant 16 : index
      %get3A_60 = tpu.vector_load %arg9[%get3A_59] {strides = array<i32>} : memref<80xi32, #tpu.memory_space<vmem>>, vector<16xi32>,
      %add3A_61 = vector.broadcast %mul3A_11 : i32 to vector<16xi32>
      %add3A_62 = arith.addi %get3A_60, %add3A_61 : vector<16xi32>
      %swap3A_63 = arith.constant 16 : index
      %swap3A_64 = tpu.vector_load %arg9[%swap3A_63] {strides = array<i32>} : memref<80xi32, #tpu.memory_space<vmem>>, vector<16xi32>,
      tpu.vector_store %arg9[%swap3A_63], %add3A_62 {strides = array<i32>} : memref<80xi32, #tpu.memory_space<vmem>>, vector<16xi32>,
      %get3A_65 = arith.constant 32 : index
      %get3A_66 = tpu.vector_load %arg10[%get3A_65] {strides = array<i32>} : memref<80xi32, #tpu.memory_space<vmem>>, vector<16xi32>,
      %get3A_67 = arith.constant 32 : index
      %get3A_68 = tpu.vector_load %arg11[%get3A_67] {strides = array<i32>} : memref<80xi32, #tpu.memory_space<vmem>>, vector<16xi32>,
      %mul3A_69 = arith.constant 10000 : i32
      %mul3A_70 = vector.broadcast %mul3A_69 : i32 to vector<16xi32>
      %mul3A_71 = arith.muli %get3A_68, %mul3A_70 : vector<16xi32>
      %add3A_72 = arith.addi %get3A_66, %mul3A_71 : vector<16xi32>
      %add3A_73 = vector.broadcast %mul3A_13 : i32 to vector<16xi32>
      %add3A_74 = arith.addi %add3A_72, %add3A_73 : vector<16xi32>
      %swap3A_75 = arith.constant 32 : index
      %swap3A_76 = tpu.vector_load %arg12[%swap3A_75] {strides = array<i32>} : memref<80xi32, #tpu.memory_space<vmem>>, vector<16xi32>,
      tpu.vector_store %arg12[%swap3A_75], %add3A_74 {strides = array<i32>} : memref<80xi32, #tpu.memory_space<vmem>>, vector<16xi32>,
      %get3A_77 = arith.constant 32 : index
      %get3A_78 = tpu.vector_load %arg9[%get3A_77] {strides = array<i32>} : memref<80xi32, #tpu.memory_space<vmem>>, vector<16xi32>,
      %add3A_79 = vector.broadcast %mul3A_11 : i32 to vector<16xi32>
      %add3A_80 = arith.addi %get3A_78, %add3A_79 : vector<16xi32>
      %swap3A_81 = arith.constant 32 : index
      %swap3A_82 = tpu.vector_load %arg9[%swap3A_81] {strides = array<i32>} : memref<80xi32, #tpu.memory_space<vmem>>, vector<16xi32>,
      tpu.vector_store %arg9[%swap3A_81], %add3A_80 {strides = array<i32>} : memref<80xi32, #tpu.memory_space<vmem>>, vector<16xi32>,
      %get3A_83 = arith.constant 48 : index
      %get3A_84 = tpu.vector_load %arg10[%get3A_83] {strides = array<i32>} : memref<80xi32, #tpu.memory_space<vmem>>, vector<16xi32>,
      %get3A_85 = arith.constant 48 : index
      %get3A_86 = tpu.vector_load %arg11[%get3A_85] {strides = array<i32>} : memref<80xi32, #tpu.memory_space<vmem>>, vector<16xi32>,
      %mul3A_87 = arith.constant 10000 : i32
      %mul3A_88 = vector.broadcast %mul3A_87 : i32 to vector<16xi32>
      %mul3A_89 = arith.muli %get3A_86, %mul3A_88 : vector<16xi32>
      %add3A_90 = arith.addi %get3A_84, %mul3A_89 : vector<16xi32>
      %add3A_91 = vector.broadcast %mul3A_13 : i32 to vector<16xi32>
      %add3A_92 = arith.addi %add3A_90, %add3A_91 : vector<16xi32>
      %swap3A_93 = arith.constant 48 : index
      %swap3A_94 = tpu.vector_load %arg12[%swap3A_93] {strides = array<i32>} : memref<80xi32, #tpu.memory_space<vmem>>, vector<16xi32>,
      tpu.vector_store %arg12[%swap3A_93], %add3A_92 {strides = array<i32>} : memref<80xi32, #tpu.memory_space<vmem>>, vector<16xi32>,
      %get3A_95 = arith.constant 48 : index
      %get3A_96 = tpu.vector_load %arg9[%get3A_95] {strides = array<i32>} : memref<80xi32, #tpu.memory_space<vmem>>, vector<16xi32>,
      %add3A_97 = vector.broadcast %mul3A_11 : i32 to vector<16xi32>
      %add3A_98 = arith.addi %get3A_96, %add3A_97 : vector<16xi32>
      %swap3A_99 = arith.constant 48 : index
      %swap3A_100 = tpu.vector_load %arg9[%swap3A_99] {strides = array<i32>} : memref<80xi32, #tpu.memory_space<vmem>>, vector<16xi32>,
      tpu.vector_store %arg9[%swap3A_99], %add3A_98 {strides = array<i32>} : memref<80xi32, #tpu.memory_space<vmem>>, vector<16xi32>,
      %get3A_101 = arith.constant 64 : index
      %get3A_102 = tpu.vector_load %arg10[%get3A_101] {strides = array<i32>} : memref<80xi32, #tpu.memory_space<vmem>>, vector<16xi32>,
      %get3A_103 = arith.constant 64 : index
      %get3A_104 = tpu.vector_load %arg11[%get3A_103] {strides = array<i32>} : memref<80xi32, #tpu.memory_space<vmem>>, vector<16xi32>,
      %mul3A_105 = arith.constant 10000 : i32
      %mul3A_106 = vector.broadcast %mul3A_105 : i32 to vector<16xi32>
      %mul3A_107 = arith.muli %get3A_104, %mul3A_106 : vector<16xi32>
      %add3A_108 = arith.addi %get3A_102, %mul3A_107 : vector<16xi32>
      %add3A_109 = vector.broadcast %mul3A_13 : i32 to vector<16xi32>
      %add3A_110 = arith.addi %add3A_108, %add3A_109 : vector<16xi32>
      %swap3A_111 = arith.constant 64 : index
      %swap3A_112 = tpu.vector_load %arg12[%swap3A_111] {strides = array<i32>} : memref<80xi32, #tpu.memory_space<vmem>>, vector<16xi32>,
      tpu.vector_store %arg12[%swap3A_111], %add3A_110 {strides = array<i32>} : memref<80xi32, #tpu.memory_space<vmem>>, vector<16xi32>,
      %get3A_113 = arith.constant 64 : index
      %get3A_114 = tpu.vector_load %arg9[%get3A_113] {strides = array<i32>} : memref<80xi32, #tpu.memory_space<vmem>>, vector<16xi32>,
      %add3A_115 = vector.broadcast %mul3A_11 : i32 to vector<16xi32>
      %add3A_116 = arith.addi %get3A_114, %add3A_115 : vector<16xi32>
      %swap3A_117 = arith.constant 64 : index
      %swap3A_118 = tpu.vector_load %arg9[%swap3A_117] {strides = array<i32>} : memref<80xi32, #tpu.memory_space<vmem>>, vector<16xi32>,
      tpu.vector_store %arg9[%swap3A_117], %add3A_116 {strides = array<i32>} : memref<80xi32, #tpu.memory_space<vmem>>, vector<16xi32>,
      "tpu.region"() ({
        %run_scoped3A = tpu.sem_alloc : memref<!tpu.dma_semaphore, #tpu.memory_space<semaphore_mem>>
        %dma_start3A = arith.constant 0 : i32
        %dma_start3A_130 = arith.constant 0 : i32
        %dma_start3A_131 = tpu.memref_slice %arg5[%dma_start3A, %dma_start3A_130] : memref<20000x16xf32, #tpu.memory_space<hbm>> -> memref<20000x16xf32, #tpu.memory_space<hbm>>
        tpu.enqueue_indirect_dma source(%dma_start3A_131 : memref<20000x16xf32, #tpu.memory_space<hbm>>) target(%arg13 : memref<80x16xf32, #tpu.memory_space<vmem>>) offsets(%arg9 : memref<80xi32, #tpu.memory_space<vmem>>) semaphore(%run_scoped3A : memref<!tpu.dma_semaphore, #tpu.memory_space<semaphore_mem>>)
        %dma_wait3A = arith.constant 0 : i32
        %dma_wait3A_132 = arith.constant 0 : i32
        %dma_wait3A_133 = tpu.memref_slice %arg5[%dma_wait3A, %dma_wait3A_132] : memref<20000x16xf32, #tpu.memory_space<hbm>> -> memref<20000x16xf32, #tpu.memory_space<hbm>>
        tpu.wait_indirect_dma semaphore(%run_scoped3A : memref<!tpu.dma_semaphore, #tpu.memory_space<semaphore_mem>>) src(%dma_wait3A_133 : memref<20000x16xf32, #tpu.memory_space<hbm>>) dst(%arg13 : memref<80x16xf32, #tpu.memory_space<vmem>>)
        tpu.yield
      }) : () -> ()
      "tpu.region"() ({
        %run_scoped3A = tpu.sem_alloc : memref<!tpu.dma_semaphore, #tpu.memory_space<semaphore_mem>>
        %dma_start3A = arith.constant 0 : i32
        %dma_start3A_130 = arith.constant 0 : i32
        %dma_start3A_131 = tpu.memref_slice %arg6[%dma_start3A, %dma_start3A_130] : memref<40000x16xf32, #tpu.memory_space<hbm>> -> memref<40000x16xf32, #tpu.memory_space<hbm>>
        tpu.enqueue_indirect_dma source(%dma_start3A_131 : memref<40000x16xf32, #tpu.memory_space<hbm>>) target(%arg14 : memref<80x16xf32, #tpu.memory_space<vmem>>) offsets(%arg12 : memref<80xi32, #tpu.memory_space<vmem>>) semaphore(%run_scoped3A : memref<!tpu.dma_semaphore, #tpu.memory_space<semaphore_mem>>)
        %dma_wait3A = arith.constant 0 : i32
        %dma_wait3A_132 = arith.constant 0 : i32
        %dma_wait3A_133 = tpu.memref_slice %arg6[%dma_wait3A, %dma_wait3A_132] : memref<40000x16xf32, #tpu.memory_space<hbm>> -> memref<40000x16xf32, #tpu.memory_space<hbm>>
        tpu.wait_indirect_dma semaphore(%run_scoped3A : memref<!tpu.dma_semaphore, #tpu.memory_space<semaphore_mem>>) src(%dma_wait3A_133 : memref<40000x16xf32, #tpu.memory_space<hbm>>) dst(%arg14 : memref<80x16xf32, #tpu.memory_space<vmem>>)
        tpu.yield
      }) : () -> ()
      %scan3A_119 = arith.constant 0 : i32
      %scan3A_120 = arith.constant 0 : i32
      %scan3A_121 = arith.constant 80 : i32
      %scan3A_122 = arith.addi %scan3A_120, %scan3A_121 : i32
      %scan3A_123 = arith.constant 1 : i32
      %scan3A_124 = scf.for %scan3A_130 = %scan3A_120 to %scan3A_122 step %scan3A_123 iter_args(%scan3A_131 = %scan3A_119) -> (i32)  : i32 {
        %get3A_132 = arith.index_cast %scan3A_130 : i32 to index
        %get3A_133 = arith.constant 0 : index
        %get3A_134 = tpu.vector_load %arg13[%get3A_132, %get3A_133] {strides = array<i32>} : memref<80x16xf32, #tpu.memory_space<vmem>>, vector<16xf32>,
        %get3A_135 = arith.index_cast %scan3A_130 : i32 to index
        %get3A_136 = arith.constant 0 : index
        %get3A_137 = tpu.vector_load %arg14[%get3A_135, %get3A_136] {strides = array<i32>} : memref<80x16xf32, #tpu.memory_space<vmem>>, vector<16xf32>,
        %add3A_138 = arith.addf %get3A_134, %get3A_137 : vector<16xf32>
        %ge3A = arith.constant 0.000000e+00 : f32
        %ge3A_139 = vector.broadcast %ge3A : f32 to vector<16xf32>
        %ge3A_140 = arith.cmpf oge, %add3A_138, %ge3A_139 : vector<16xf32>
        %mul3A_141 = arith.constant 2.000000e-01 : f32
        %mul3A_142 = vector.broadcast %mul3A_141 : f32 to vector<16xf32>
        %mul3A_143 = arith.mulf %mul3A_142, %add3A_138 : vector<16xf32>
        %select_n3A = arith.select %ge3A_140, %add3A_138, %mul3A_143 : vector<16xi1>, vector<16xf32>
        %exp3A = math.exp %select_n3A : vector<16xf32>
        %swap3A_144 = arith.index_cast %scan3A_130 : i32 to index
        %swap3A_145 = arith.constant 0 : index
        %swap3A_146 = tpu.vector_load %arg15[%swap3A_144, %swap3A_145] {strides = array<i32>} : memref<80x16xf32, #tpu.memory_space<vmem>>, vector<16xf32>,
        tpu.vector_store %arg15[%swap3A_144, %swap3A_145], %exp3A {strides = array<i32>} : memref<80x16xf32, #tpu.memory_space<vmem>>, vector<16xf32>,
        %scan3A_147 = arith.constant 0 : i32
        scf.yield %scan3A_147 : i32
      }
      %scan3A_125 = arith.constant 80 : i32
      %mul3A_126 = arith.constant 160000 : i32
      %mul3A_127 = arith.muli %arg0, %mul3A_126 : i32
      %add3A_128 = arith.addi %mul3A_127, %add3A : i32
      "tpu.region"() ({
        %run_scoped3A = tpu.sem_alloc : memref<!tpu.dma_semaphore, #tpu.memory_space<semaphore_mem>>
        %dma_start3A = arith.constant 0 : i32
        %dma_start3A_130 = tpu.memref_slice %arg7[%add3A_128, %dma_start3A] : memref<320000x16xf32, #tpu.memory_space<hbm>> -> memref<80x16xf32, #tpu.memory_space<hbm>>
        %dma_start3A_131 = arith.constant 0 : i32
        %dma_start3A_132 = tpu.memref_slice %arg7[%add3A_128, %dma_start3A_131] : memref<320000x16xf32, #tpu.memory_space<hbm>> -> memref<80x16xf32, #tpu.memory_space<hbm>>
        tpu.enqueue_dma source(%arg15 : memref<80x16xf32, #tpu.memory_space<vmem>>) target(%dma_start3A_132 : memref<80x16xf32, #tpu.memory_space<hbm>>) target_semaphore(%run_scoped3A : memref<!tpu.dma_semaphore, #tpu.memory_space<semaphore_mem>>)
        %dma_wait3A = arith.constant 0 : i32
        %dma_wait3A_133 = tpu.memref_slice %arg7[%add3A_128, %dma_wait3A] : memref<320000x16xf32, #tpu.memory_space<hbm>> -> memref<80x16xf32, #tpu.memory_space<hbm>>
        %dma_wait3A_134 = arith.constant 0 : i32
        %dma_wait3A_135 = tpu.memref_slice %arg7[%add3A_128, %dma_wait3A_134] : memref<320000x16xf32, #tpu.memory_space<hbm>> -> memref<80x16xf32, #tpu.memory_space<hbm>>
        tpu.wait_dma2 semaphore(%run_scoped3A : memref<!tpu.dma_semaphore, #tpu.memory_space<semaphore_mem>>) src(%arg15 : memref<80x16xf32, #tpu.memory_space<vmem>>) dst(%dma_wait3A_135 : memref<80x16xf32, #tpu.memory_space<hbm>>)
        tpu.yield
      }) : () -> ()
      "tpu.region"() ({
        %run_scoped3A = tpu.sem_alloc : memref<!tpu.dma_semaphore, #tpu.memory_space<semaphore_mem>>
        %dma_start3A = arith.constant 0 : i32
        %dma_start3A_130 = arith.constant 0 : i32
        %dma_start3A_131 = tpu.memref_slice %arg17[%dma_start3A, %dma_start3A_130] : memref<10000x16xf32, #tpu.memory_space<vmem_shared>> -> memref<10000x16xf32, #tpu.memory_space<vmem_shared>>
        tpu.enqueue_indirect_dma source(%arg15 : memref<80x16xf32, #tpu.memory_space<vmem>>) target(%dma_start3A_131 : memref<10000x16xf32, #tpu.memory_space<vmem_shared>>) offsets(%arg10 : memref<80xi32, #tpu.memory_space<vmem>>) semaphore(%run_scoped3A : memref<!tpu.dma_semaphore, #tpu.memory_space<semaphore_mem>>) {add = true}
        %dma_wait3A = arith.constant 0 : i32
        %dma_wait3A_132 = arith.constant 0 : i32
        %dma_wait3A_133 = tpu.memref_slice %arg17[%dma_wait3A, %dma_wait3A_132] : memref<10000x16xf32, #tpu.memory_space<vmem_shared>> -> memref<10000x16xf32, #tpu.memory_space<vmem_shared>>
        tpu.wait_indirect_dma semaphore(%run_scoped3A : memref<!tpu.dma_semaphore, #tpu.memory_space<semaphore_mem>>) src(%arg15 : memref<80x16xf32, #tpu.memory_space<vmem>>) dst(%dma_wait3A_133 : memref<10000x16xf32, #tpu.memory_space<vmem_shared>>)
        tpu.yield
      }) : () -> ()
      %scan3A_129 = arith.constant 0 : i32
      scf.yield %scan3A_129 : i32
    }
    %scan3A_20 = arith.constant 125 : i32
    %barrier3A_21 = arith.constant 0 : index
    tpu.barrier barrier_id(%barrier3A_21)
    %lt3A_22 = arith.constant 10 : i32
    %lt3A_23 = arith.cmpi slt, %arg1, %lt3A_22 : i32
    %convert_element_type3A_24 = arith.extui %lt3A_23 : i1 to i32
    %cond3A_25 = arith.constant 0 : i32
    %cond3A_26 = arith.cmpi ne, %convert_element_type3A_24, %cond3A_25 : i32
    scf.if %cond3A_26 {
      %mul3A_27 = arith.constant 1000 : i32
      %mul3A_28 = arith.muli %arg1, %mul3A_27 : i32
      %mul3A_29 = arith.constant 10000 : i32
      %mul3A_30 = arith.muli %arg0, %mul3A_29 : i32
      %mul3A_31 = arith.constant 1000 : i32
      %mul3A_32 = arith.muli %arg1, %mul3A_31 : i32
      %add3A = arith.addi %mul3A_30, %mul3A_32 : i32
      "tpu.region"() ({
        %run_scoped3A = tpu.sem_alloc : memref<!tpu.dma_semaphore, #tpu.memory_space<semaphore_mem>>
        %dma_start3A = arith.constant 0 : i32
        %dma_start3A_33 = tpu.memref_slice %arg8[%add3A, %dma_start3A] : memref<20000x16xf32, #tpu.memory_space<hbm>> -> memref<1000x16xf32, #tpu.memory_space<hbm>>
        %dma_start3A_34 = arith.constant 0 : i32
        %dma_start3A_35 = tpu.memref_slice %arg17[%mul3A_28, %dma_start3A_34] : memref<10000x16xf32, #tpu.memory_space<vmem_shared>> -> memref<1000x16xf32, #tpu.memory_space<vmem_shared>>
        tpu.enqueue_dma source(%dma_start3A_35 : memref<1000x16xf32, #tpu.memory_space<vmem_shared>>) target(%dma_start3A_33 : memref<1000x16xf32, #tpu.memory_space<hbm>>) target_semaphore(%run_scoped3A : memref<!tpu.dma_semaphore, #tpu.memory_space<semaphore_mem>>)
        %dma_wait3A = arith.constant 0 : i32
        %dma_wait3A_36 = tpu.memref_slice %arg8[%add3A, %dma_wait3A] : memref<20000x16xf32, #tpu.memory_space<hbm>> -> memref<1000x16xf32, #tpu.memory_space<hbm>>
        %dma_wait3A_37 = arith.constant 0 : i32
        %dma_wait3A_38 = tpu.memref_slice %arg17[%mul3A_28, %dma_wait3A_37] : memref<10000x16xf32, #tpu.memory_space<vmem_shared>> -> memref<1000x16xf32, #tpu.memory_space<vmem_shared>>
        tpu.wait_dma2 semaphore(%run_scoped3A : memref<!tpu.dma_semaphore, #tpu.memory_space<semaphore_mem>>) src(%dma_wait3A_38 : memref<1000x16xf32, #tpu.memory_space<vmem_shared>>) dst(%dma_wait3A_36 : memref<1000x16xf32, #tpu.memory_space<hbm>>)
        tpu.yield
      }) : () -> ()
    } else {
    }
    return
  }
}

#map = affine_map<(d0, d1) -> (0)>
#map1 = affine_map<(d0, d1) -> (0, 0)>
module attributes {stable_mosaic.version = 14 : i64} {
  func.func @_sc_edge_kernel(%arg0: i32, %arg1: i32, %arg2: memref<160000xi32, #tpu.memory_space<hbm>>, %arg3: memref<160000xi32, #tpu.memory_space<hbm>>, %arg4: memref<160000xi32, #tpu.memory_space<hbm>>, %arg5: memref<20000x16xf32, #tpu.memory_space<hbm>>, %arg6: memref<40000x16xf32, #tpu.memory_space<hbm>>, %arg7: memref<320000x16xf32, #tpu.memory_space<hbm>>, %arg8: memref<20000x16xf32, #tpu.memory_space<hbm>>, %arg9: memref<80xi32, #tpu.memory_space<vmem>>, %arg10: memref<80xi32, #tpu.memory_space<vmem>>, %arg11: memref<80xi32, #tpu.memory_space<vmem>>, %arg12: memref<80xi32, #tpu.memory_space<vmem>>, %arg13: memref<80x16xf32, #tpu.memory_space<vmem>>, %arg14: memref<80x16xf32, #tpu.memory_space<vmem>>, %arg15: memref<80x16xf32, #tpu.memory_space<vmem>>, %arg16: memref<1000x16xf32, #tpu.memory_space<vmem>>, %arg17: memref<10000x16xf32, #tpu.memory_space<vmem_shared>>) attributes {dimension_semantics = [#tpu.dimension_semantics<core_parallel>, #tpu.dimension_semantics<subcore_parallel>], iteration_bounds = array<i64: 2, 16>, scalar_prefetch = 0 : i64, scratch_operands = 9 : i64, tpu.core_type = #tpu.core_type<sc_vector_subcore>, window_params = [{transform_indices = #map}, {transform_indices = #map}, {transform_indices = #map}, {transform_indices = #map1}, {transform_indices = #map1}, {transform_indices = #map1}, {transform_indices = #map1}]} {
    %broadcast_in_dim3A = arith.constant 0.000000e+00 : f32
    %broadcast_in_dim3A_0 = vector.broadcast %broadcast_in_dim3A : f32 to vector<16xf32>
    %scan3A = arith.constant 0 : i32
    %scan3A_1 = arith.constant 0 : i32
    %scan3A_2 = arith.constant 1000 : i32
    %scan3A_3 = arith.addi %scan3A_1, %scan3A_2 : i32
    %scan3A_4 = arith.constant 1 : i32
    %scan3A_5 = scf.for %scan3A_27 = %scan3A_1 to %scan3A_3 step %scan3A_4 iter_args(%scan3A_28 = %scan3A) -> (i32)  : i32 {
      %swap3A = arith.index_cast %scan3A_27 : i32 to index
      %swap3A_29 = arith.constant 0 : index
      %swap3A_30 = tpu.vector_load %arg16[%swap3A, %swap3A_29] {strides = array<i32>} : memref<1000x16xf32, #tpu.memory_space<vmem>>, vector<16xf32>,
      tpu.vector_store %arg16[%swap3A, %swap3A_29], %broadcast_in_dim3A_0 {strides = array<i32>} : memref<1000x16xf32, #tpu.memory_space<vmem>>, vector<16xf32>,
      %scan3A_31 = arith.constant 0 : i32
      scf.yield %scan3A_31 : i32
    }
    %scan3A_6 = arith.constant 1000 : i32
    %lt3A = arith.constant 10 : i32
    %lt3A_7 = arith.cmpi slt, %arg1, %lt3A : i32
    %convert_element_type3A = arith.extui %lt3A_7 : i1 to i32
    %cond3A = arith.constant 0 : i32
    %cond3A_8 = arith.cmpi ne, %convert_element_type3A, %cond3A : i32
    scf.if %cond3A_8 {
      %mul3A_27 = arith.constant 1000 : i32
      %mul3A_28 = arith.muli %arg1, %mul3A_27 : i32
      "tpu.region"() ({
        %run_scoped3A = tpu.sem_alloc : memref<!tpu.dma_semaphore, #tpu.memory_space<semaphore_mem>>
        %dma_start3A = arith.constant 0 : i32
        %dma_start3A_29 = tpu.memref_slice %arg17[%mul3A_28, %dma_start3A] : memref<10000x16xf32, #tpu.memory_space<vmem_shared>> -> memref<1000x16xf32, #tpu.memory_space<vmem_shared>>
        %dma_start3A_30 = arith.constant 0 : i32
        %dma_start3A_31 = tpu.memref_slice %arg17[%mul3A_28, %dma_start3A_30] : memref<10000x16xf32, #tpu.memory_space<vmem_shared>> -> memref<1000x16xf32, #tpu.memory_space<vmem_shared>>
        tpu.enqueue_dma source(%arg16 : memref<1000x16xf32, #tpu.memory_space<vmem>>) target(%dma_start3A_31 : memref<1000x16xf32, #tpu.memory_space<vmem_shared>>) target_semaphore(%run_scoped3A : memref<!tpu.dma_semaphore, #tpu.memory_space<semaphore_mem>>)
        %dma_wait3A = arith.constant 0 : i32
        %dma_wait3A_32 = tpu.memref_slice %arg17[%mul3A_28, %dma_wait3A] : memref<10000x16xf32, #tpu.memory_space<vmem_shared>> -> memref<1000x16xf32, #tpu.memory_space<vmem_shared>>
        %dma_wait3A_33 = arith.constant 0 : i32
        %dma_wait3A_34 = tpu.memref_slice %arg17[%mul3A_28, %dma_wait3A_33] : memref<10000x16xf32, #tpu.memory_space<vmem_shared>> -> memref<1000x16xf32, #tpu.memory_space<vmem_shared>>
        tpu.wait_dma2 semaphore(%run_scoped3A : memref<!tpu.dma_semaphore, #tpu.memory_space<semaphore_mem>>) src(%arg16 : memref<1000x16xf32, #tpu.memory_space<vmem>>) dst(%dma_wait3A_34 : memref<1000x16xf32, #tpu.memory_space<vmem_shared>>)
        tpu.yield
      }) : () -> ()
    } else {
    }
    %barrier3A = arith.constant 0 : index
    tpu.barrier barrier_id(%barrier3A)
    %mul3A = arith.constant 10000 : i32
    %mul3A_9 = arith.muli %arg1, %mul3A : i32
    %mul3A_10 = arith.constant 10000 : i32
    %mul3A_11 = arith.muli %arg0, %mul3A_10 : i32
    %mul3A_12 = arith.constant 20000 : i32
    %mul3A_13 = arith.muli %arg0, %mul3A_12 : i32
    %scan3A_14 = arith.constant 0 : i32
    %scan3A_15 = arith.constant 0 : i32
    %scan3A_16 = arith.constant 125 : i32
    %scan3A_17 = arith.addi %scan3A_15, %scan3A_16 : i32
    %scan3A_18 = arith.constant 1 : i32
    %scan3A_19 = scf.for %scan3A_27 = %scan3A_15 to %scan3A_17 step %scan3A_18 iter_args(%scan3A_28 = %scan3A_14) -> (i32)  : i32 {
      %mul3A_29 = arith.constant 80 : i32
      %mul3A_30 = arith.muli %scan3A_27, %mul3A_29 : i32
      %add3A = arith.addi %mul3A_9, %mul3A_30 : i32
      "tpu.region"() ({
        %run_scoped3A = tpu.sem_alloc : memref<!tpu.dma_semaphore, #tpu.memory_space<semaphore_mem>>
        %dma_start3A = tpu.memref_slice %arg2[%add3A] : memref<160000xi32, #tpu.memory_space<hbm>> -> memref<80xi32, #tpu.memory_space<hbm>>
        %dma_start3A_130 = tpu.memref_slice %arg2[%add3A] : memref<160000xi32, #tpu.memory_space<hbm>> -> memref<80xi32, #tpu.memory_space<hbm>>
        tpu.enqueue_dma source(%dma_start3A_130 : memref<80xi32, #tpu.memory_space<hbm>>) target(%arg9 : memref<80xi32, #tpu.memory_space<vmem>>) target_semaphore(%run_scoped3A : memref<!tpu.dma_semaphore, #tpu.memory_space<semaphore_mem>>)
        %dma_wait3A = tpu.memref_slice %arg2[%add3A] : memref<160000xi32, #tpu.memory_space<hbm>> -> memref<80xi32, #tpu.memory_space<hbm>>
        %dma_wait3A_131 = tpu.memref_slice %arg2[%add3A] : memref<160000xi32, #tpu.memory_space<hbm>> -> memref<80xi32, #tpu.memory_space<hbm>>
        tpu.wait_dma2 semaphore(%run_scoped3A : memref<!tpu.dma_semaphore, #tpu.memory_space<semaphore_mem>>) src(%dma_wait3A_131 : memref<80xi32, #tpu.memory_space<hbm>>) dst(%arg9 : memref<80xi32, #tpu.memory_space<vmem>>)
        tpu.yield
      }) : () -> ()
      "tpu.region"() ({
        %run_scoped3A = tpu.sem_alloc : memref<!tpu.dma_semaphore, #tpu.memory_space<semaphore_mem>>
        %dma_start3A = tpu.memref_slice %arg3[%add3A] : memref<160000xi32, #tpu.memory_space<hbm>> -> memref<80xi32, #tpu.memory_space<hbm>>
        %dma_start3A_130 = tpu.memref_slice %arg3[%add3A] : memref<160000xi32, #tpu.memory_space<hbm>> -> memref<80xi32, #tpu.memory_space<hbm>>
        tpu.enqueue_dma source(%dma_start3A_130 : memref<80xi32, #tpu.memory_space<hbm>>) target(%arg10 : memref<80xi32, #tpu.memory_space<vmem>>) target_semaphore(%run_scoped3A : memref<!tpu.dma_semaphore, #tpu.memory_space<semaphore_mem>>)
        %dma_wait3A = tpu.memref_slice %arg3[%add3A] : memref<160000xi32, #tpu.memory_space<hbm>> -> memref<80xi32, #tpu.memory_space<hbm>>
        %dma_wait3A_131 = tpu.memref_slice %arg3[%add3A] : memref<160000xi32, #tpu.memory_space<hbm>> -> memref<80xi32, #tpu.memory_space<hbm>>
        tpu.wait_dma2 semaphore(%run_scoped3A : memref<!tpu.dma_semaphore, #tpu.memory_space<semaphore_mem>>) src(%dma_wait3A_131 : memref<80xi32, #tpu.memory_space<hbm>>) dst(%arg10 : memref<80xi32, #tpu.memory_space<vmem>>)
        tpu.yield
      }) : () -> ()
      "tpu.region"() ({
        %run_scoped3A = tpu.sem_alloc : memref<!tpu.dma_semaphore, #tpu.memory_space<semaphore_mem>>
        %dma_start3A = tpu.memref_slice %arg4[%add3A] : memref<160000xi32, #tpu.memory_space<hbm>> -> memref<80xi32, #tpu.memory_space<hbm>>
        %dma_start3A_130 = tpu.memref_slice %arg4[%add3A] : memref<160000xi32, #tpu.memory_space<hbm>> -> memref<80xi32, #tpu.memory_space<hbm>>
        tpu.enqueue_dma source(%dma_start3A_130 : memref<80xi32, #tpu.memory_space<hbm>>) target(%arg11 : memref<80xi32, #tpu.memory_space<vmem>>) target_semaphore(%run_scoped3A : memref<!tpu.dma_semaphore, #tpu.memory_space<semaphore_mem>>)
        %dma_wait3A = tpu.memref_slice %arg4[%add3A] : memref<160000xi32, #tpu.memory_space<hbm>> -> memref<80xi32, #tpu.memory_space<hbm>>
        %dma_wait3A_131 = tpu.memref_slice %arg4[%add3A] : memref<160000xi32, #tpu.memory_space<hbm>> -> memref<80xi32, #tpu.memory_space<hbm>>
        tpu.wait_dma2 semaphore(%run_scoped3A : memref<!tpu.dma_semaphore, #tpu.memory_space<semaphore_mem>>) src(%dma_wait3A_131 : memref<80xi32, #tpu.memory_space<hbm>>) dst(%arg11 : memref<80xi32, #tpu.memory_space<vmem>>)
        tpu.yield
      }) : () -> ()
      %get3A = arith.constant 0 : index
      %get3A_31 = tpu.vector_load %arg10[%get3A] {strides = array<i32>} : memref<80xi32, #tpu.memory_space<vmem>>, vector<16xi32>,
      %get3A_32 = arith.constant 0 : index
      %get3A_33 = tpu.vector_load %arg11[%get3A_32] {strides = array<i32>} : memref<80xi32, #tpu.memory_space<vmem>>, vector<16xi32>,
      %mul3A_34 = arith.constant 10000 : i32
      %mul3A_35 = vector.broadcast %mul3A_34 : i32 to vector<16xi32>
      %mul3A_36 = arith.muli %get3A_33, %mul3A_35 : vector<16xi32>
      %add3A_37 = arith.addi %get3A_31, %mul3A_36 : vector<16xi32>
      %add3A_38 = vector.broadcast %mul3A_13 : i32 to vector<16xi32>
      %add3A_39 = arith.addi %add3A_37, %add3A_38 : vector<16xi32>
      %swap3A = arith.constant 0 : index
      %swap3A_40 = tpu.vector_load %arg12[%swap3A] {strides = array<i32>} : memref<80xi32, #tpu.memory_space<vmem>>, vector<16xi32>,
      tpu.vector_store %arg12[%swap3A], %add3A_39 {strides = array<i32>} : memref<80xi32, #tpu.memory_space<vmem>>, vector<16xi32>,
      %get3A_41 = arith.constant 0 : index
      %get3A_42 = tpu.vector_load %arg9[%get3A_41] {strides = array<i32>} : memref<80xi32, #tpu.memory_space<vmem>>, vector<16xi32>,
      %add3A_43 = vector.broadcast %mul3A_11 : i32 to vector<16xi32>
      %add3A_44 = arith.addi %get3A_42, %add3A_43 : vector<16xi32>
      %swap3A_45 = arith.constant 0 : index
      %swap3A_46 = tpu.vector_load %arg9[%swap3A_45] {strides = array<i32>} : memref<80xi32, #tpu.memory_space<vmem>>, vector<16xi32>,
      tpu.vector_store %arg9[%swap3A_45], %add3A_44 {strides = array<i32>} : memref<80xi32, #tpu.memory_space<vmem>>, vector<16xi32>,
      %get3A_47 = arith.constant 16 : index
      %get3A_48 = tpu.vector_load %arg10[%get3A_47] {strides = array<i32>} : memref<80xi32, #tpu.memory_space<vmem>>, vector<16xi32>,
      %get3A_49 = arith.constant 16 : index
      %get3A_50 = tpu.vector_load %arg11[%get3A_49] {strides = array<i32>} : memref<80xi32, #tpu.memory_space<vmem>>, vector<16xi32>,
      %mul3A_51 = arith.constant 10000 : i32
      %mul3A_52 = vector.broadcast %mul3A_51 : i32 to vector<16xi32>
      %mul3A_53 = arith.muli %get3A_50, %mul3A_52 : vector<16xi32>
      %add3A_54 = arith.addi %get3A_48, %mul3A_53 : vector<16xi32>
      %add3A_55 = vector.broadcast %mul3A_13 : i32 to vector<16xi32>
      %add3A_56 = arith.addi %add3A_54, %add3A_55 : vector<16xi32>
      %swap3A_57 = arith.constant 16 : index
      %swap3A_58 = tpu.vector_load %arg12[%swap3A_57] {strides = array<i32>} : memref<80xi32, #tpu.memory_space<vmem>>, vector<16xi32>,
      tpu.vector_store %arg12[%swap3A_57], %add3A_56 {strides = array<i32>} : memref<80xi32, #tpu.memory_space<vmem>>, vector<16xi32>,
      %get3A_59 = arith.constant 16 : index
      %get3A_60 = tpu.vector_load %arg9[%get3A_59] {strides = array<i32>} : memref<80xi32, #tpu.memory_space<vmem>>, vector<16xi32>,
      %add3A_61 = vector.broadcast %mul3A_11 : i32 to vector<16xi32>
      %add3A_62 = arith.addi %get3A_60, %add3A_61 : vector<16xi32>
      %swap3A_63 = arith.constant 16 : index
      %swap3A_64 = tpu.vector_load %arg9[%swap3A_63] {strides = array<i32>} : memref<80xi32, #tpu.memory_space<vmem>>, vector<16xi32>,
      tpu.vector_store %arg9[%swap3A_63], %add3A_62 {strides = array<i32>} : memref<80xi32, #tpu.memory_space<vmem>>, vector<16xi32>,
      %get3A_65 = arith.constant 32 : index
      %get3A_66 = tpu.vector_load %arg10[%get3A_65] {strides = array<i32>} : memref<80xi32, #tpu.memory_space<vmem>>, vector<16xi32>,
      %get3A_67 = arith.constant 32 : index
      %get3A_68 = tpu.vector_load %arg11[%get3A_67] {strides = array<i32>} : memref<80xi32, #tpu.memory_space<vmem>>, vector<16xi32>,
      %mul3A_69 = arith.constant 10000 : i32
      %mul3A_70 = vector.broadcast %mul3A_69 : i32 to vector<16xi32>
      %mul3A_71 = arith.muli %get3A_68, %mul3A_70 : vector<16xi32>
      %add3A_72 = arith.addi %get3A_66, %mul3A_71 : vector<16xi32>
      %add3A_73 = vector.broadcast %mul3A_13 : i32 to vector<16xi32>
      %add3A_74 = arith.addi %add3A_72, %add3A_73 : vector<16xi32>
      %swap3A_75 = arith.constant 32 : index
      %swap3A_76 = tpu.vector_load %arg12[%swap3A_75] {strides = array<i32>} : memref<80xi32, #tpu.memory_space<vmem>>, vector<16xi32>,
      tpu.vector_store %arg12[%swap3A_75], %add3A_74 {strides = array<i32>} : memref<80xi32, #tpu.memory_space<vmem>>, vector<16xi32>,
      %get3A_77 = arith.constant 32 : index
      %get3A_78 = tpu.vector_load %arg9[%get3A_77] {strides = array<i32>} : memref<80xi32, #tpu.memory_space<vmem>>, vector<16xi32>,
      %add3A_79 = vector.broadcast %mul3A_11 : i32 to vector<16xi32>
      %add3A_80 = arith.addi %get3A_78, %add3A_79 : vector<16xi32>
      %swap3A_81 = arith.constant 32 : index
      %swap3A_82 = tpu.vector_load %arg9[%swap3A_81] {strides = array<i32>} : memref<80xi32, #tpu.memory_space<vmem>>, vector<16xi32>,
      tpu.vector_store %arg9[%swap3A_81], %add3A_80 {strides = array<i32>} : memref<80xi32, #tpu.memory_space<vmem>>, vector<16xi32>,
      %get3A_83 = arith.constant 48 : index
      %get3A_84 = tpu.vector_load %arg10[%get3A_83] {strides = array<i32>} : memref<80xi32, #tpu.memory_space<vmem>>, vector<16xi32>,
      %get3A_85 = arith.constant 48 : index
      %get3A_86 = tpu.vector_load %arg11[%get3A_85] {strides = array<i32>} : memref<80xi32, #tpu.memory_space<vmem>>, vector<16xi32>,
      %mul3A_87 = arith.constant 10000 : i32
      %mul3A_88 = vector.broadcast %mul3A_87 : i32 to vector<16xi32>
      %mul3A_89 = arith.muli %get3A_86, %mul3A_88 : vector<16xi32>
      %add3A_90 = arith.addi %get3A_84, %mul3A_89 : vector<16xi32>
      %add3A_91 = vector.broadcast %mul3A_13 : i32 to vector<16xi32>
      %add3A_92 = arith.addi %add3A_90, %add3A_91 : vector<16xi32>
      %swap3A_93 = arith.constant 48 : index
      %swap3A_94 = tpu.vector_load %arg12[%swap3A_93] {strides = array<i32>} : memref<80xi32, #tpu.memory_space<vmem>>, vector<16xi32>,
      tpu.vector_store %arg12[%swap3A_93], %add3A_92 {strides = array<i32>} : memref<80xi32, #tpu.memory_space<vmem>>, vector<16xi32>,
      %get3A_95 = arith.constant 48 : index
      %get3A_96 = tpu.vector_load %arg9[%get3A_95] {strides = array<i32>} : memref<80xi32, #tpu.memory_space<vmem>>, vector<16xi32>,
      %add3A_97 = vector.broadcast %mul3A_11 : i32 to vector<16xi32>
      %add3A_98 = arith.addi %get3A_96, %add3A_97 : vector<16xi32>
      %swap3A_99 = arith.constant 48 : index
      %swap3A_100 = tpu.vector_load %arg9[%swap3A_99] {strides = array<i32>} : memref<80xi32, #tpu.memory_space<vmem>>, vector<16xi32>,
      tpu.vector_store %arg9[%swap3A_99], %add3A_98 {strides = array<i32>} : memref<80xi32, #tpu.memory_space<vmem>>, vector<16xi32>,
      %get3A_101 = arith.constant 64 : index
      %get3A_102 = tpu.vector_load %arg10[%get3A_101] {strides = array<i32>} : memref<80xi32, #tpu.memory_space<vmem>>, vector<16xi32>,
      %get3A_103 = arith.constant 64 : index
      %get3A_104 = tpu.vector_load %arg11[%get3A_103] {strides = array<i32>} : memref<80xi32, #tpu.memory_space<vmem>>, vector<16xi32>,
      %mul3A_105 = arith.constant 10000 : i32
      %mul3A_106 = vector.broadcast %mul3A_105 : i32 to vector<16xi32>
      %mul3A_107 = arith.muli %get3A_104, %mul3A_106 : vector<16xi32>
      %add3A_108 = arith.addi %get3A_102, %mul3A_107 : vector<16xi32>
      %add3A_109 = vector.broadcast %mul3A_13 : i32 to vector<16xi32>
      %add3A_110 = arith.addi %add3A_108, %add3A_109 : vector<16xi32>
      %swap3A_111 = arith.constant 64 : index
      %swap3A_112 = tpu.vector_load %arg12[%swap3A_111] {strides = array<i32>} : memref<80xi32, #tpu.memory_space<vmem>>, vector<16xi32>,
      tpu.vector_store %arg12[%swap3A_111], %add3A_110 {strides = array<i32>} : memref<80xi32, #tpu.memory_space<vmem>>, vector<16xi32>,
      %get3A_113 = arith.constant 64 : index
      %get3A_114 = tpu.vector_load %arg9[%get3A_113] {strides = array<i32>} : memref<80xi32, #tpu.memory_space<vmem>>, vector<16xi32>,
      %add3A_115 = vector.broadcast %mul3A_11 : i32 to vector<16xi32>
      %add3A_116 = arith.addi %get3A_114, %add3A_115 : vector<16xi32>
      %swap3A_117 = arith.constant 64 : index
      %swap3A_118 = tpu.vector_load %arg9[%swap3A_117] {strides = array<i32>} : memref<80xi32, #tpu.memory_space<vmem>>, vector<16xi32>,
      tpu.vector_store %arg9[%swap3A_117], %add3A_116 {strides = array<i32>} : memref<80xi32, #tpu.memory_space<vmem>>, vector<16xi32>,
      "tpu.region"() ({
        %run_scoped3A = tpu.sem_alloc : memref<!tpu.dma_semaphore, #tpu.memory_space<semaphore_mem>>
        %dma_start3A = arith.constant 0 : i32
        %dma_start3A_130 = arith.constant 0 : i32
        %dma_start3A_131 = tpu.memref_slice %arg5[%dma_start3A, %dma_start3A_130] : memref<20000x16xf32, #tpu.memory_space<hbm>> -> memref<20000x16xf32, #tpu.memory_space<hbm>>
        tpu.enqueue_indirect_dma source(%dma_start3A_131 : memref<20000x16xf32, #tpu.memory_space<hbm>>) target(%arg13 : memref<80x16xf32, #tpu.memory_space<vmem>>) offsets(%arg9 : memref<80xi32, #tpu.memory_space<vmem>>) semaphore(%run_scoped3A : memref<!tpu.dma_semaphore, #tpu.memory_space<semaphore_mem>>)
        %dma_wait3A = arith.constant 0 : i32
        %dma_wait3A_132 = arith.constant 0 : i32
        %dma_wait3A_133 = tpu.memref_slice %arg5[%dma_wait3A, %dma_wait3A_132] : memref<20000x16xf32, #tpu.memory_space<hbm>> -> memref<20000x16xf32, #tpu.memory_space<hbm>>
        tpu.wait_indirect_dma semaphore(%run_scoped3A : memref<!tpu.dma_semaphore, #tpu.memory_space<semaphore_mem>>) src(%dma_wait3A_133 : memref<20000x16xf32, #tpu.memory_space<hbm>>) dst(%arg13 : memref<80x16xf32, #tpu.memory_space<vmem>>)
        tpu.yield
      }) : () -> ()
      "tpu.region"() ({
        %run_scoped3A = tpu.sem_alloc : memref<!tpu.dma_semaphore, #tpu.memory_space<semaphore_mem>>
        %dma_start3A = arith.constant 0 : i32
        %dma_start3A_130 = arith.constant 0 : i32
        %dma_start3A_131 = tpu.memref_slice %arg6[%dma_start3A, %dma_start3A_130] : memref<40000x16xf32, #tpu.memory_space<hbm>> -> memref<40000x16xf32, #tpu.memory_space<hbm>>
        tpu.enqueue_indirect_dma source(%dma_start3A_131 : memref<40000x16xf32, #tpu.memory_space<hbm>>) target(%arg14 : memref<80x16xf32, #tpu.memory_space<vmem>>) offsets(%arg12 : memref<80xi32, #tpu.memory_space<vmem>>) semaphore(%run_scoped3A : memref<!tpu.dma_semaphore, #tpu.memory_space<semaphore_mem>>)
        %dma_wait3A = arith.constant 0 : i32
        %dma_wait3A_132 = arith.constant 0 : i32
        %dma_wait3A_133 = tpu.memref_slice %arg6[%dma_wait3A, %dma_wait3A_132] : memref<40000x16xf32, #tpu.memory_space<hbm>> -> memref<40000x16xf32, #tpu.memory_space<hbm>>
        tpu.wait_indirect_dma semaphore(%run_scoped3A : memref<!tpu.dma_semaphore, #tpu.memory_space<semaphore_mem>>) src(%dma_wait3A_133 : memref<40000x16xf32, #tpu.memory_space<hbm>>) dst(%arg14 : memref<80x16xf32, #tpu.memory_space<vmem>>)
        tpu.yield
      }) : () -> ()
      %scan3A_119 = arith.constant 0 : i32
      %scan3A_120 = arith.constant 0 : i32
      %scan3A_121 = arith.constant 80 : i32
      %scan3A_122 = arith.addi %scan3A_120, %scan3A_121 : i32
      %scan3A_123 = arith.constant 1 : i32
      %scan3A_124 = scf.for %scan3A_130 = %scan3A_120 to %scan3A_122 step %scan3A_123 iter_args(%scan3A_131 = %scan3A_119) -> (i32)  : i32 {
        %get3A_132 = arith.index_cast %scan3A_130 : i32 to index
        %get3A_133 = arith.constant 0 : index
        %get3A_134 = tpu.vector_load %arg13[%get3A_132, %get3A_133] {strides = array<i32>} : memref<80x16xf32, #tpu.memory_space<vmem>>, vector<16xf32>,
        %get3A_135 = arith.index_cast %scan3A_130 : i32 to index
        %get3A_136 = arith.constant 0 : index
        %get3A_137 = tpu.vector_load %arg14[%get3A_135, %get3A_136] {strides = array<i32>} : memref<80x16xf32, #tpu.memory_space<vmem>>, vector<16xf32>,
        %add3A_138 = arith.addf %get3A_134, %get3A_137 : vector<16xf32>
        %ge3A = arith.constant 0.000000e+00 : f32
        %ge3A_139 = vector.broadcast %ge3A : f32 to vector<16xf32>
        %ge3A_140 = arith.cmpf oge, %add3A_138, %ge3A_139 : vector<16xf32>
        %mul3A_141 = arith.constant 2.000000e-01 : f32
        %mul3A_142 = vector.broadcast %mul3A_141 : f32 to vector<16xf32>
        %mul3A_143 = arith.mulf %mul3A_142, %add3A_138 : vector<16xf32>
        %select_n3A = arith.select %ge3A_140, %add3A_138, %mul3A_143 : vector<16xi1>, vector<16xf32>
        %exp3A = math.exp %select_n3A : vector<16xf32>
        %swap3A_144 = arith.index_cast %scan3A_130 : i32 to index
        %swap3A_145 = arith.constant 0 : index
        %swap3A_146 = tpu.vector_load %arg15[%swap3A_144, %swap3A_145] {strides = array<i32>} : memref<80x16xf32, #tpu.memory_space<vmem>>, vector<16xf32>,
        tpu.vector_store %arg15[%swap3A_144, %swap3A_145], %exp3A {strides = array<i32>} : memref<80x16xf32, #tpu.memory_space<vmem>>, vector<16xf32>,
        %scan3A_147 = arith.constant 0 : i32
        scf.yield %scan3A_147 : i32
      }
      %scan3A_125 = arith.constant 80 : i32
      %mul3A_126 = arith.constant 160000 : i32
      %mul3A_127 = arith.muli %arg0, %mul3A_126 : i32
      %add3A_128 = arith.addi %mul3A_127, %add3A : i32
      "tpu.region"() ({
        %run_scoped3A = tpu.sem_alloc : memref<!tpu.dma_semaphore, #tpu.memory_space<semaphore_mem>>
        %dma_start3A = arith.constant 0 : i32
        %dma_start3A_130 = tpu.memref_slice %arg7[%add3A_128, %dma_start3A] : memref<320000x16xf32, #tpu.memory_space<hbm>> -> memref<80x16xf32, #tpu.memory_space<hbm>>
        %dma_start3A_131 = arith.constant 0 : i32
        %dma_start3A_132 = tpu.memref_slice %arg7[%add3A_128, %dma_start3A_131] : memref<320000x16xf32, #tpu.memory_space<hbm>> -> memref<80x16xf32, #tpu.memory_space<hbm>>
        tpu.enqueue_dma source(%arg15 : memref<80x16xf32, #tpu.memory_space<vmem>>) target(%dma_start3A_132 : memref<80x16xf32, #tpu.memory_space<hbm>>) target_semaphore(%run_scoped3A : memref<!tpu.dma_semaphore, #tpu.memory_space<semaphore_mem>>)
        %dma_wait3A = arith.constant 0 : i32
        %dma_wait3A_133 = tpu.memref_slice %arg7[%add3A_128, %dma_wait3A] : memref<320000x16xf32, #tpu.memory_space<hbm>> -> memref<80x16xf32, #tpu.memory_space<hbm>>
        %dma_wait3A_134 = arith.constant 0 : i32
        %dma_wait3A_135 = tpu.memref_slice %arg7[%add3A_128, %dma_wait3A_134] : memref<320000x16xf32, #tpu.memory_space<hbm>> -> memref<80x16xf32, #tpu.memory_space<hbm>>
        tpu.wait_dma2 semaphore(%run_scoped3A : memref<!tpu.dma_semaphore, #tpu.memory_space<semaphore_mem>>) src(%arg15 : memref<80x16xf32, #tpu.memory_space<vmem>>) dst(%dma_wait3A_135 : memref<80x16xf32, #tpu.memory_space<hbm>>)
        tpu.yield
      }) : () -> ()
      "tpu.region"() ({
        %run_scoped3A = tpu.sem_alloc : memref<!tpu.dma_semaphore, #tpu.memory_space<semaphore_mem>>
        %dma_start3A = arith.constant 0 : i32
        %dma_start3A_130 = arith.constant 0 : i32
        %dma_start3A_131 = tpu.memref_slice %arg17[%dma_start3A, %dma_start3A_130] : memref<10000x16xf32, #tpu.memory_space<vmem_shared>> -> memref<10000x16xf32, #tpu.memory_space<vmem_shared>>
        tpu.enqueue_indirect_dma source(%arg15 : memref<80x16xf32, #tpu.memory_space<vmem>>) target(%dma_start3A_131 : memref<10000x16xf32, #tpu.memory_space<vmem_shared>>) offsets(%arg10 : memref<80xi32, #tpu.memory_space<vmem>>) semaphore(%run_scoped3A : memref<!tpu.dma_semaphore, #tpu.memory_space<semaphore_mem>>) {add = true}
        %dma_wait3A = arith.constant 0 : i32
        %dma_wait3A_132 = arith.constant 0 : i32
        %dma_wait3A_133 = tpu.memref_slice %arg17[%dma_wait3A, %dma_wait3A_132] : memref<10000x16xf32, #tpu.memory_space<vmem_shared>> -> memref<10000x16xf32, #tpu.memory_space<vmem_shared>>
        tpu.wait_indirect_dma semaphore(%run_scoped3A : memref<!tpu.dma_semaphore, #tpu.memory_space<semaphore_mem>>) src(%arg15 : memref<80x16xf32, #tpu.memory_space<vmem>>) dst(%dma_wait3A_133 : memref<10000x16xf32, #tpu.memory_space<vmem_shared>>)
        tpu.yield
      }) : () -> ()
      %scan3A_129 = arith.constant 0 : i32
      scf.yield %scan3A_129 : i32
    }
    %scan3A_20 = arith.constant 125 : i32
    %barrier3A_21 = arith.constant 0 : index
    tpu.barrier barrier_id(%barrier3A_21)
    %lt3A_22 = arith.constant 10 : i32
    %lt3A_23 = arith.cmpi slt, %arg1, %lt3A_22 : i32
    %convert_element_type3A_24 = arith.extui %lt3A_23 : i1 to i32
    %cond3A_25 = arith.constant 0 : i32
    %cond3A_26 = arith.cmpi ne, %convert_element_type3A_24, %cond3A_25 : i32
    scf.if %cond3A_26 {
      %mul3A_27 = arith.constant 1000 : i32
      %mul3A_28 = arith.muli %arg1, %mul3A_27 : i32
      %mul3A_29 = arith.constant 10000 : i32
      %mul3A_30 = arith.muli %arg0, %mul3A_29 : i32
      %mul3A_31 = arith.constant 1000 : i32
      %mul3A_32 = arith.muli %arg1, %mul3A_31 : i32
      %add3A = arith.addi %mul3A_30, %mul3A_32 : i32
      "tpu.region"() ({
        %run_scoped3A = tpu.sem_alloc : memref<!tpu.dma_semaphore, #tpu.memory_space<semaphore_mem>>
        %dma_start3A = arith.constant 0 : i32
        %dma_start3A_33 = tpu.memref_slice %arg8[%add3A, %dma_start3A] : memref<20000x16xf32, #tpu.memory_space<hbm>> -> memref<1000x16xf32, #tpu.memory_space<hbm>>
        %dma_start3A_34 = arith.constant 0 : i32
        %dma_start3A_35 = tpu.memref_slice %arg17[%mul3A_28, %dma_start3A_34] : memref<10000x16xf32, #tpu.memory_space<vmem_shared>> -> memref<1000x16xf32, #tpu.memory_space<vmem_shared>>
        tpu.enqueue_dma source(%dma_start3A_35 : memref<1000x16xf32, #tpu.memory_space<vmem_shared>>) target(%dma_start3A_33 : memref<1000x16xf32, #tpu.memory_space<hbm>>) target_semaphore(%run_scoped3A : memref<!tpu.dma_semaphore, #tpu.memory_space<semaphore_mem>>)
        %dma_wait3A = arith.constant 0 : i32
        %dma_wait3A_36 = tpu.memref_slice %arg8[%add3A, %dma_wait3A] : memref<20000x16xf32, #tpu.memory_space<hbm>> -> memref<1000x16xf32, #tpu.memory_space<hbm>>
        %dma_wait3A_37 = arith.constant 0 : i32
        %dma_wait3A_38 = tpu.memref_slice %arg17[%mul3A_28, %dma_wait3A_37] : memref<10000x16xf32, #tpu.memory_space<vmem_shared>> -> memref<1000x16xf32, #tpu.memory_space<vmem_shared>>
        tpu.wait_dma2 semaphore(%run_scoped3A : memref<!tpu.dma_semaphore, #tpu.memory_space<semaphore_mem>>) src(%dma_wait3A_38 : memref<1000x16xf32, #tpu.memory_space<vmem_shared>>) dst(%dma_wait3A_36 : memref<1000x16xf32, #tpu.memory_space<hbm>>)
        tpu.yield
      }) : () -> ()
    } else {
    }
    return
  }
}

#map = affine_map<(d0, d1) -> (0)>
#map1 = affine_map<(d0, d1) -> (0, 0)>
module attributes {stable_mosaic.version = 14 : i64} {
  func.func @_sc_agg_kernel(%arg0: i32, %arg1: i32, %arg2: memref<160000xi32, #tpu.memory_space<hbm>>, %arg3: memref<160000xi32, #tpu.memory_space<hbm>>, %arg4: memref<320000x16xf32, #tpu.memory_space<hbm>>, %arg5: memref<20000x16xf32, #tpu.memory_space<hbm>>, %arg6: memref<20000x128xf32, #tpu.memory_space<hbm>>, %arg7: memref<20000x128xf32, #tpu.memory_space<hbm>>, %arg8: memref<80xi32, #tpu.memory_space<vmem>>, %arg9: memref<80xi32, #tpu.memory_space<vmem>>, %arg10: memref<80xi32, #tpu.memory_space<vmem>>, %arg11: memref<80x16xf32, #tpu.memory_space<vmem>>, %arg12: memref<80x16xf32, #tpu.memory_space<vmem>>, %arg13: memref<80x128xf32, #tpu.memory_space<vmem>>, %arg14: memref<25x128xf32, #tpu.memory_space<vmem>>, %arg15: memref<10000x128xf32, #tpu.memory_space<vmem_shared>>) attributes {dimension_semantics = [#tpu.dimension_semantics<core_parallel>, #tpu.dimension_semantics<subcore_parallel>], iteration_bounds = array<i64: 2, 16>, scalar_prefetch = 0 : i64, scratch_operands = 8 : i64, tpu.core_type = #tpu.core_type<sc_vector_subcore>, window_params = [{transform_indices = #map}, {transform_indices = #map}, {transform_indices = #map1}, {transform_indices = #map1}, {transform_indices = #map1}, {transform_indices = #map1}]} {
    %broadcast_in_dim3A = arith.constant 0.000000e+00 : f32
    %broadcast_in_dim3A_0 = vector.broadcast %broadcast_in_dim3A : f32 to vector<16xf32>
    %scan3A = arith.constant 0 : i32
    %scan3A_1 = arith.constant 0 : i32
    %scan3A_2 = arith.constant 25 : i32
    %scan3A_3 = arith.addi %scan3A_1, %scan3A_2 : i32
    %scan3A_4 = arith.constant 1 : i32
    %scan3A_5 = scf.for %scan3A_32 = %scan3A_1 to %scan3A_3 step %scan3A_4 iter_args(%scan3A_33 = %scan3A) -> (i32)  : i32 {
      %swap3A = arith.index_cast %scan3A_32 : i32 to index
      %swap3A_34 = arith.constant 0 : index
      %swap3A_35 = tpu.vector_load %arg14[%swap3A, %swap3A_34] {strides = array<i32>} : memref<25x128xf32, #tpu.memory_space<vmem>>, vector<16xf32>,
      tpu.vector_store %arg14[%swap3A, %swap3A_34], %broadcast_in_dim3A_0 {strides = array<i32>} : memref<25x128xf32, #tpu.memory_space<vmem>>, vector<16xf32>,
      %swap3A_36 = arith.index_cast %scan3A_32 : i32 to index
      %swap3A_37 = arith.constant 16 : index
      %swap3A_38 = tpu.vector_load %arg14[%swap3A_36, %swap3A_37] {strides = array<i32>} : memref<25x128xf32, #tpu.memory_space<vmem>>, vector<16xf32>,
      tpu.vector_store %arg14[%swap3A_36, %swap3A_37], %broadcast_in_dim3A_0 {strides = array<i32>} : memref<25x128xf32, #tpu.memory_space<vmem>>, vector<16xf32>,
      %swap3A_39 = arith.index_cast %scan3A_32 : i32 to index
      %swap3A_40 = arith.constant 32 : index
      %swap3A_41 = tpu.vector_load %arg14[%swap3A_39, %swap3A_40] {strides = array<i32>} : memref<25x128xf32, #tpu.memory_space<vmem>>, vector<16xf32>,
      tpu.vector_store %arg14[%swap3A_39, %swap3A_40], %broadcast_in_dim3A_0 {strides = array<i32>} : memref<25x128xf32, #tpu.memory_space<vmem>>, vector<16xf32>,
      %swap3A_42 = arith.index_cast %scan3A_32 : i32 to index
      %swap3A_43 = arith.constant 48 : index
      %swap3A_44 = tpu.vector_load %arg14[%swap3A_42, %swap3A_43] {strides = array<i32>} : memref<25x128xf32, #tpu.memory_space<vmem>>, vector<16xf32>,
      tpu.vector_store %arg14[%swap3A_42, %swap3A_43], %broadcast_in_dim3A_0 {strides = array<i32>} : memref<25x128xf32, #tpu.memory_space<vmem>>, vector<16xf32>,
      %swap3A_45 = arith.index_cast %scan3A_32 : i32 to index
      %swap3A_46 = arith.constant 64 : index
      %swap3A_47 = tpu.vector_load %arg14[%swap3A_45, %swap3A_46] {strides = array<i32>} : memref<25x128xf32, #tpu.memory_space<vmem>>, vector<16xf32>,
      tpu.vector_store %arg14[%swap3A_45, %swap3A_46], %broadcast_in_dim3A_0 {strides = array<i32>} : memref<25x128xf32, #tpu.memory_space<vmem>>, vector<16xf32>,
      %swap3A_48 = arith.index_cast %scan3A_32 : i32 to index
      %swap3A_49 = arith.constant 80 : index
      %swap3A_50 = tpu.vector_load %arg14[%swap3A_48, %swap3A_49] {strides = array<i32>} : memref<25x128xf32, #tpu.memory_space<vmem>>, vector<16xf32>,
      tpu.vector_store %arg14[%swap3A_48, %swap3A_49], %broadcast_in_dim3A_0 {strides = array<i32>} : memref<25x128xf32, #tpu.memory_space<vmem>>, vector<16xf32>,
      %swap3A_51 = arith.index_cast %scan3A_32 : i32 to index
      %swap3A_52 = arith.constant 96 : index
      %swap3A_53 = tpu.vector_load %arg14[%swap3A_51, %swap3A_52] {strides = array<i32>} : memref<25x128xf32, #tpu.memory_space<vmem>>, vector<16xf32>,
      tpu.vector_store %arg14[%swap3A_51, %swap3A_52], %broadcast_in_dim3A_0 {strides = array<i32>} : memref<25x128xf32, #tpu.memory_space<vmem>>, vector<16xf32>,
      %swap3A_54 = arith.index_cast %scan3A_32 : i32 to index
      %swap3A_55 = arith.constant 112 : index
      %swap3A_56 = tpu.vector_load %arg14[%swap3A_54, %swap3A_55] {strides = array<i32>} : memref<25x128xf32, #tpu.memory_space<vmem>>, vector<16xf32>,
      tpu.vector_store %arg14[%swap3A_54, %swap3A_55], %broadcast_in_dim3A_0 {strides = array<i32>} : memref<25x128xf32, #tpu.memory_space<vmem>>, vector<16xf32>,
      %scan3A_57 = arith.constant 0 : i32
      scf.yield %scan3A_57 : i32
    }
    %scan3A_6 = arith.constant 25 : i32
    %scan3A_7 = arith.constant 0 : i32
    %scan3A_8 = arith.constant 0 : i32
    %scan3A_9 = arith.constant 25 : i32
    %scan3A_10 = arith.addi %scan3A_8, %scan3A_9 : i32
    %scan3A_11 = arith.constant 1 : i32
    %scan3A_12 = scf.for %scan3A_32 = %scan3A_8 to %scan3A_10 step %scan3A_11 iter_args(%scan3A_33 = %scan3A_7) -> (i32)  : i32 {
      %mul3A_34 = arith.constant 16 : i32
      %mul3A_35 = arith.muli %scan3A_32, %mul3A_34 : i32
      %add3A = arith.addi %arg1, %mul3A_35 : i32
      %mul3A_36 = arith.constant 25 : i32
      %mul3A_37 = arith.muli %add3A, %mul3A_36 : i32
      "tpu.region"() ({
        %run_scoped3A = tpu.sem_alloc : memref<!tpu.dma_semaphore, #tpu.memory_space<semaphore_mem>>
        %dma_start3A = arith.constant 0 : i32
        %dma_start3A_39 = tpu.memref_slice %arg15[%mul3A_37, %dma_start3A] : memref<10000x128xf32, #tpu.memory_space<vmem_shared>> -> memref<25x128xf32, #tpu.memory_space<vmem_shared>>
        %dma_start3A_40 = arith.constant 0 : i32
        %dma_start3A_41 = tpu.memref_slice %arg15[%mul3A_37, %dma_start3A_40] : memref<10000x128xf32, #tpu.memory_space<vmem_shared>> -> memref<25x128xf32, #tpu.memory_space<vmem_shared>>
        tpu.enqueue_dma source(%arg14 : memref<25x128xf32, #tpu.memory_space<vmem>>) target(%dma_start3A_41 : memref<25x128xf32, #tpu.memory_space<vmem_shared>>) target_semaphore(%run_scoped3A : memref<!tpu.dma_semaphore, #tpu.memory_space<semaphore_mem>>)
        %dma_wait3A = arith.constant 0 : i32
        %dma_wait3A_42 = tpu.memref_slice %arg15[%mul3A_37, %dma_wait3A] : memref<10000x128xf32, #tpu.memory_space<vmem_shared>> -> memref<25x128xf32, #tpu.memory_space<vmem_shared>>
        %dma_wait3A_43 = arith.constant 0 : i32
        %dma_wait3A_44 = tpu.memref_slice %arg15[%mul3A_37, %dma_wait3A_43] : memref<10000x128xf32, #tpu.memory_space<vmem_shared>> -> memref<25x128xf32, #tpu.memory_space<vmem_shared>>
        tpu.wait_dma2 semaphore(%run_scoped3A : memref<!tpu.dma_semaphore, #tpu.memory_space<semaphore_mem>>) src(%arg14 : memref<25x128xf32, #tpu.memory_space<vmem>>) dst(%dma_wait3A_44 : memref<25x128xf32, #tpu.memory_space<vmem_shared>>)
        tpu.yield
      }) : () -> ()
      %scan3A_38 = arith.constant 0 : i32
      scf.yield %scan3A_38 : i32
    }
    %scan3A_13 = arith.constant 25 : i32
    %barrier3A = arith.constant 0 : index
    tpu.barrier barrier_id(%barrier3A)
    %mul3A = arith.constant 10000 : i32
    %mul3A_14 = arith.muli %arg1, %mul3A : i32
    %mul3A_15 = arith.constant 10000 : i32
    %mul3A_16 = arith.muli %arg0, %mul3A_15 : i32
    %scan3A_17 = arith.constant 0 : i32
    %scan3A_18 = arith.constant 0 : i32
    %scan3A_19 = arith.constant 125 : i32
    %scan3A_20 = arith.addi %scan3A_18, %scan3A_19 : i32
    %scan3A_21 = arith.constant 1 : i32
    %scan3A_22 = scf.for %scan3A_32 = %scan3A_18 to %scan3A_20 step %scan3A_21 iter_args(%scan3A_33 = %scan3A_17) -> (i32)  : i32 {
      %mul3A_34 = arith.constant 80 : i32
      %mul3A_35 = arith.muli %scan3A_32, %mul3A_34 : i32
      %add3A = arith.addi %mul3A_14, %mul3A_35 : i32
      "tpu.region"() ({
        %run_scoped3A = tpu.sem_alloc : memref<!tpu.dma_semaphore, #tpu.memory_space<semaphore_mem>>
        %dma_start3A = tpu.memref_slice %arg2[%add3A] : memref<160000xi32, #tpu.memory_space<hbm>> -> memref<80xi32, #tpu.memory_space<hbm>>
        %dma_start3A_114 = tpu.memref_slice %arg2[%add3A] : memref<160000xi32, #tpu.memory_space<hbm>> -> memref<80xi32, #tpu.memory_space<hbm>>
        tpu.enqueue_dma source(%dma_start3A_114 : memref<80xi32, #tpu.memory_space<hbm>>) target(%arg8 : memref<80xi32, #tpu.memory_space<vmem>>) target_semaphore(%run_scoped3A : memref<!tpu.dma_semaphore, #tpu.memory_space<semaphore_mem>>)
        %dma_wait3A = tpu.memref_slice %arg2[%add3A] : memref<160000xi32, #tpu.memory_space<hbm>> -> memref<80xi32, #tpu.memory_space<hbm>>
        %dma_wait3A_115 = tpu.memref_slice %arg2[%add3A] : memref<160000xi32, #tpu.memory_space<hbm>> -> memref<80xi32, #tpu.memory_space<hbm>>
        tpu.wait_dma2 semaphore(%run_scoped3A : memref<!tpu.dma_semaphore, #tpu.memory_space<semaphore_mem>>) src(%dma_wait3A_115 : memref<80xi32, #tpu.memory_space<hbm>>) dst(%arg8 : memref<80xi32, #tpu.memory_space<vmem>>)
        tpu.yield
      }) : () -> ()
      "tpu.region"() ({
        %run_scoped3A = tpu.sem_alloc : memref<!tpu.dma_semaphore, #tpu.memory_space<semaphore_mem>>
        %dma_start3A = tpu.memref_slice %arg3[%add3A] : memref<160000xi32, #tpu.memory_space<hbm>> -> memref<80xi32, #tpu.memory_space<hbm>>
        %dma_start3A_114 = tpu.memref_slice %arg3[%add3A] : memref<160000xi32, #tpu.memory_space<hbm>> -> memref<80xi32, #tpu.memory_space<hbm>>
        tpu.enqueue_dma source(%dma_start3A_114 : memref<80xi32, #tpu.memory_space<hbm>>) target(%arg9 : memref<80xi32, #tpu.memory_space<vmem>>) target_semaphore(%run_scoped3A : memref<!tpu.dma_semaphore, #tpu.memory_space<semaphore_mem>>)
        %dma_wait3A = tpu.memref_slice %arg3[%add3A] : memref<160000xi32, #tpu.memory_space<hbm>> -> memref<80xi32, #tpu.memory_space<hbm>>
        %dma_wait3A_115 = tpu.memref_slice %arg3[%add3A] : memref<160000xi32, #tpu.memory_space<hbm>> -> memref<80xi32, #tpu.memory_space<hbm>>
        tpu.wait_dma2 semaphore(%run_scoped3A : memref<!tpu.dma_semaphore, #tpu.memory_space<semaphore_mem>>) src(%dma_wait3A_115 : memref<80xi32, #tpu.memory_space<hbm>>) dst(%arg9 : memref<80xi32, #tpu.memory_space<vmem>>)
        tpu.yield
      }) : () -> ()
      %mul3A_36 = arith.constant 160000 : i32
      %mul3A_37 = arith.muli %arg0, %mul3A_36 : i32
      %add3A_38 = arith.addi %mul3A_37, %add3A : i32
      "tpu.region"() ({
        %run_scoped3A = tpu.sem_alloc : memref<!tpu.dma_semaphore, #tpu.memory_space<semaphore_mem>>
        %dma_start3A = arith.constant 0 : i32
        %dma_start3A_114 = tpu.memref_slice %arg4[%add3A_38, %dma_start3A] : memref<320000x16xf32, #tpu.memory_space<hbm>> -> memref<80x16xf32, #tpu.memory_space<hbm>>
        %dma_start3A_115 = arith.constant 0 : i32
        %dma_start3A_116 = tpu.memref_slice %arg4[%add3A_38, %dma_start3A_115] : memref<320000x16xf32, #tpu.memory_space<hbm>> -> memref<80x16xf32, #tpu.memory_space<hbm>>
        tpu.enqueue_dma source(%dma_start3A_116 : memref<80x16xf32, #tpu.memory_space<hbm>>) target(%arg11 : memref<80x16xf32, #tpu.memory_space<vmem>>) target_semaphore(%run_scoped3A : memref<!tpu.dma_semaphore, #tpu.memory_space<semaphore_mem>>)
        %dma_wait3A = arith.constant 0 : i32
        %dma_wait3A_117 = tpu.memref_slice %arg4[%add3A_38, %dma_wait3A] : memref<320000x16xf32, #tpu.memory_space<hbm>> -> memref<80x16xf32, #tpu.memory_space<hbm>>
        %dma_wait3A_118 = arith.constant 0 : i32
        %dma_wait3A_119 = tpu.memref_slice %arg4[%add3A_38, %dma_wait3A_118] : memref<320000x16xf32, #tpu.memory_space<hbm>> -> memref<80x16xf32, #tpu.memory_space<hbm>>
        tpu.wait_dma2 semaphore(%run_scoped3A : memref<!tpu.dma_semaphore, #tpu.memory_space<semaphore_mem>>) src(%dma_wait3A_119 : memref<80x16xf32, #tpu.memory_space<hbm>>) dst(%arg11 : memref<80x16xf32, #tpu.memory_space<vmem>>)
        tpu.yield
      }) : () -> ()
      %get3A = arith.constant 0 : index
      %get3A_39 = tpu.vector_load %arg9[%get3A] {strides = array<i32>} : memref<80xi32, #tpu.memory_space<vmem>>, vector<16xi32>,
      %add3A_40 = vector.broadcast %mul3A_16 : i32 to vector<16xi32>
      %add3A_41 = arith.addi %get3A_39, %add3A_40 : vector<16xi32>
      %swap3A = arith.constant 0 : index
      %swap3A_42 = tpu.vector_load %arg10[%swap3A] {strides = array<i32>} : memref<80xi32, #tpu.memory_space<vmem>>, vector<16xi32>,
      tpu.vector_store %arg10[%swap3A], %add3A_41 {strides = array<i32>} : memref<80xi32, #tpu.memory_space<vmem>>, vector<16xi32>,
      %get3A_43 = arith.constant 0 : index
      %get3A_44 = tpu.vector_load %arg8[%get3A_43] {strides = array<i32>} : memref<80xi32, #tpu.memory_space<vmem>>, vector<16xi32>,
      %add3A_45 = vector.broadcast %mul3A_16 : i32 to vector<16xi32>
      %add3A_46 = arith.addi %get3A_44, %add3A_45 : vector<16xi32>
      %swap3A_47 = arith.constant 0 : index
      %swap3A_48 = tpu.vector_load %arg8[%swap3A_47] {strides = array<i32>} : memref<80xi32, #tpu.memory_space<vmem>>, vector<16xi32>,
      tpu.vector_store %arg8[%swap3A_47], %add3A_46 {strides = array<i32>} : memref<80xi32, #tpu.memory_space<vmem>>, vector<16xi32>,
      %get3A_49 = arith.constant 16 : index
      %get3A_50 = tpu.vector_load %arg9[%get3A_49] {strides = array<i32>} : memref<80xi32, #tpu.memory_space<vmem>>, vector<16xi32>,
      %add3A_51 = vector.broadcast %mul3A_16 : i32 to vector<16xi32>
      %add3A_52 = arith.addi %get3A_50, %add3A_51 : vector<16xi32>
      %swap3A_53 = arith.constant 16 : index
      %swap3A_54 = tpu.vector_load %arg10[%swap3A_53] {strides = array<i32>} : memref<80xi32, #tpu.memory_space<vmem>>, vector<16xi32>,
      tpu.vector_store %arg10[%swap3A_53], %add3A_52 {strides = array<i32>} : memref<80xi32, #tpu.memory_space<vmem>>, vector<16xi32>,
      %get3A_55 = arith.constant 16 : index
      %get3A_56 = tpu.vector_load %arg8[%get3A_55] {strides = array<i32>} : memref<80xi32, #tpu.memory_space<vmem>>, vector<16xi32>,
      %add3A_57 = vector.broadcast %mul3A_16 : i32 to vector<16xi32>
      %add3A_58 = arith.addi %get3A_56, %add3A_57 : vector<16xi32>
      %swap3A_59 = arith.constant 16 : index
      %swap3A_60 = tpu.vector_load %arg8[%swap3A_59] {strides = array<i32>} : memref<80xi32, #tpu.memory_space<vmem>>, vector<16xi32>,
      tpu.vector_store %arg8[%swap3A_59], %add3A_58 {strides = array<i32>} : memref<80xi32, #tpu.memory_space<vmem>>, vector<16xi32>,
      %get3A_61 = arith.constant 32 : index
      %get3A_62 = tpu.vector_load %arg9[%get3A_61] {strides = array<i32>} : memref<80xi32, #tpu.memory_space<vmem>>, vector<16xi32>,
      %add3A_63 = vector.broadcast %mul3A_16 : i32 to vector<16xi32>
      %add3A_64 = arith.addi %get3A_62, %add3A_63 : vector<16xi32>
      %swap3A_65 = arith.constant 32 : index
      %swap3A_66 = tpu.vector_load %arg10[%swap3A_65] {strides = array<i32>} : memref<80xi32, #tpu.memory_space<vmem>>, vector<16xi32>,
      tpu.vector_store %arg10[%swap3A_65], %add3A_64 {strides = array<i32>} : memref<80xi32, #tpu.memory_space<vmem>>, vector<16xi32>,
      %get3A_67 = arith.constant 32 : index
      %get3A_68 = tpu.vector_load %arg8[%get3A_67] {strides = array<i32>} : memref<80xi32, #tpu.memory_space<vmem>>, vector<16xi32>,
      %add3A_69 = vector.broadcast %mul3A_16 : i32 to vector<16xi32>
      %add3A_70 = arith.addi %get3A_68, %add3A_69 : vector<16xi32>
      %swap3A_71 = arith.constant 32 : index
      %swap3A_72 = tpu.vector_load %arg8[%swap3A_71] {strides = array<i32>} : memref<80xi32, #tpu.memory_space<vmem>>, vector<16xi32>,
      tpu.vector_store %arg8[%swap3A_71], %add3A_70 {strides = array<i32>} : memref<80xi32, #tpu.memory_space<vmem>>, vector<16xi32>,
      %get3A_73 = arith.constant 48 : index
      %get3A_74 = tpu.vector_load %arg9[%get3A_73] {strides = array<i32>} : memref<80xi32, #tpu.memory_space<vmem>>, vector<16xi32>,
      %add3A_75 = vector.broadcast %mul3A_16 : i32 to vector<16xi32>
      %add3A_76 = arith.addi %get3A_74, %add3A_75 : vector<16xi32>
      %swap3A_77 = arith.constant 48 : index
      %swap3A_78 = tpu.vector_load %arg10[%swap3A_77] {strides = array<i32>} : memref<80xi32, #tpu.memory_space<vmem>>, vector<16xi32>,
      tpu.vector_store %arg10[%swap3A_77], %add3A_76 {strides = array<i32>} : memref<80xi32, #tpu.memory_space<vmem>>, vector<16xi32>,
      %get3A_79 = arith.constant 48 : index
      %get3A_80 = tpu.vector_load %arg8[%get3A_79] {strides = array<i32>} : memref<80xi32, #tpu.memory_space<vmem>>, vector<16xi32>,
      %add3A_81 = vector.broadcast %mul3A_16 : i32 to vector<16xi32>
      %add3A_82 = arith.addi %get3A_80, %add3A_81 : vector<16xi32>
      %swap3A_83 = arith.constant 48 : index
      %swap3A_84 = tpu.vector_load %arg8[%swap3A_83] {strides = array<i32>} : memref<80xi32, #tpu.memory_space<vmem>>, vector<16xi32>,
      tpu.vector_store %arg8[%swap3A_83], %add3A_82 {strides = array<i32>} : memref<80xi32, #tpu.memory_space<vmem>>, vector<16xi32>,
      %get3A_85 = arith.constant 64 : index
      %get3A_86 = tpu.vector_load %arg9[%get3A_85] {strides = array<i32>} : memref<80xi32, #tpu.memory_space<vmem>>, vector<16xi32>,
      %add3A_87 = vector.broadcast %mul3A_16 : i32 to vector<16xi32>
      %add3A_88 = arith.addi %get3A_86, %add3A_87 : vector<16xi32>
      %swap3A_89 = arith.constant 64 : index
      %swap3A_90 = tpu.vector_load %arg10[%swap3A_89] {strides = array<i32>} : memref<80xi32, #tpu.memory_space<vmem>>, vector<16xi32>,
      tpu.vector_store %arg10[%swap3A_89], %add3A_88 {strides = array<i32>} : memref<80xi32, #tpu.memory_space<vmem>>, vector<16xi32>,
      %get3A_91 = arith.constant 64 : index
      %get3A_92 = tpu.vector_load %arg8[%get3A_91] {strides = array<i32>} : memref<80xi32, #tpu.memory_space<vmem>>, vector<16xi32>,
      %add3A_93 = vector.broadcast %mul3A_16 : i32 to vector<16xi32>
      %add3A_94 = arith.addi %get3A_92, %add3A_93 : vector<16xi32>
      %swap3A_95 = arith.constant 64 : index
      %swap3A_96 = tpu.vector_load %arg8[%swap3A_95] {strides = array<i32>} : memref<80xi32, #tpu.memory_space<vmem>>, vector<16xi32>,
      tpu.vector_store %arg8[%swap3A_95], %add3A_94 {strides = array<i32>} : memref<80xi32, #tpu.memory_space<vmem>>, vector<16xi32>,
      "tpu.region"() ({
        %run_scoped3A = tpu.sem_alloc : memref<!tpu.dma_semaphore, #tpu.memory_space<semaphore_mem>>
        %dma_start3A = arith.constant 0 : i32
        %dma_start3A_114 = arith.constant 0 : i32
        %dma_start3A_115 = tpu.memref_slice %arg5[%dma_start3A, %dma_start3A_114] : memref<20000x16xf32, #tpu.memory_space<hbm>> -> memref<20000x16xf32, #tpu.memory_space<hbm>>
        tpu.enqueue_indirect_dma source(%dma_start3A_115 : memref<20000x16xf32, #tpu.memory_space<hbm>>) target(%arg12 : memref<80x16xf32, #tpu.memory_space<vmem>>) offsets(%arg10 : memref<80xi32, #tpu.memory_space<vmem>>) semaphore(%run_scoped3A : memref<!tpu.dma_semaphore, #tpu.memory_space<semaphore_mem>>)
        %dma_wait3A = arith.constant 0 : i32
        %dma_wait3A_116 = arith.constant 0 : i32
        %dma_wait3A_117 = tpu.memref_slice %arg5[%dma_wait3A, %dma_wait3A_116] : memref<20000x16xf32, #tpu.memory_space<hbm>> -> memref<20000x16xf32, #tpu.memory_space<hbm>>
        tpu.wait_indirect_dma semaphore(%run_scoped3A : memref<!tpu.dma_semaphore, #tpu.memory_space<semaphore_mem>>) src(%dma_wait3A_117 : memref<20000x16xf32, #tpu.memory_space<hbm>>) dst(%arg12 : memref<80x16xf32, #tpu.memory_space<vmem>>)
        tpu.yield
      }) : () -> ()
      %scan3A_97 = arith.constant 0 : i32
      %scan3A_98 = arith.constant 0 : i32
      %scan3A_99 = arith.constant 80 : i32
      %scan3A_100 = arith.addi %scan3A_98, %scan3A_99 : i32
      %scan3A_101 = arith.constant 1 : i32
      %scan3A_102 = scf.for %scan3A_114 = %scan3A_98 to %scan3A_100 step %scan3A_101 iter_args(%scan3A_115 = %scan3A_97) -> (i32)  : i32 {
        %get3A_116 = arith.index_cast %scan3A_114 : i32 to index
        %get3A_117 = arith.constant 0 : index
        %get3A_118 = tpu.vector_load %arg11[%get3A_116, %get3A_117] {strides = array<i32>} : memref<80x16xf32, #tpu.memory_space<vmem>>, vector<16xf32>,
        %get3A_119 = arith.index_cast %scan3A_114 : i32 to index
        %get3A_120 = arith.constant 0 : index
        %get3A_121 = tpu.vector_load %arg12[%get3A_119, %get3A_120] {strides = array<i32>} : memref<80x16xf32, #tpu.memory_space<vmem>>, vector<16xf32>,
        %add3A_122 = arith.constant 9.99999971E-10 : f32
        %add3A_123 = vector.broadcast %add3A_122 : f32 to vector<16xf32>
        %add3A_124 = arith.addf %get3A_121, %add3A_123 : vector<16xf32>
        %div3A = arith.divf %get3A_118, %add3A_124 : vector<16xf32>
        %swap3A_125 = arith.index_cast %scan3A_114 : i32 to index
        %swap3A_126 = arith.constant 0 : index
        %swap3A_127 = tpu.vector_load %arg11[%swap3A_125, %swap3A_126] {strides = array<i32>} : memref<80x16xf32, #tpu.memory_space<vmem>>, vector<16xf32>,
        tpu.vector_store %arg11[%swap3A_125, %swap3A_126], %div3A {strides = array<i32>} : memref<80x16xf32, #tpu.memory_space<vmem>>, vector<16xf32>,
        %scan3A_128 = arith.constant 0 : i32
        scf.yield %scan3A_128 : i32
      }
      %scan3A_103 = arith.constant 80 : i32
      "tpu.region"() ({
        %run_scoped3A = tpu.sem_alloc : memref<!tpu.dma_semaphore, #tpu.memory_space<semaphore_mem>>
        %dma_start3A = arith.constant 0 : i32
        %dma_start3A_114 = arith.constant 0 : i32
        %dma_start3A_115 = tpu.memref_slice %arg6[%dma_start3A, %dma_start3A_114] : memref<20000x128xf32, #tpu.memory_space<hbm>> -> memref<20000x128xf32, #tpu.memory_space<hbm>>
        tpu.enqueue_indirect_dma source(%dma_start3A_115 : memref<20000x128xf32, #tpu.memory_space<hbm>>) target(%arg13 : memref<80x128xf32, #tpu.memory_space<vmem>>) offsets(%arg8 : memref<80xi32, #tpu.memory_space<vmem>>) semaphore(%run_scoped3A : memref<!tpu.dma_semaphore, #tpu.memory_space<semaphore_mem>>)
        %dma_wait3A = arith.constant 0 : i32
        %dma_wait3A_116 = arith.constant 0 : i32
        %dma_wait3A_117 = tpu.memref_slice %arg6[%dma_wait3A, %dma_wait3A_116] : memref<20000x128xf32, #tpu.memory_space<hbm>> -> memref<20000x128xf32, #tpu.memory_space<hbm>>
        tpu.wait_indirect_dma semaphore(%run_scoped3A : memref<!tpu.dma_semaphore, #tpu.memory_space<semaphore_mem>>) src(%dma_wait3A_117 : memref<20000x128xf32, #tpu.memory_space<hbm>>) dst(%arg13 : memref<80x128xf32, #tpu.memory_space<vmem>>)
        tpu.yield
      }) : () -> ()
      %broadcast_in_dim3A_104 = arith.constant 0 : i32
      %broadcast_in_dim3A_105 = vector.broadcast %broadcast_in_dim3A_104 : i32 to vector<16xi32>
      %scan3A_106 = arith.constant 0 : i32
      %scan3A_107 = arith.constant 0 : i32
      %scan3A_108 = arith.constant 80 : i32
      %scan3A_109 = arith.addi %scan3A_107, %scan3A_108 : i32
      %scan3A_110 = arith.constant 1 : i32
      %scan3A_111 = scf.for %scan3A_114 = %scan3A_107 to %scan3A_109 step %scan3A_110 iter_args(%scan3A_115 = %scan3A_106) -> (i32)  : i32 {
        %get3A_116 = arith.index_cast %scan3A_114 : i32 to index
        %get3A_117 = arith.constant 0 : index
        %get3A_118 = tpu.vector_load %arg11[%get3A_116, %get3A_117] {strides = array<i32>} : memref<80x16xf32, #tpu.memory_space<vmem>>, vector<16xf32>,
        %lt3A = arith.constant 0 : i32
        %lt3A_119 = vector.broadcast %lt3A : i32 to vector<16xi32>
        %lt3A_120 = arith.cmpi slt, %broadcast_in_dim3A_105, %lt3A_119 : vector<16xi32>
        %add3A_121 = arith.constant 16 : i32
        %add3A_122 = vector.broadcast %add3A_121 : i32 to vector<16xi32>
        %add3A_123 = arith.addi %broadcast_in_dim3A_105, %add3A_122 : vector<16xi32>
        %select_n3A = arith.select %lt3A_120, %add3A_123, %broadcast_in_dim3A_105 : vector<16xi1>, vector<16xi32>
        %broadcast_in_dim3A_124 = vector.shape_cast %select_n3A : vector<16xi32> to vector<16x1xi32>
        %gather3A = vector.shape_cast %broadcast_in_dim3A_124 : vector<16x1xi32> to vector<16xi32>
        %gather3A_125 = tpu.dynamic_gather %get3A_118[%gather3A] in [0] : vector<16xf32>, vector<16xi32> -> vector<16xf32>
        %add3A_126 = arith.constant 1 : i32
        %add3A_127 = vector.broadcast %add3A_126 : i32 to vector<16xi32>
        %add3A_128 = arith.addi %broadcast_in_dim3A_105, %add3A_127 : vector<16xi32>
        %lt3A_129 = arith.constant 0 : i32
        %lt3A_130 = vector.broadcast %lt3A_129 : i32 to vector<16xi32>
        %lt3A_131 = arith.cmpi slt, %add3A_128, %lt3A_130 : vector<16xi32>
        %add3A_132 = arith.constant 16 : i32
        %add3A_133 = vector.broadcast %add3A_132 : i32 to vector<16xi32>
        %add3A_134 = arith.addi %add3A_128, %add3A_133 : vector<16xi32>
        %select_n3A_135 = arith.select %lt3A_131, %add3A_134, %add3A_128 : vector<16xi1>, vector<16xi32>
        %broadcast_in_dim3A_136 = vector.shape_cast %select_n3A_135 : vector<16xi32> to vector<16x1xi32>
        %gather3A_137 = vector.shape_cast %broadcast_in_dim3A_136 : vector<16x1xi32> to vector<16xi32>
        %gather3A_138 = tpu.dynamic_gather %get3A_118[%gather3A_137] in [0] : vector<16xf32>, vector<16xi32> -> vector<16xf32>
        %get3A_139 = arith.index_cast %scan3A_114 : i32 to index
        %get3A_140 = arith.constant 0 : index
        %get3A_141 = tpu.vector_load %arg13[%get3A_139, %get3A_140] {strides = array<i32>} : memref<80x128xf32, #tpu.memory_space<vmem>>, vector<16xf32>,
        %mul3A_142 = arith.mulf %get3A_141, %gather3A_125 : vector<16xf32>
        %swap3A_143 = arith.index_cast %scan3A_114 : i32 to index
        %swap3A_144 = arith.constant 0 : index
        %swap3A_145 = tpu.vector_load %arg13[%swap3A_143, %swap3A_144] {strides = array<i32>} : memref<80x128xf32, #tpu.memory_space<vmem>>, vector<16xf32>,
        tpu.vector_store %arg13[%swap3A_143, %swap3A_144], %mul3A_142 {strides = array<i32>} : memref<80x128xf32, #tpu.memory_space<vmem>>, vector<16xf32>,
        %get3A_146 = arith.index_cast %scan3A_114 : i32 to index
        %get3A_147 = arith.constant 16 : index
        %get3A_148 = tpu.vector_load %arg13[%get3A_146, %get3A_147] {strides = array<i32>} : memref<80x128xf32, #tpu.memory_space<vmem>>, vector<16xf32>,
        %mul3A_149 = arith.mulf %get3A_148, %gather3A_125 : vector<16xf32>
        %swap3A_150 = arith.index_cast %scan3A_114 : i32 to index
        %swap3A_151 = arith.constant 16 : index
        %swap3A_152 = tpu.vector_load %arg13[%swap3A_150, %swap3A_151] {strides = array<i32>} : memref<80x128xf32, #tpu.memory_space<vmem>>, vector<16xf32>,
        tpu.vector_store %arg13[%swap3A_150, %swap3A_151], %mul3A_149 {strides = array<i32>} : memref<80x128xf32, #tpu.memory_space<vmem>>, vector<16xf32>,
        %get3A_153 = arith.index_cast %scan3A_114 : i32 to index
        %get3A_154 = arith.constant 32 : index
        %get3A_155 = tpu.vector_load %arg13[%get3A_153, %get3A_154] {strides = array<i32>} : memref<80x128xf32, #tpu.memory_space<vmem>>, vector<16xf32>,
        %mul3A_156 = arith.mulf %get3A_155, %gather3A_125 : vector<16xf32>
        %swap3A_157 = arith.index_cast %scan3A_114 : i32 to index
        %swap3A_158 = arith.constant 32 : index
        %swap3A_159 = tpu.vector_load %arg13[%swap3A_157, %swap3A_158] {strides = array<i32>} : memref<80x128xf32, #tpu.memory_space<vmem>>, vector<16xf32>,
        tpu.vector_store %arg13[%swap3A_157, %swap3A_158], %mul3A_156 {strides = array<i32>} : memref<80x128xf32, #tpu.memory_space<vmem>>, vector<16xf32>,
        %get3A_160 = arith.index_cast %scan3A_114 : i32 to index
        %get3A_161 = arith.constant 48 : index
        %get3A_162 = tpu.vector_load %arg13[%get3A_160, %get3A_161] {strides = array<i32>} : memref<80x128xf32, #tpu.memory_space<vmem>>, vector<16xf32>,
        %mul3A_163 = arith.mulf %get3A_162, %gather3A_125 : vector<16xf32>
        %swap3A_164 = arith.index_cast %scan3A_114 : i32 to index
        %swap3A_165 = arith.constant 48 : index
        %swap3A_166 = tpu.vector_load %arg13[%swap3A_164, %swap3A_165] {strides = array<i32>} : memref<80x128xf32, #tpu.memory_space<vmem>>, vector<16xf32>,
        tpu.vector_store %arg13[%swap3A_164, %swap3A_165], %mul3A_163 {strides = array<i32>} : memref<80x128xf32, #tpu.memory_space<vmem>>, vector<16xf32>,
        %get3A_167 = arith.index_cast %scan3A_114 : i32 to index
        %get3A_168 = arith.constant 64 : index
        %get3A_169 = tpu.vector_load %arg13[%get3A_167, %get3A_168] {strides = array<i32>} : memref<80x128xf32, #tpu.memory_space<vmem>>, vector<16xf32>,
        %mul3A_170 = arith.mulf %get3A_169, %gather3A_138 : vector<16xf32>
        %swap3A_171 = arith.index_cast %scan3A_114 : i32 to index
        %swap3A_172 = arith.constant 64 : index
        %swap3A_173 = tpu.vector_load %arg13[%swap3A_171, %swap3A_172] {strides = array<i32>} : memref<80x128xf32, #tpu.memory_space<vmem>>, vector<16xf32>,
        tpu.vector_store %arg13[%swap3A_171, %swap3A_172], %mul3A_170 {strides = array<i32>} : memref<80x128xf32, #tpu.memory_space<vmem>>, vector<16xf32>,
        %get3A_174 = arith.index_cast %scan3A_114 : i32 to index
        %get3A_175 = arith.constant 80 : index
        %get3A_176 = tpu.vector_load %arg13[%get3A_174, %get3A_175] {strides = array<i32>} : memref<80x128xf32, #tpu.memory_space<vmem>>, vector<16xf32>,
        %mul3A_177 = arith.mulf %get3A_176, %gather3A_138 : vector<16xf32>
        %swap3A_178 = arith.index_cast %scan3A_114 : i32 to index
        %swap3A_179 = arith.constant 80 : index
        %swap3A_180 = tpu.vector_load %arg13[%swap3A_178, %swap3A_179] {strides = array<i32>} : memref<80x128xf32, #tpu.memory_space<vmem>>, vector<16xf32>,
        tpu.vector_store %arg13[%swap3A_178, %swap3A_179], %mul3A_177 {strides = array<i32>} : memref<80x128xf32, #tpu.memory_space<vmem>>, vector<16xf32>,
        %get3A_181 = arith.index_cast %scan3A_114 : i32 to index
        %get3A_182 = arith.constant 96 : index
        %get3A_183 = tpu.vector_load %arg13[%get3A_181, %get3A_182] {strides = array<i32>} : memref<80x128xf32, #tpu.memory_space<vmem>>, vector<16xf32>,
        %mul3A_184 = arith.mulf %get3A_183, %gather3A_138 : vector<16xf32>
        %swap3A_185 = arith.index_cast %scan3A_114 : i32 to index
        %swap3A_186 = arith.constant 96 : index
        %swap3A_187 = tpu.vector_load %arg13[%swap3A_185, %swap3A_186] {strides = array<i32>} : memref<80x128xf32, #tpu.memory_space<vmem>>, vector<16xf32>,
        tpu.vector_store %arg13[%swap3A_185, %swap3A_186], %mul3A_184 {strides = array<i32>} : memref<80x128xf32, #tpu.memory_space<vmem>>, vector<16xf32>,
        %get3A_188 = arith.index_cast %scan3A_114 : i32 to index
        %get3A_189 = arith.constant 112 : index
        %get3A_190 = tpu.vector_load %arg13[%get3A_188, %get3A_189] {strides = array<i32>} : memref<80x128xf32, #tpu.memory_space<vmem>>, vector<16xf32>,
        %mul3A_191 = arith.mulf %get3A_190, %gather3A_138 : vector<16xf32>
        %swap3A_192 = arith.index_cast %scan3A_114 : i32 to index
        %swap3A_193 = arith.constant 112 : index
        %swap3A_194 = tpu.vector_load %arg13[%swap3A_192, %swap3A_193] {strides = array<i32>} : memref<80x128xf32, #tpu.memory_space<vmem>>, vector<16xf32>,
        tpu.vector_store %arg13[%swap3A_192, %swap3A_193], %mul3A_191 {strides = array<i32>} : memref<80x128xf32, #tpu.memory_space<vmem>>, vector<16xf32>,
        %scan3A_195 = arith.constant 0 : i32
        scf.yield %scan3A_195 : i32
      }
      %scan3A_112 = arith.constant 80 : i32
      "tpu.region"() ({
        %run_scoped3A = tpu.sem_alloc : memref<!tpu.dma_semaphore, #tpu.memory_space<semaphore_mem>>
        %dma_start3A = arith.constant 0 : i32
        %dma_start3A_114 = arith.constant 0 : i32
        %dma_start3A_115 = tpu.memref_slice %arg15[%dma_start3A, %dma_start3A_114] : memref<10000x128xf32, #tpu.memory_space<vmem_shared>> -> memref<10000x128xf32, #tpu.memory_space<vmem_shared>>
        tpu.enqueue_indirect_dma source(%arg13 : memref<80x128xf32, #tpu.memory_space<vmem>>) target(%dma_start3A_115 : memref<10000x128xf32, #tpu.memory_space<vmem_shared>>) offsets(%arg9 : memref<80xi32, #tpu.memory_space<vmem>>) semaphore(%run_scoped3A : memref<!tpu.dma_semaphore, #tpu.memory_space<semaphore_mem>>) {add = true}
        %dma_wait3A = arith.constant 0 : i32
        %dma_wait3A_116 = arith.constant 0 : i32
        %dma_wait3A_117 = tpu.memref_slice %arg15[%dma_wait3A, %dma_wait3A_116] : memref<10000x128xf32, #tpu.memory_space<vmem_shared>> -> memref<10000x128xf32, #tpu.memory_space<vmem_shared>>
        tpu.wait_indirect_dma semaphore(%run_scoped3A : memref<!tpu.dma_semaphore, #tpu.memory_space<semaphore_mem>>) src(%arg13 : memref<80x128xf32, #tpu.memory_space<vmem>>) dst(%dma_wait3A_117 : memref<10000x128xf32, #tpu.memory_space<vmem_shared>>)
        tpu.yield
      }) : () -> ()
      %scan3A_113 = arith.constant 0 : i32
      scf.yield %scan3A_113 : i32
    }
    %scan3A_23 = arith.constant 125 : i32
    %barrier3A_24 = arith.constant 0 : index
    tpu.barrier barrier_id(%barrier3A_24)
    %scan3A_25 = arith.constant 0 : i32
    %scan3A_26 = arith.constant 0 : i32
    %scan3A_27 = arith.constant 25 : i32
    %scan3A_28 = arith.addi %scan3A_26, %scan3A_27 : i32
    %scan3A_29 = arith.constant 1 : i32
    %scan3A_30 = scf.for %scan3A_32 = %scan3A_26 to %scan3A_28 step %scan3A_29 iter_args(%scan3A_33 = %scan3A_25) -> (i32)  : i32 {
      %mul3A_34 = arith.constant 16 : i32
      %mul3A_35 = arith.muli %scan3A_32, %mul3A_34 : i32
      %add3A = arith.addi %arg1, %mul3A_35 : i32
      %mul3A_36 = arith.constant 25 : i32
      %mul3A_37 = arith.muli %add3A, %mul3A_36 : i32
      %mul3A_38 = arith.constant 25 : i32
      %mul3A_39 = arith.muli %add3A, %mul3A_38 : i32
      %add3A_40 = arith.addi %mul3A_16, %mul3A_39 : i32
      "tpu.region"() ({
        %run_scoped3A = tpu.sem_alloc : memref<!tpu.dma_semaphore, #tpu.memory_space<semaphore_mem>>
        %dma_start3A = arith.constant 0 : i32
        %dma_start3A_42 = tpu.memref_slice %arg7[%add3A_40, %dma_start3A] : memref<20000x128xf32, #tpu.memory_space<hbm>> -> memref<25x128xf32, #tpu.memory_space<hbm>>
        %dma_start3A_43 = arith.constant 0 : i32
        %dma_start3A_44 = tpu.memref_slice %arg15[%mul3A_37, %dma_start3A_43] : memref<10000x128xf32, #tpu.memory_space<vmem_shared>> -> memref<25x128xf32, #tpu.memory_space<vmem_shared>>
        tpu.enqueue_dma source(%dma_start3A_44 : memref<25x128xf32, #tpu.memory_space<vmem_shared>>) target(%dma_start3A_42 : memref<25x128xf32, #tpu.memory_space<hbm>>) target_semaphore(%run_scoped3A : memref<!tpu.dma_semaphore, #tpu.memory_space<semaphore_mem>>)
        %dma_wait3A = arith.constant 0 : i32
        %dma_wait3A_45 = tpu.memref_slice %arg7[%add3A_40, %dma_wait3A] : memref<20000x128xf32, #tpu.memory_space<hbm>> -> memref<25x128xf32, #tpu.memory_space<hbm>>
        %dma_wait3A_46 = arith.constant 0 : i32
        %dma_wait3A_47 = tpu.memref_slice %arg15[%mul3A_37, %dma_wait3A_46] : memref<10000x128xf32, #tpu.memory_space<vmem_shared>> -> memref<25x128xf32, #tpu.memory_space<vmem_shared>>
        tpu.wait_dma2 semaphore(%run_scoped3A : memref<!tpu.dma_semaphore, #tpu.memory_space<semaphore_mem>>) src(%dma_wait3A_47 : memref<25x128xf32, #tpu.memory_space<vmem_shared>>) dst(%dma_wait3A_45 : memref<25x128xf32, #tpu.memory_space<hbm>>)
        tpu.yield
      }) : () -> ()
      %scan3A_41 = arith.constant 0 : i32
      scf.yield %scan3A_41 : i32
    }
    %scan3A_31 = arith.constant 25 : i32
    return
  }
}

#map = affine_map<(d0, d1) -> (0)>
#map1 = affine_map<(d0, d1) -> (0, 0)>
module attributes {stable_mosaic.version = 14 : i64} {
  func.func @_sc_agg_kernel(%arg0: i32, %arg1: i32, %arg2: memref<160000xi32, #tpu.memory_space<hbm>>, %arg3: memref<160000xi32, #tpu.memory_space<hbm>>, %arg4: memref<320000x16xf32, #tpu.memory_space<hbm>>, %arg5: memref<20000x16xf32, #tpu.memory_space<hbm>>, %arg6: memref<20000x128xf32, #tpu.memory_space<hbm>>, %arg7: memref<20000x128xf32, #tpu.memory_space<hbm>>, %arg8: memref<80xi32, #tpu.memory_space<vmem>>, %arg9: memref<80xi32, #tpu.memory_space<vmem>>, %arg10: memref<80xi32, #tpu.memory_space<vmem>>, %arg11: memref<80x16xf32, #tpu.memory_space<vmem>>, %arg12: memref<80x16xf32, #tpu.memory_space<vmem>>, %arg13: memref<80x128xf32, #tpu.memory_space<vmem>>, %arg14: memref<25x128xf32, #tpu.memory_space<vmem>>, %arg15: memref<10000x128xf32, #tpu.memory_space<vmem_shared>>) attributes {dimension_semantics = [#tpu.dimension_semantics<core_parallel>, #tpu.dimension_semantics<subcore_parallel>], iteration_bounds = array<i64: 2, 16>, scalar_prefetch = 0 : i64, scratch_operands = 8 : i64, tpu.core_type = #tpu.core_type<sc_vector_subcore>, window_params = [{transform_indices = #map}, {transform_indices = #map}, {transform_indices = #map1}, {transform_indices = #map1}, {transform_indices = #map1}, {transform_indices = #map1}]} {
    %broadcast_in_dim3A = arith.constant 0.000000e+00 : f32
    %broadcast_in_dim3A_0 = vector.broadcast %broadcast_in_dim3A : f32 to vector<16xf32>
    %scan3A = arith.constant 0 : i32
    %scan3A_1 = arith.constant 0 : i32
    %scan3A_2 = arith.constant 25 : i32
    %scan3A_3 = arith.addi %scan3A_1, %scan3A_2 : i32
    %scan3A_4 = arith.constant 1 : i32
    %scan3A_5 = scf.for %scan3A_32 = %scan3A_1 to %scan3A_3 step %scan3A_4 iter_args(%scan3A_33 = %scan3A) -> (i32)  : i32 {
      %swap3A = arith.index_cast %scan3A_32 : i32 to index
      %swap3A_34 = arith.constant 0 : index
      %swap3A_35 = tpu.vector_load %arg14[%swap3A, %swap3A_34] {strides = array<i32>} : memref<25x128xf32, #tpu.memory_space<vmem>>, vector<16xf32>,
      tpu.vector_store %arg14[%swap3A, %swap3A_34], %broadcast_in_dim3A_0 {strides = array<i32>} : memref<25x128xf32, #tpu.memory_space<vmem>>, vector<16xf32>,
      %swap3A_36 = arith.index_cast %scan3A_32 : i32 to index
      %swap3A_37 = arith.constant 16 : index
      %swap3A_38 = tpu.vector_load %arg14[%swap3A_36, %swap3A_37] {strides = array<i32>} : memref<25x128xf32, #tpu.memory_space<vmem>>, vector<16xf32>,
      tpu.vector_store %arg14[%swap3A_36, %swap3A_37], %broadcast_in_dim3A_0 {strides = array<i32>} : memref<25x128xf32, #tpu.memory_space<vmem>>, vector<16xf32>,
      %swap3A_39 = arith.index_cast %scan3A_32 : i32 to index
      %swap3A_40 = arith.constant 32 : index
      %swap3A_41 = tpu.vector_load %arg14[%swap3A_39, %swap3A_40] {strides = array<i32>} : memref<25x128xf32, #tpu.memory_space<vmem>>, vector<16xf32>,
      tpu.vector_store %arg14[%swap3A_39, %swap3A_40], %broadcast_in_dim3A_0 {strides = array<i32>} : memref<25x128xf32, #tpu.memory_space<vmem>>, vector<16xf32>,
      %swap3A_42 = arith.index_cast %scan3A_32 : i32 to index
      %swap3A_43 = arith.constant 48 : index
      %swap3A_44 = tpu.vector_load %arg14[%swap3A_42, %swap3A_43] {strides = array<i32>} : memref<25x128xf32, #tpu.memory_space<vmem>>, vector<16xf32>,
      tpu.vector_store %arg14[%swap3A_42, %swap3A_43], %broadcast_in_dim3A_0 {strides = array<i32>} : memref<25x128xf32, #tpu.memory_space<vmem>>, vector<16xf32>,
      %swap3A_45 = arith.index_cast %scan3A_32 : i32 to index
      %swap3A_46 = arith.constant 64 : index
      %swap3A_47 = tpu.vector_load %arg14[%swap3A_45, %swap3A_46] {strides = array<i32>} : memref<25x128xf32, #tpu.memory_space<vmem>>, vector<16xf32>,
      tpu.vector_store %arg14[%swap3A_45, %swap3A_46], %broadcast_in_dim3A_0 {strides = array<i32>} : memref<25x128xf32, #tpu.memory_space<vmem>>, vector<16xf32>,
      %swap3A_48 = arith.index_cast %scan3A_32 : i32 to index
      %swap3A_49 = arith.constant 80 : index
      %swap3A_50 = tpu.vector_load %arg14[%swap3A_48, %swap3A_49] {strides = array<i32>} : memref<25x128xf32, #tpu.memory_space<vmem>>, vector<16xf32>,
      tpu.vector_store %arg14[%swap3A_48, %swap3A_49], %broadcast_in_dim3A_0 {strides = array<i32>} : memref<25x128xf32, #tpu.memory_space<vmem>>, vector<16xf32>,
      %swap3A_51 = arith.index_cast %scan3A_32 : i32 to index
      %swap3A_52 = arith.constant 96 : index
      %swap3A_53 = tpu.vector_load %arg14[%swap3A_51, %swap3A_52] {strides = array<i32>} : memref<25x128xf32, #tpu.memory_space<vmem>>, vector<16xf32>,
      tpu.vector_store %arg14[%swap3A_51, %swap3A_52], %broadcast_in_dim3A_0 {strides = array<i32>} : memref<25x128xf32, #tpu.memory_space<vmem>>, vector<16xf32>,
      %swap3A_54 = arith.index_cast %scan3A_32 : i32 to index
      %swap3A_55 = arith.constant 112 : index
      %swap3A_56 = tpu.vector_load %arg14[%swap3A_54, %swap3A_55] {strides = array<i32>} : memref<25x128xf32, #tpu.memory_space<vmem>>, vector<16xf32>,
      tpu.vector_store %arg14[%swap3A_54, %swap3A_55], %broadcast_in_dim3A_0 {strides = array<i32>} : memref<25x128xf32, #tpu.memory_space<vmem>>, vector<16xf32>,
      %scan3A_57 = arith.constant 0 : i32
      scf.yield %scan3A_57 : i32
    }
    %scan3A_6 = arith.constant 25 : i32
    %scan3A_7 = arith.constant 0 : i32
    %scan3A_8 = arith.constant 0 : i32
    %scan3A_9 = arith.constant 25 : i32
    %scan3A_10 = arith.addi %scan3A_8, %scan3A_9 : i32
    %scan3A_11 = arith.constant 1 : i32
    %scan3A_12 = scf.for %scan3A_32 = %scan3A_8 to %scan3A_10 step %scan3A_11 iter_args(%scan3A_33 = %scan3A_7) -> (i32)  : i32 {
      %mul3A_34 = arith.constant 16 : i32
      %mul3A_35 = arith.muli %scan3A_32, %mul3A_34 : i32
      %add3A = arith.addi %arg1, %mul3A_35 : i32
      %mul3A_36 = arith.constant 25 : i32
      %mul3A_37 = arith.muli %add3A, %mul3A_36 : i32
      "tpu.region"() ({
        %run_scoped3A = tpu.sem_alloc : memref<!tpu.dma_semaphore, #tpu.memory_space<semaphore_mem>>
        %dma_start3A = arith.constant 0 : i32
        %dma_start3A_39 = tpu.memref_slice %arg15[%mul3A_37, %dma_start3A] : memref<10000x128xf32, #tpu.memory_space<vmem_shared>> -> memref<25x128xf32, #tpu.memory_space<vmem_shared>>
        %dma_start3A_40 = arith.constant 0 : i32
        %dma_start3A_41 = tpu.memref_slice %arg15[%mul3A_37, %dma_start3A_40] : memref<10000x128xf32, #tpu.memory_space<vmem_shared>> -> memref<25x128xf32, #tpu.memory_space<vmem_shared>>
        tpu.enqueue_dma source(%arg14 : memref<25x128xf32, #tpu.memory_space<vmem>>) target(%dma_start3A_41 : memref<25x128xf32, #tpu.memory_space<vmem_shared>>) target_semaphore(%run_scoped3A : memref<!tpu.dma_semaphore, #tpu.memory_space<semaphore_mem>>)
        %dma_wait3A = arith.constant 0 : i32
        %dma_wait3A_42 = tpu.memref_slice %arg15[%mul3A_37, %dma_wait3A] : memref<10000x128xf32, #tpu.memory_space<vmem_shared>> -> memref<25x128xf32, #tpu.memory_space<vmem_shared>>
        %dma_wait3A_43 = arith.constant 0 : i32
        %dma_wait3A_44 = tpu.memref_slice %arg15[%mul3A_37, %dma_wait3A_43] : memref<10000x128xf32, #tpu.memory_space<vmem_shared>> -> memref<25x128xf32, #tpu.memory_space<vmem_shared>>
        tpu.wait_dma2 semaphore(%run_scoped3A : memref<!tpu.dma_semaphore, #tpu.memory_space<semaphore_mem>>) src(%arg14 : memref<25x128xf32, #tpu.memory_space<vmem>>) dst(%dma_wait3A_44 : memref<25x128xf32, #tpu.memory_space<vmem_shared>>)
        tpu.yield
      }) : () -> ()
      %scan3A_38 = arith.constant 0 : i32
      scf.yield %scan3A_38 : i32
    }
    %scan3A_13 = arith.constant 25 : i32
    %barrier3A = arith.constant 0 : index
    tpu.barrier barrier_id(%barrier3A)
    %mul3A = arith.constant 10000 : i32
    %mul3A_14 = arith.muli %arg1, %mul3A : i32
    %mul3A_15 = arith.constant 10000 : i32
    %mul3A_16 = arith.muli %arg0, %mul3A_15 : i32
    %scan3A_17 = arith.constant 0 : i32
    %scan3A_18 = arith.constant 0 : i32
    %scan3A_19 = arith.constant 125 : i32
    %scan3A_20 = arith.addi %scan3A_18, %scan3A_19 : i32
    %scan3A_21 = arith.constant 1 : i32
    %scan3A_22 = scf.for %scan3A_32 = %scan3A_18 to %scan3A_20 step %scan3A_21 iter_args(%scan3A_33 = %scan3A_17) -> (i32)  : i32 {
      %mul3A_34 = arith.constant 80 : i32
      %mul3A_35 = arith.muli %scan3A_32, %mul3A_34 : i32
      %add3A = arith.addi %mul3A_14, %mul3A_35 : i32
      "tpu.region"() ({
        %run_scoped3A = tpu.sem_alloc : memref<!tpu.dma_semaphore, #tpu.memory_space<semaphore_mem>>
        %dma_start3A = tpu.memref_slice %arg2[%add3A] : memref<160000xi32, #tpu.memory_space<hbm>> -> memref<80xi32, #tpu.memory_space<hbm>>
        %dma_start3A_114 = tpu.memref_slice %arg2[%add3A] : memref<160000xi32, #tpu.memory_space<hbm>> -> memref<80xi32, #tpu.memory_space<hbm>>
        tpu.enqueue_dma source(%dma_start3A_114 : memref<80xi32, #tpu.memory_space<hbm>>) target(%arg8 : memref<80xi32, #tpu.memory_space<vmem>>) target_semaphore(%run_scoped3A : memref<!tpu.dma_semaphore, #tpu.memory_space<semaphore_mem>>)
        %dma_wait3A = tpu.memref_slice %arg2[%add3A] : memref<160000xi32, #tpu.memory_space<hbm>> -> memref<80xi32, #tpu.memory_space<hbm>>
        %dma_wait3A_115 = tpu.memref_slice %arg2[%add3A] : memref<160000xi32, #tpu.memory_space<hbm>> -> memref<80xi32, #tpu.memory_space<hbm>>
        tpu.wait_dma2 semaphore(%run_scoped3A : memref<!tpu.dma_semaphore, #tpu.memory_space<semaphore_mem>>) src(%dma_wait3A_115 : memref<80xi32, #tpu.memory_space<hbm>>) dst(%arg8 : memref<80xi32, #tpu.memory_space<vmem>>)
        tpu.yield
      }) : () -> ()
      "tpu.region"() ({
        %run_scoped3A = tpu.sem_alloc : memref<!tpu.dma_semaphore, #tpu.memory_space<semaphore_mem>>
        %dma_start3A = tpu.memref_slice %arg3[%add3A] : memref<160000xi32, #tpu.memory_space<hbm>> -> memref<80xi32, #tpu.memory_space<hbm>>
        %dma_start3A_114 = tpu.memref_slice %arg3[%add3A] : memref<160000xi32, #tpu.memory_space<hbm>> -> memref<80xi32, #tpu.memory_space<hbm>>
        tpu.enqueue_dma source(%dma_start3A_114 : memref<80xi32, #tpu.memory_space<hbm>>) target(%arg9 : memref<80xi32, #tpu.memory_space<vmem>>) target_semaphore(%run_scoped3A : memref<!tpu.dma_semaphore, #tpu.memory_space<semaphore_mem>>)
        %dma_wait3A = tpu.memref_slice %arg3[%add3A] : memref<160000xi32, #tpu.memory_space<hbm>> -> memref<80xi32, #tpu.memory_space<hbm>>
        %dma_wait3A_115 = tpu.memref_slice %arg3[%add3A] : memref<160000xi32, #tpu.memory_space<hbm>> -> memref<80xi32, #tpu.memory_space<hbm>>
        tpu.wait_dma2 semaphore(%run_scoped3A : memref<!tpu.dma_semaphore, #tpu.memory_space<semaphore_mem>>) src(%dma_wait3A_115 : memref<80xi32, #tpu.memory_space<hbm>>) dst(%arg9 : memref<80xi32, #tpu.memory_space<vmem>>)
        tpu.yield
      }) : () -> ()
      %mul3A_36 = arith.constant 160000 : i32
      %mul3A_37 = arith.muli %arg0, %mul3A_36 : i32
      %add3A_38 = arith.addi %mul3A_37, %add3A : i32
      "tpu.region"() ({
        %run_scoped3A = tpu.sem_alloc : memref<!tpu.dma_semaphore, #tpu.memory_space<semaphore_mem>>
        %dma_start3A = arith.constant 0 : i32
        %dma_start3A_114 = tpu.memref_slice %arg4[%add3A_38, %dma_start3A] : memref<320000x16xf32, #tpu.memory_space<hbm>> -> memref<80x16xf32, #tpu.memory_space<hbm>>
        %dma_start3A_115 = arith.constant 0 : i32
        %dma_start3A_116 = tpu.memref_slice %arg4[%add3A_38, %dma_start3A_115] : memref<320000x16xf32, #tpu.memory_space<hbm>> -> memref<80x16xf32, #tpu.memory_space<hbm>>
        tpu.enqueue_dma source(%dma_start3A_116 : memref<80x16xf32, #tpu.memory_space<hbm>>) target(%arg11 : memref<80x16xf32, #tpu.memory_space<vmem>>) target_semaphore(%run_scoped3A : memref<!tpu.dma_semaphore, #tpu.memory_space<semaphore_mem>>)
        %dma_wait3A = arith.constant 0 : i32
        %dma_wait3A_117 = tpu.memref_slice %arg4[%add3A_38, %dma_wait3A] : memref<320000x16xf32, #tpu.memory_space<hbm>> -> memref<80x16xf32, #tpu.memory_space<hbm>>
        %dma_wait3A_118 = arith.constant 0 : i32
        %dma_wait3A_119 = tpu.memref_slice %arg4[%add3A_38, %dma_wait3A_118] : memref<320000x16xf32, #tpu.memory_space<hbm>> -> memref<80x16xf32, #tpu.memory_space<hbm>>
        tpu.wait_dma2 semaphore(%run_scoped3A : memref<!tpu.dma_semaphore, #tpu.memory_space<semaphore_mem>>) src(%dma_wait3A_119 : memref<80x16xf32, #tpu.memory_space<hbm>>) dst(%arg11 : memref<80x16xf32, #tpu.memory_space<vmem>>)
        tpu.yield
      }) : () -> ()
      %get3A = arith.constant 0 : index
      %get3A_39 = tpu.vector_load %arg9[%get3A] {strides = array<i32>} : memref<80xi32, #tpu.memory_space<vmem>>, vector<16xi32>,
      %add3A_40 = vector.broadcast %mul3A_16 : i32 to vector<16xi32>
      %add3A_41 = arith.addi %get3A_39, %add3A_40 : vector<16xi32>
      %swap3A = arith.constant 0 : index
      %swap3A_42 = tpu.vector_load %arg10[%swap3A] {strides = array<i32>} : memref<80xi32, #tpu.memory_space<vmem>>, vector<16xi32>,
      tpu.vector_store %arg10[%swap3A], %add3A_41 {strides = array<i32>} : memref<80xi32, #tpu.memory_space<vmem>>, vector<16xi32>,
      %get3A_43 = arith.constant 0 : index
      %get3A_44 = tpu.vector_load %arg8[%get3A_43] {strides = array<i32>} : memref<80xi32, #tpu.memory_space<vmem>>, vector<16xi32>,
      %add3A_45 = vector.broadcast %mul3A_16 : i32 to vector<16xi32>
      %add3A_46 = arith.addi %get3A_44, %add3A_45 : vector<16xi32>
      %swap3A_47 = arith.constant 0 : index
      %swap3A_48 = tpu.vector_load %arg8[%swap3A_47] {strides = array<i32>} : memref<80xi32, #tpu.memory_space<vmem>>, vector<16xi32>,
      tpu.vector_store %arg8[%swap3A_47], %add3A_46 {strides = array<i32>} : memref<80xi32, #tpu.memory_space<vmem>>, vector<16xi32>,
      %get3A_49 = arith.constant 16 : index
      %get3A_50 = tpu.vector_load %arg9[%get3A_49] {strides = array<i32>} : memref<80xi32, #tpu.memory_space<vmem>>, vector<16xi32>,
      %add3A_51 = vector.broadcast %mul3A_16 : i32 to vector<16xi32>
      %add3A_52 = arith.addi %get3A_50, %add3A_51 : vector<16xi32>
      %swap3A_53 = arith.constant 16 : index
      %swap3A_54 = tpu.vector_load %arg10[%swap3A_53] {strides = array<i32>} : memref<80xi32, #tpu.memory_space<vmem>>, vector<16xi32>,
      tpu.vector_store %arg10[%swap3A_53], %add3A_52 {strides = array<i32>} : memref<80xi32, #tpu.memory_space<vmem>>, vector<16xi32>,
      %get3A_55 = arith.constant 16 : index
      %get3A_56 = tpu.vector_load %arg8[%get3A_55] {strides = array<i32>} : memref<80xi32, #tpu.memory_space<vmem>>, vector<16xi32>,
      %add3A_57 = vector.broadcast %mul3A_16 : i32 to vector<16xi32>
      %add3A_58 = arith.addi %get3A_56, %add3A_57 : vector<16xi32>
      %swap3A_59 = arith.constant 16 : index
      %swap3A_60 = tpu.vector_load %arg8[%swap3A_59] {strides = array<i32>} : memref<80xi32, #tpu.memory_space<vmem>>, vector<16xi32>,
      tpu.vector_store %arg8[%swap3A_59], %add3A_58 {strides = array<i32>} : memref<80xi32, #tpu.memory_space<vmem>>, vector<16xi32>,
      %get3A_61 = arith.constant 32 : index
      %get3A_62 = tpu.vector_load %arg9[%get3A_61] {strides = array<i32>} : memref<80xi32, #tpu.memory_space<vmem>>, vector<16xi32>,
      %add3A_63 = vector.broadcast %mul3A_16 : i32 to vector<16xi32>
      %add3A_64 = arith.addi %get3A_62, %add3A_63 : vector<16xi32>
      %swap3A_65 = arith.constant 32 : index
      %swap3A_66 = tpu.vector_load %arg10[%swap3A_65] {strides = array<i32>} : memref<80xi32, #tpu.memory_space<vmem>>, vector<16xi32>,
      tpu.vector_store %arg10[%swap3A_65], %add3A_64 {strides = array<i32>} : memref<80xi32, #tpu.memory_space<vmem>>, vector<16xi32>,
      %get3A_67 = arith.constant 32 : index
      %get3A_68 = tpu.vector_load %arg8[%get3A_67] {strides = array<i32>} : memref<80xi32, #tpu.memory_space<vmem>>, vector<16xi32>,
      %add3A_69 = vector.broadcast %mul3A_16 : i32 to vector<16xi32>
      %add3A_70 = arith.addi %get3A_68, %add3A_69 : vector<16xi32>
      %swap3A_71 = arith.constant 32 : index
      %swap3A_72 = tpu.vector_load %arg8[%swap3A_71] {strides = array<i32>} : memref<80xi32, #tpu.memory_space<vmem>>, vector<16xi32>,
      tpu.vector_store %arg8[%swap3A_71], %add3A_70 {strides = array<i32>} : memref<80xi32, #tpu.memory_space<vmem>>, vector<16xi32>,
      %get3A_73 = arith.constant 48 : index
      %get3A_74 = tpu.vector_load %arg9[%get3A_73] {strides = array<i32>} : memref<80xi32, #tpu.memory_space<vmem>>, vector<16xi32>,
      %add3A_75 = vector.broadcast %mul3A_16 : i32 to vector<16xi32>
      %add3A_76 = arith.addi %get3A_74, %add3A_75 : vector<16xi32>
      %swap3A_77 = arith.constant 48 : index
      %swap3A_78 = tpu.vector_load %arg10[%swap3A_77] {strides = array<i32>} : memref<80xi32, #tpu.memory_space<vmem>>, vector<16xi32>,
      tpu.vector_store %arg10[%swap3A_77], %add3A_76 {strides = array<i32>} : memref<80xi32, #tpu.memory_space<vmem>>, vector<16xi32>,
      %get3A_79 = arith.constant 48 : index
      %get3A_80 = tpu.vector_load %arg8[%get3A_79] {strides = array<i32>} : memref<80xi32, #tpu.memory_space<vmem>>, vector<16xi32>,
      %add3A_81 = vector.broadcast %mul3A_16 : i32 to vector<16xi32>
      %add3A_82 = arith.addi %get3A_80, %add3A_81 : vector<16xi32>
      %swap3A_83 = arith.constant 48 : index
      %swap3A_84 = tpu.vector_load %arg8[%swap3A_83] {strides = array<i32>} : memref<80xi32, #tpu.memory_space<vmem>>, vector<16xi32>,
      tpu.vector_store %arg8[%swap3A_83], %add3A_82 {strides = array<i32>} : memref<80xi32, #tpu.memory_space<vmem>>, vector<16xi32>,
      %get3A_85 = arith.constant 64 : index
      %get3A_86 = tpu.vector_load %arg9[%get3A_85] {strides = array<i32>} : memref<80xi32, #tpu.memory_space<vmem>>, vector<16xi32>,
      %add3A_87 = vector.broadcast %mul3A_16 : i32 to vector<16xi32>
      %add3A_88 = arith.addi %get3A_86, %add3A_87 : vector<16xi32>
      %swap3A_89 = arith.constant 64 : index
      %swap3A_90 = tpu.vector_load %arg10[%swap3A_89] {strides = array<i32>} : memref<80xi32, #tpu.memory_space<vmem>>, vector<16xi32>,
      tpu.vector_store %arg10[%swap3A_89], %add3A_88 {strides = array<i32>} : memref<80xi32, #tpu.memory_space<vmem>>, vector<16xi32>,
      %get3A_91 = arith.constant 64 : index
      %get3A_92 = tpu.vector_load %arg8[%get3A_91] {strides = array<i32>} : memref<80xi32, #tpu.memory_space<vmem>>, vector<16xi32>,
      %add3A_93 = vector.broadcast %mul3A_16 : i32 to vector<16xi32>
      %add3A_94 = arith.addi %get3A_92, %add3A_93 : vector<16xi32>
      %swap3A_95 = arith.constant 64 : index
      %swap3A_96 = tpu.vector_load %arg8[%swap3A_95] {strides = array<i32>} : memref<80xi32, #tpu.memory_space<vmem>>, vector<16xi32>,
      tpu.vector_store %arg8[%swap3A_95], %add3A_94 {strides = array<i32>} : memref<80xi32, #tpu.memory_space<vmem>>, vector<16xi32>,
      "tpu.region"() ({
        %run_scoped3A = tpu.sem_alloc : memref<!tpu.dma_semaphore, #tpu.memory_space<semaphore_mem>>
        %dma_start3A = arith.constant 0 : i32
        %dma_start3A_114 = arith.constant 0 : i32
        %dma_start3A_115 = tpu.memref_slice %arg5[%dma_start3A, %dma_start3A_114] : memref<20000x16xf32, #tpu.memory_space<hbm>> -> memref<20000x16xf32, #tpu.memory_space<hbm>>
        tpu.enqueue_indirect_dma source(%dma_start3A_115 : memref<20000x16xf32, #tpu.memory_space<hbm>>) target(%arg12 : memref<80x16xf32, #tpu.memory_space<vmem>>) offsets(%arg10 : memref<80xi32, #tpu.memory_space<vmem>>) semaphore(%run_scoped3A : memref<!tpu.dma_semaphore, #tpu.memory_space<semaphore_mem>>)
        %dma_wait3A = arith.constant 0 : i32
        %dma_wait3A_116 = arith.constant 0 : i32
        %dma_wait3A_117 = tpu.memref_slice %arg5[%dma_wait3A, %dma_wait3A_116] : memref<20000x16xf32, #tpu.memory_space<hbm>> -> memref<20000x16xf32, #tpu.memory_space<hbm>>
        tpu.wait_indirect_dma semaphore(%run_scoped3A : memref<!tpu.dma_semaphore, #tpu.memory_space<semaphore_mem>>) src(%dma_wait3A_117 : memref<20000x16xf32, #tpu.memory_space<hbm>>) dst(%arg12 : memref<80x16xf32, #tpu.memory_space<vmem>>)
        tpu.yield
      }) : () -> ()
      %scan3A_97 = arith.constant 0 : i32
      %scan3A_98 = arith.constant 0 : i32
      %scan3A_99 = arith.constant 80 : i32
      %scan3A_100 = arith.addi %scan3A_98, %scan3A_99 : i32
      %scan3A_101 = arith.constant 1 : i32
      %scan3A_102 = scf.for %scan3A_114 = %scan3A_98 to %scan3A_100 step %scan3A_101 iter_args(%scan3A_115 = %scan3A_97) -> (i32)  : i32 {
        %get3A_116 = arith.index_cast %scan3A_114 : i32 to index
        %get3A_117 = arith.constant 0 : index
        %get3A_118 = tpu.vector_load %arg11[%get3A_116, %get3A_117] {strides = array<i32>} : memref<80x16xf32, #tpu.memory_space<vmem>>, vector<16xf32>,
        %get3A_119 = arith.index_cast %scan3A_114 : i32 to index
        %get3A_120 = arith.constant 0 : index
        %get3A_121 = tpu.vector_load %arg12[%get3A_119, %get3A_120] {strides = array<i32>} : memref<80x16xf32, #tpu.memory_space<vmem>>, vector<16xf32>,
        %add3A_122 = arith.constant 9.99999971E-10 : f32
        %add3A_123 = vector.broadcast %add3A_122 : f32 to vector<16xf32>
        %add3A_124 = arith.addf %get3A_121, %add3A_123 : vector<16xf32>
        %div3A = arith.divf %get3A_118, %add3A_124 : vector<16xf32>
        %swap3A_125 = arith.index_cast %scan3A_114 : i32 to index
        %swap3A_126 = arith.constant 0 : index
        %swap3A_127 = tpu.vector_load %arg11[%swap3A_125, %swap3A_126] {strides = array<i32>} : memref<80x16xf32, #tpu.memory_space<vmem>>, vector<16xf32>,
        tpu.vector_store %arg11[%swap3A_125, %swap3A_126], %div3A {strides = array<i32>} : memref<80x16xf32, #tpu.memory_space<vmem>>, vector<16xf32>,
        %scan3A_128 = arith.constant 0 : i32
        scf.yield %scan3A_128 : i32
      }
      %scan3A_103 = arith.constant 80 : i32
      "tpu.region"() ({
        %run_scoped3A = tpu.sem_alloc : memref<!tpu.dma_semaphore, #tpu.memory_space<semaphore_mem>>
        %dma_start3A = arith.constant 0 : i32
        %dma_start3A_114 = arith.constant 0 : i32
        %dma_start3A_115 = tpu.memref_slice %arg6[%dma_start3A, %dma_start3A_114] : memref<20000x128xf32, #tpu.memory_space<hbm>> -> memref<20000x128xf32, #tpu.memory_space<hbm>>
        tpu.enqueue_indirect_dma source(%dma_start3A_115 : memref<20000x128xf32, #tpu.memory_space<hbm>>) target(%arg13 : memref<80x128xf32, #tpu.memory_space<vmem>>) offsets(%arg8 : memref<80xi32, #tpu.memory_space<vmem>>) semaphore(%run_scoped3A : memref<!tpu.dma_semaphore, #tpu.memory_space<semaphore_mem>>)
        %dma_wait3A = arith.constant 0 : i32
        %dma_wait3A_116 = arith.constant 0 : i32
        %dma_wait3A_117 = tpu.memref_slice %arg6[%dma_wait3A, %dma_wait3A_116] : memref<20000x128xf32, #tpu.memory_space<hbm>> -> memref<20000x128xf32, #tpu.memory_space<hbm>>
        tpu.wait_indirect_dma semaphore(%run_scoped3A : memref<!tpu.dma_semaphore, #tpu.memory_space<semaphore_mem>>) src(%dma_wait3A_117 : memref<20000x128xf32, #tpu.memory_space<hbm>>) dst(%arg13 : memref<80x128xf32, #tpu.memory_space<vmem>>)
        tpu.yield
      }) : () -> ()
      %broadcast_in_dim3A_104 = arith.constant 0 : i32
      %broadcast_in_dim3A_105 = vector.broadcast %broadcast_in_dim3A_104 : i32 to vector<16xi32>
      %scan3A_106 = arith.constant 0 : i32
      %scan3A_107 = arith.constant 0 : i32
      %scan3A_108 = arith.constant 80 : i32
      %scan3A_109 = arith.addi %scan3A_107, %scan3A_108 : i32
      %scan3A_110 = arith.constant 1 : i32
      %scan3A_111 = scf.for %scan3A_114 = %scan3A_107 to %scan3A_109 step %scan3A_110 iter_args(%scan3A_115 = %scan3A_106) -> (i32)  : i32 {
        %get3A_116 = arith.index_cast %scan3A_114 : i32 to index
        %get3A_117 = arith.constant 0 : index
        %get3A_118 = tpu.vector_load %arg11[%get3A_116, %get3A_117] {strides = array<i32>} : memref<80x16xf32, #tpu.memory_space<vmem>>, vector<16xf32>,
        %lt3A = arith.constant 0 : i32
        %lt3A_119 = vector.broadcast %lt3A : i32 to vector<16xi32>
        %lt3A_120 = arith.cmpi slt, %broadcast_in_dim3A_105, %lt3A_119 : vector<16xi32>
        %add3A_121 = arith.constant 16 : i32
        %add3A_122 = vector.broadcast %add3A_121 : i32 to vector<16xi32>
        %add3A_123 = arith.addi %broadcast_in_dim3A_105, %add3A_122 : vector<16xi32>
        %select_n3A = arith.select %lt3A_120, %add3A_123, %broadcast_in_dim3A_105 : vector<16xi1>, vector<16xi32>
        %broadcast_in_dim3A_124 = vector.shape_cast %select_n3A : vector<16xi32> to vector<16x1xi32>
        %gather3A = vector.shape_cast %broadcast_in_dim3A_124 : vector<16x1xi32> to vector<16xi32>
        %gather3A_125 = tpu.dynamic_gather %get3A_118[%gather3A] in [0] : vector<16xf32>, vector<16xi32> -> vector<16xf32>
        %add3A_126 = arith.constant 1 : i32
        %add3A_127 = vector.broadcast %add3A_126 : i32 to vector<16xi32>
        %add3A_128 = arith.addi %broadcast_in_dim3A_105, %add3A_127 : vector<16xi32>
        %lt3A_129 = arith.constant 0 : i32
        %lt3A_130 = vector.broadcast %lt3A_129 : i32 to vector<16xi32>
        %lt3A_131 = arith.cmpi slt, %add3A_128, %lt3A_130 : vector<16xi32>
        %add3A_132 = arith.constant 16 : i32
        %add3A_133 = vector.broadcast %add3A_132 : i32 to vector<16xi32>
        %add3A_134 = arith.addi %add3A_128, %add3A_133 : vector<16xi32>
        %select_n3A_135 = arith.select %lt3A_131, %add3A_134, %add3A_128 : vector<16xi1>, vector<16xi32>
        %broadcast_in_dim3A_136 = vector.shape_cast %select_n3A_135 : vector<16xi32> to vector<16x1xi32>
        %gather3A_137 = vector.shape_cast %broadcast_in_dim3A_136 : vector<16x1xi32> to vector<16xi32>
        %gather3A_138 = tpu.dynamic_gather %get3A_118[%gather3A_137] in [0] : vector<16xf32>, vector<16xi32> -> vector<16xf32>
        %get3A_139 = arith.index_cast %scan3A_114 : i32 to index
        %get3A_140 = arith.constant 0 : index
        %get3A_141 = tpu.vector_load %arg13[%get3A_139, %get3A_140] {strides = array<i32>} : memref<80x128xf32, #tpu.memory_space<vmem>>, vector<16xf32>,
        %mul3A_142 = arith.mulf %get3A_141, %gather3A_125 : vector<16xf32>
        %swap3A_143 = arith.index_cast %scan3A_114 : i32 to index
        %swap3A_144 = arith.constant 0 : index
        %swap3A_145 = tpu.vector_load %arg13[%swap3A_143, %swap3A_144] {strides = array<i32>} : memref<80x128xf32, #tpu.memory_space<vmem>>, vector<16xf32>,
        tpu.vector_store %arg13[%swap3A_143, %swap3A_144], %mul3A_142 {strides = array<i32>} : memref<80x128xf32, #tpu.memory_space<vmem>>, vector<16xf32>,
        %get3A_146 = arith.index_cast %scan3A_114 : i32 to index
        %get3A_147 = arith.constant 16 : index
        %get3A_148 = tpu.vector_load %arg13[%get3A_146, %get3A_147] {strides = array<i32>} : memref<80x128xf32, #tpu.memory_space<vmem>>, vector<16xf32>,
        %mul3A_149 = arith.mulf %get3A_148, %gather3A_125 : vector<16xf32>
        %swap3A_150 = arith.index_cast %scan3A_114 : i32 to index
        %swap3A_151 = arith.constant 16 : index
        %swap3A_152 = tpu.vector_load %arg13[%swap3A_150, %swap3A_151] {strides = array<i32>} : memref<80x128xf32, #tpu.memory_space<vmem>>, vector<16xf32>,
        tpu.vector_store %arg13[%swap3A_150, %swap3A_151], %mul3A_149 {strides = array<i32>} : memref<80x128xf32, #tpu.memory_space<vmem>>, vector<16xf32>,
        %get3A_153 = arith.index_cast %scan3A_114 : i32 to index
        %get3A_154 = arith.constant 32 : index
        %get3A_155 = tpu.vector_load %arg13[%get3A_153, %get3A_154] {strides = array<i32>} : memref<80x128xf32, #tpu.memory_space<vmem>>, vector<16xf32>,
        %mul3A_156 = arith.mulf %get3A_155, %gather3A_125 : vector<16xf32>
        %swap3A_157 = arith.index_cast %scan3A_114 : i32 to index
        %swap3A_158 = arith.constant 32 : index
        %swap3A_159 = tpu.vector_load %arg13[%swap3A_157, %swap3A_158] {strides = array<i32>} : memref<80x128xf32, #tpu.memory_space<vmem>>, vector<16xf32>,
        tpu.vector_store %arg13[%swap3A_157, %swap3A_158], %mul3A_156 {strides = array<i32>} : memref<80x128xf32, #tpu.memory_space<vmem>>, vector<16xf32>,
        %get3A_160 = arith.index_cast %scan3A_114 : i32 to index
        %get3A_161 = arith.constant 48 : index
        %get3A_162 = tpu.vector_load %arg13[%get3A_160, %get3A_161] {strides = array<i32>} : memref<80x128xf32, #tpu.memory_space<vmem>>, vector<16xf32>,
        %mul3A_163 = arith.mulf %get3A_162, %gather3A_125 : vector<16xf32>
        %swap3A_164 = arith.index_cast %scan3A_114 : i32 to index
        %swap3A_165 = arith.constant 48 : index
        %swap3A_166 = tpu.vector_load %arg13[%swap3A_164, %swap3A_165] {strides = array<i32>} : memref<80x128xf32, #tpu.memory_space<vmem>>, vector<16xf32>,
        tpu.vector_store %arg13[%swap3A_164, %swap3A_165], %mul3A_163 {strides = array<i32>} : memref<80x128xf32, #tpu.memory_space<vmem>>, vector<16xf32>,
        %get3A_167 = arith.index_cast %scan3A_114 : i32 to index
        %get3A_168 = arith.constant 64 : index
        %get3A_169 = tpu.vector_load %arg13[%get3A_167, %get3A_168] {strides = array<i32>} : memref<80x128xf32, #tpu.memory_space<vmem>>, vector<16xf32>,
        %mul3A_170 = arith.mulf %get3A_169, %gather3A_138 : vector<16xf32>
        %swap3A_171 = arith.index_cast %scan3A_114 : i32 to index
        %swap3A_172 = arith.constant 64 : index
        %swap3A_173 = tpu.vector_load %arg13[%swap3A_171, %swap3A_172] {strides = array<i32>} : memref<80x128xf32, #tpu.memory_space<vmem>>, vector<16xf32>,
        tpu.vector_store %arg13[%swap3A_171, %swap3A_172], %mul3A_170 {strides = array<i32>} : memref<80x128xf32, #tpu.memory_space<vmem>>, vector<16xf32>,
        %get3A_174 = arith.index_cast %scan3A_114 : i32 to index
        %get3A_175 = arith.constant 80 : index
        %get3A_176 = tpu.vector_load %arg13[%get3A_174, %get3A_175] {strides = array<i32>} : memref<80x128xf32, #tpu.memory_space<vmem>>, vector<16xf32>,
        %mul3A_177 = arith.mulf %get3A_176, %gather3A_138 : vector<16xf32>
        %swap3A_178 = arith.index_cast %scan3A_114 : i32 to index
        %swap3A_179 = arith.constant 80 : index
        %swap3A_180 = tpu.vector_load %arg13[%swap3A_178, %swap3A_179] {strides = array<i32>} : memref<80x128xf32, #tpu.memory_space<vmem>>, vector<16xf32>,
        tpu.vector_store %arg13[%swap3A_178, %swap3A_179], %mul3A_177 {strides = array<i32>} : memref<80x128xf32, #tpu.memory_space<vmem>>, vector<16xf32>,
        %get3A_181 = arith.index_cast %scan3A_114 : i32 to index
        %get3A_182 = arith.constant 96 : index
        %get3A_183 = tpu.vector_load %arg13[%get3A_181, %get3A_182] {strides = array<i32>} : memref<80x128xf32, #tpu.memory_space<vmem>>, vector<16xf32>,
        %mul3A_184 = arith.mulf %get3A_183, %gather3A_138 : vector<16xf32>
        %swap3A_185 = arith.index_cast %scan3A_114 : i32 to index
        %swap3A_186 = arith.constant 96 : index
        %swap3A_187 = tpu.vector_load %arg13[%swap3A_185, %swap3A_186] {strides = array<i32>} : memref<80x128xf32, #tpu.memory_space<vmem>>, vector<16xf32>,
        tpu.vector_store %arg13[%swap3A_185, %swap3A_186], %mul3A_184 {strides = array<i32>} : memref<80x128xf32, #tpu.memory_space<vmem>>, vector<16xf32>,
        %get3A_188 = arith.index_cast %scan3A_114 : i32 to index
        %get3A_189 = arith.constant 112 : index
        %get3A_190 = tpu.vector_load %arg13[%get3A_188, %get3A_189] {strides = array<i32>} : memref<80x128xf32, #tpu.memory_space<vmem>>, vector<16xf32>,
        %mul3A_191 = arith.mulf %get3A_190, %gather3A_138 : vector<16xf32>
        %swap3A_192 = arith.index_cast %scan3A_114 : i32 to index
        %swap3A_193 = arith.constant 112 : index
        %swap3A_194 = tpu.vector_load %arg13[%swap3A_192, %swap3A_193] {strides = array<i32>} : memref<80x128xf32, #tpu.memory_space<vmem>>, vector<16xf32>,
        tpu.vector_store %arg13[%swap3A_192, %swap3A_193], %mul3A_191 {strides = array<i32>} : memref<80x128xf32, #tpu.memory_space<vmem>>, vector<16xf32>,
        %scan3A_195 = arith.constant 0 : i32
        scf.yield %scan3A_195 : i32
      }
      %scan3A_112 = arith.constant 80 : i32
      "tpu.region"() ({
        %run_scoped3A = tpu.sem_alloc : memref<!tpu.dma_semaphore, #tpu.memory_space<semaphore_mem>>
        %dma_start3A = arith.constant 0 : i32
        %dma_start3A_114 = arith.constant 0 : i32
        %dma_start3A_115 = tpu.memref_slice %arg15[%dma_start3A, %dma_start3A_114] : memref<10000x128xf32, #tpu.memory_space<vmem_shared>> -> memref<10000x128xf32, #tpu.memory_space<vmem_shared>>
        tpu.enqueue_indirect_dma source(%arg13 : memref<80x128xf32, #tpu.memory_space<vmem>>) target(%dma_start3A_115 : memref<10000x128xf32, #tpu.memory_space<vmem_shared>>) offsets(%arg9 : memref<80xi32, #tpu.memory_space<vmem>>) semaphore(%run_scoped3A : memref<!tpu.dma_semaphore, #tpu.memory_space<semaphore_mem>>) {add = true}
        %dma_wait3A = arith.constant 0 : i32
        %dma_wait3A_116 = arith.constant 0 : i32
        %dma_wait3A_117 = tpu.memref_slice %arg15[%dma_wait3A, %dma_wait3A_116] : memref<10000x128xf32, #tpu.memory_space<vmem_shared>> -> memref<10000x128xf32, #tpu.memory_space<vmem_shared>>
        tpu.wait_indirect_dma semaphore(%run_scoped3A : memref<!tpu.dma_semaphore, #tpu.memory_space<semaphore_mem>>) src(%arg13 : memref<80x128xf32, #tpu.memory_space<vmem>>) dst(%dma_wait3A_117 : memref<10000x128xf32, #tpu.memory_space<vmem_shared>>)
        tpu.yield
      }) : () -> ()
      %scan3A_113 = arith.constant 0 : i32
      scf.yield %scan3A_113 : i32
    }
    %scan3A_23 = arith.constant 125 : i32
    %barrier3A_24 = arith.constant 0 : index
    tpu.barrier barrier_id(%barrier3A_24)
    %scan3A_25 = arith.constant 0 : i32
    %scan3A_26 = arith.constant 0 : i32
    %scan3A_27 = arith.constant 25 : i32
    %scan3A_28 = arith.addi %scan3A_26, %scan3A_27 : i32
    %scan3A_29 = arith.constant 1 : i32
    %scan3A_30 = scf.for %scan3A_32 = %scan3A_26 to %scan3A_28 step %scan3A_29 iter_args(%scan3A_33 = %scan3A_25) -> (i32)  : i32 {
      %mul3A_34 = arith.constant 16 : i32
      %mul3A_35 = arith.muli %scan3A_32, %mul3A_34 : i32
      %add3A = arith.addi %arg1, %mul3A_35 : i32
      %mul3A_36 = arith.constant 25 : i32
      %mul3A_37 = arith.muli %add3A, %mul3A_36 : i32
      %mul3A_38 = arith.constant 25 : i32
      %mul3A_39 = arith.muli %add3A, %mul3A_38 : i32
      %add3A_40 = arith.addi %mul3A_16, %mul3A_39 : i32
      "tpu.region"() ({
        %run_scoped3A = tpu.sem_alloc : memref<!tpu.dma_semaphore, #tpu.memory_space<semaphore_mem>>
        %dma_start3A = arith.constant 0 : i32
        %dma_start3A_42 = tpu.memref_slice %arg7[%add3A_40, %dma_start3A] : memref<20000x128xf32, #tpu.memory_space<hbm>> -> memref<25x128xf32, #tpu.memory_space<hbm>>
        %dma_start3A_43 = arith.constant 0 : i32
        %dma_start3A_44 = tpu.memref_slice %arg15[%mul3A_37, %dma_start3A_43] : memref<10000x128xf32, #tpu.memory_space<vmem_shared>> -> memref<25x128xf32, #tpu.memory_space<vmem_shared>>
        tpu.enqueue_dma source(%dma_start3A_44 : memref<25x128xf32, #tpu.memory_space<vmem_shared>>) target(%dma_start3A_42 : memref<25x128xf32, #tpu.memory_space<hbm>>) target_semaphore(%run_scoped3A : memref<!tpu.dma_semaphore, #tpu.memory_space<semaphore_mem>>)
        %dma_wait3A = arith.constant 0 : i32
        %dma_wait3A_45 = tpu.memref_slice %arg7[%add3A_40, %dma_wait3A] : memref<20000x128xf32, #tpu.memory_space<hbm>> -> memref<25x128xf32, #tpu.memory_space<hbm>>
        %dma_wait3A_46 = arith.constant 0 : i32
        %dma_wait3A_47 = tpu.memref_slice %arg15[%mul3A_37, %dma_wait3A_46] : memref<10000x128xf32, #tpu.memory_space<vmem_shared>> -> memref<25x128xf32, #tpu.memory_space<vmem_shared>>
        tpu.wait_dma2 semaphore(%run_scoped3A : memref<!tpu.dma_semaphore, #tpu.memory_space<semaphore_mem>>) src(%dma_wait3A_47 : memref<25x128xf32, #tpu.memory_space<vmem_shared>>) dst(%dma_wait3A_45 : memref<25x128xf32, #tpu.memory_space<hbm>>)
        tpu.yield
      }) : () -> ()
      %scan3A_41 = arith.constant 0 : i32
      scf.yield %scan3A_41 : i32
    }
    %scan3A_31 = arith.constant 25 : i32
    return
  }
}

#map = affine_map<(d0, d1) -> (0)>
#map1 = affine_map<(d0, d1) -> (0, 0)>
module attributes {stable_mosaic.version = 14 : i64} {
  func.func @_sc_sent_kernel(%arg0: i32, %arg1: i32, %arg2: memref<640xi32, #tpu.memory_space<hbm>>, %arg3: memref<10000x256xf32, #tpu.memory_space<hbm>>, %arg4: memref<20000x128xf32, #tpu.memory_space<hbm>>, %arg5: memref<640x256xf32, #tpu.memory_space<hbm>>, %arg6: memref<640x128xf32, #tpu.memory_space<hbm>>, %arg7: memref<640x128xf32, #tpu.memory_space<hbm>>, %arg8: memref<40xi32, #tpu.memory_space<vmem>>, %arg9: memref<40xi32, #tpu.memory_space<vmem>>, %arg10: memref<40x256xf32, #tpu.memory_space<vmem>>, %arg11: memref<40x128xf32, #tpu.memory_space<vmem>>) attributes {dimension_semantics = [#tpu.dimension_semantics<core_parallel>, #tpu.dimension_semantics<subcore_parallel>], iteration_bounds = array<i64: 2, 16>, scalar_prefetch = 0 : i64, scratch_operands = 4 : i64, tpu.core_type = #tpu.core_type<sc_vector_subcore>, window_params = [{transform_indices = #map}, {transform_indices = #map1}, {transform_indices = #map1}, {transform_indices = #map1}, {transform_indices = #map1}, {transform_indices = #map1}]} {
    %eq3A = arith.constant 0 : i32
    %eq3A_0 = arith.cmpi eq, %arg0, %eq3A : i32
    %convert_element_type3A = arith.extui %eq3A_0 : i1 to i32
    %cond3A = arith.constant 0 : i32
    %cond3A_1 = arith.cmpi ne, %convert_element_type3A, %cond3A : i32
    scf.if %cond3A_1 {
      %mul3A = arith.constant 40 : i32
      %mul3A_2 = arith.muli %arg1, %mul3A : i32
      "tpu.region"() ({
        %run_scoped3A = tpu.sem_alloc : memref<!tpu.dma_semaphore, #tpu.memory_space<semaphore_mem>>
        %dma_start3A = tpu.memref_slice %arg2[%mul3A_2] : memref<640xi32, #tpu.memory_space<hbm>> -> memref<40xi32, #tpu.memory_space<hbm>>
        %dma_start3A_21 = tpu.memref_slice %arg2[%mul3A_2] : memref<640xi32, #tpu.memory_space<hbm>> -> memref<40xi32, #tpu.memory_space<hbm>>
        tpu.enqueue_dma source(%dma_start3A_21 : memref<40xi32, #tpu.memory_space<hbm>>) target(%arg8 : memref<40xi32, #tpu.memory_space<vmem>>) target_semaphore(%run_scoped3A : memref<!tpu.dma_semaphore, #tpu.memory_space<semaphore_mem>>)
        %dma_wait3A = tpu.memref_slice %arg2[%mul3A_2] : memref<640xi32, #tpu.memory_space<hbm>> -> memref<40xi32, #tpu.memory_space<hbm>>
        %dma_wait3A_22 = tpu.memref_slice %arg2[%mul3A_2] : memref<640xi32, #tpu.memory_space<hbm>> -> memref<40xi32, #tpu.memory_space<hbm>>
        tpu.wait_dma2 semaphore(%run_scoped3A : memref<!tpu.dma_semaphore, #tpu.memory_space<semaphore_mem>>) src(%dma_wait3A_22 : memref<40xi32, #tpu.memory_space<hbm>>) dst(%arg8 : memref<40xi32, #tpu.memory_space<vmem>>)
        tpu.yield
      }) : () -> ()
      "tpu.region"() ({
        %run_scoped3A = tpu.sem_alloc : memref<!tpu.dma_semaphore, #tpu.memory_space<semaphore_mem>>
        %dma_start3A = arith.constant 0 : i32
        %dma_start3A_21 = arith.constant 0 : i32
        %dma_start3A_22 = tpu.memref_slice %arg3[%dma_start3A, %dma_start3A_21] : memref<10000x256xf32, #tpu.memory_space<hbm>> -> memref<10000x256xf32, #tpu.memory_space<hbm>>
        tpu.enqueue_indirect_dma source(%dma_start3A_22 : memref<10000x256xf32, #tpu.memory_space<hbm>>) target(%arg10 : memref<40x256xf32, #tpu.memory_space<vmem>>) offsets(%arg8 : memref<40xi32, #tpu.memory_space<vmem>>) semaphore(%run_scoped3A : memref<!tpu.dma_semaphore, #tpu.memory_space<semaphore_mem>>)
        %dma_wait3A = arith.constant 0 : i32
        %dma_wait3A_23 = arith.constant 0 : i32
        %dma_wait3A_24 = tpu.memref_slice %arg3[%dma_wait3A, %dma_wait3A_23] : memref<10000x256xf32, #tpu.memory_space<hbm>> -> memref<10000x256xf32, #tpu.memory_space<hbm>>
        tpu.wait_indirect_dma semaphore(%run_scoped3A : memref<!tpu.dma_semaphore, #tpu.memory_space<semaphore_mem>>) src(%dma_wait3A_24 : memref<10000x256xf32, #tpu.memory_space<hbm>>) dst(%arg10 : memref<40x256xf32, #tpu.memory_space<vmem>>)
        tpu.yield
      }) : () -> ()
      "tpu.region"() ({
        %run_scoped3A = tpu.sem_alloc : memref<!tpu.dma_semaphore, #tpu.memory_space<semaphore_mem>>
        %dma_start3A = arith.constant 0 : i32
        %dma_start3A_21 = tpu.memref_slice %arg5[%mul3A_2, %dma_start3A] : memref<640x256xf32, #tpu.memory_space<hbm>> -> memref<40x256xf32, #tpu.memory_space<hbm>>
        %dma_start3A_22 = arith.constant 0 : i32
        %dma_start3A_23 = tpu.memref_slice %arg5[%mul3A_2, %dma_start3A_22] : memref<640x256xf32, #tpu.memory_space<hbm>> -> memref<40x256xf32, #tpu.memory_space<hbm>>
        tpu.enqueue_dma source(%arg10 : memref<40x256xf32, #tpu.memory_space<vmem>>) target(%dma_start3A_23 : memref<40x256xf32, #tpu.memory_space<hbm>>) target_semaphore(%run_scoped3A : memref<!tpu.dma_semaphore, #tpu.memory_space<semaphore_mem>>)
        %dma_wait3A = arith.constant 0 : i32
        %dma_wait3A_24 = tpu.memref_slice %arg5[%mul3A_2, %dma_wait3A] : memref<640x256xf32, #tpu.memory_space<hbm>> -> memref<40x256xf32, #tpu.memory_space<hbm>>
        %dma_wait3A_25 = arith.constant 0 : i32
        %dma_wait3A_26 = tpu.memref_slice %arg5[%mul3A_2, %dma_wait3A_25] : memref<640x256xf32, #tpu.memory_space<hbm>> -> memref<40x256xf32, #tpu.memory_space<hbm>>
        tpu.wait_dma2 semaphore(%run_scoped3A : memref<!tpu.dma_semaphore, #tpu.memory_space<semaphore_mem>>) src(%arg10 : memref<40x256xf32, #tpu.memory_space<vmem>>) dst(%dma_wait3A_26 : memref<40x256xf32, #tpu.memory_space<hbm>>)
        tpu.yield
      }) : () -> ()
      "tpu.region"() ({
        %run_scoped3A = tpu.sem_alloc : memref<!tpu.dma_semaphore, #tpu.memory_space<semaphore_mem>>
        %dma_start3A = arith.constant 0 : i32
        %dma_start3A_21 = arith.constant 0 : i32
        %dma_start3A_22 = tpu.memref_slice %arg4[%dma_start3A, %dma_start3A_21] : memref<20000x128xf32, #tpu.memory_space<hbm>> -> memref<20000x128xf32, #tpu.memory_space<hbm>>
        tpu.enqueue_indirect_dma source(%dma_start3A_22 : memref<20000x128xf32, #tpu.memory_space<hbm>>) target(%arg11 : memref<40x128xf32, #tpu.memory_space<vmem>>) offsets(%arg8 : memref<40xi32, #tpu.memory_space<vmem>>) semaphore(%run_scoped3A : memref<!tpu.dma_semaphore, #tpu.memory_space<semaphore_mem>>)
        %dma_wait3A = arith.constant 0 : i32
        %dma_wait3A_23 = arith.constant 0 : i32
        %dma_wait3A_24 = tpu.memref_slice %arg4[%dma_wait3A, %dma_wait3A_23] : memref<20000x128xf32, #tpu.memory_space<hbm>> -> memref<20000x128xf32, #tpu.memory_space<hbm>>
        tpu.wait_indirect_dma semaphore(%run_scoped3A : memref<!tpu.dma_semaphore, #tpu.memory_space<semaphore_mem>>) src(%dma_wait3A_24 : memref<20000x128xf32, #tpu.memory_space<hbm>>) dst(%arg11 : memref<40x128xf32, #tpu.memory_space<vmem>>)
        tpu.yield
      }) : () -> ()
      "tpu.region"() ({
        %run_scoped3A = tpu.sem_alloc : memref<!tpu.dma_semaphore, #tpu.memory_space<semaphore_mem>>
        %dma_start3A = arith.constant 0 : i32
        %dma_start3A_21 = tpu.memref_slice %arg6[%mul3A_2, %dma_start3A] : memref<640x128xf32, #tpu.memory_space<hbm>> -> memref<40x128xf32, #tpu.memory_space<hbm>>
        %dma_start3A_22 = arith.constant 0 : i32
        %dma_start3A_23 = tpu.memref_slice %arg6[%mul3A_2, %dma_start3A_22] : memref<640x128xf32, #tpu.memory_space<hbm>> -> memref<40x128xf32, #tpu.memory_space<hbm>>
        tpu.enqueue_dma source(%arg11 : memref<40x128xf32, #tpu.memory_space<vmem>>) target(%dma_start3A_23 : memref<40x128xf32, #tpu.memory_space<hbm>>) target_semaphore(%run_scoped3A : memref<!tpu.dma_semaphore, #tpu.memory_space<semaphore_mem>>)
        %dma_wait3A = arith.constant 0 : i32
        %dma_wait3A_24 = tpu.memref_slice %arg6[%mul3A_2, %dma_wait3A] : memref<640x128xf32, #tpu.memory_space<hbm>> -> memref<40x128xf32, #tpu.memory_space<hbm>>
        %dma_wait3A_25 = arith.constant 0 : i32
        %dma_wait3A_26 = tpu.memref_slice %arg6[%mul3A_2, %dma_wait3A_25] : memref<640x128xf32, #tpu.memory_space<hbm>> -> memref<40x128xf32, #tpu.memory_space<hbm>>
        tpu.wait_dma2 semaphore(%run_scoped3A : memref<!tpu.dma_semaphore, #tpu.memory_space<semaphore_mem>>) src(%arg11 : memref<40x128xf32, #tpu.memory_space<vmem>>) dst(%dma_wait3A_26 : memref<40x128xf32, #tpu.memory_space<hbm>>)
        tpu.yield
      }) : () -> ()
      %get3A = arith.constant 0 : index
      %get3A_3 = tpu.vector_load %arg8[%get3A] {strides = array<i32>} : memref<40xi32, #tpu.memory_space<vmem>>, vector<16xi32>,
      %add3A = arith.constant 10000 : i32
      %add3A_4 = vector.broadcast %add3A : i32 to vector<16xi32>
      %add3A_5 = arith.addi %get3A_3, %add3A_4 : vector<16xi32>
      %swap3A = arith.constant 0 : index
      %swap3A_6 = tpu.vector_load %arg9[%swap3A] {strides = array<i32>} : memref<40xi32, #tpu.memory_space<vmem>>, vector<16xi32>,
      tpu.vector_store %arg9[%swap3A], %add3A_5 {strides = array<i32>} : memref<40xi32, #tpu.memory_space<vmem>>, vector<16xi32>,
      %get3A_7 = arith.constant 16 : index
      %get3A_8 = tpu.vector_load %arg8[%get3A_7] {strides = array<i32>} : memref<40xi32, #tpu.memory_space<vmem>>, vector<16xi32>,
      %add3A_9 = arith.constant 10000 : i32
      %add3A_10 = vector.broadcast %add3A_9 : i32 to vector<16xi32>
      %add3A_11 = arith.addi %get3A_8, %add3A_10 : vector<16xi32>
      %swap3A_12 = arith.constant 16 : index
      %swap3A_13 = tpu.vector_load %arg9[%swap3A_12] {strides = array<i32>} : memref<40xi32, #tpu.memory_space<vmem>>, vector<16xi32>,
      tpu.vector_store %arg9[%swap3A_12], %add3A_11 {strides = array<i32>} : memref<40xi32, #tpu.memory_space<vmem>>, vector<16xi32>,
      %get3A_14 = arith.constant 24 : index
      %get3A_15 = tpu.vector_load %arg8[%get3A_14] {strides = array<i32>} : memref<40xi32, #tpu.memory_space<vmem>>, vector<16xi32>,
      %add3A_16 = arith.constant 10000 : i32
      %add3A_17 = vector.broadcast %add3A_16 : i32 to vector<16xi32>
      %add3A_18 = arith.addi %get3A_15, %add3A_17 : vector<16xi32>
      %swap3A_19 = arith.constant 24 : index
      %swap3A_20 = tpu.vector_load %arg9[%swap3A_19] {strides = array<i32>} : memref<40xi32, #tpu.memory_space<vmem>>, vector<16xi32>,
      tpu.vector_store %arg9[%swap3A_19], %add3A_18 {strides = array<i32>} : memref<40xi32, #tpu.memory_space<vmem>>, vector<16xi32>,
      "tpu.region"() ({
        %run_scoped3A = tpu.sem_alloc : memref<!tpu.dma_semaphore, #tpu.memory_space<semaphore_mem>>
        %dma_start3A = arith.constant 0 : i32
        %dma_start3A_21 = arith.constant 0 : i32
        %dma_start3A_22 = tpu.memref_slice %arg4[%dma_start3A, %dma_start3A_21] : memref<20000x128xf32, #tpu.memory_space<hbm>> -> memref<20000x128xf32, #tpu.memory_space<hbm>>
        tpu.enqueue_indirect_dma source(%dma_start3A_22 : memref<20000x128xf32, #tpu.memory_space<hbm>>) target(%arg11 : memref<40x128xf32, #tpu.memory_space<vmem>>) offsets(%arg9 : memref<40xi32, #tpu.memory_space<vmem>>) semaphore(%run_scoped3A : memref<!tpu.dma_semaphore, #tpu.memory_space<semaphore_mem>>)
        %dma_wait3A = arith.constant 0 : i32
        %dma_wait3A_23 = arith.constant 0 : i32
        %dma_wait3A_24 = tpu.memref_slice %arg4[%dma_wait3A, %dma_wait3A_23] : memref<20000x128xf32, #tpu.memory_space<hbm>> -> memref<20000x128xf32, #tpu.memory_space<hbm>>
        tpu.wait_indirect_dma semaphore(%run_scoped3A : memref<!tpu.dma_semaphore, #tpu.memory_space<semaphore_mem>>) src(%dma_wait3A_24 : memref<20000x128xf32, #tpu.memory_space<hbm>>) dst(%arg11 : memref<40x128xf32, #tpu.memory_space<vmem>>)
        tpu.yield
      }) : () -> ()
      "tpu.region"() ({
        %run_scoped3A = tpu.sem_alloc : memref<!tpu.dma_semaphore, #tpu.memory_space<semaphore_mem>>
        %dma_start3A = arith.constant 0 : i32
        %dma_start3A_21 = tpu.memref_slice %arg7[%mul3A_2, %dma_start3A] : memref<640x128xf32, #tpu.memory_space<hbm>> -> memref<40x128xf32, #tpu.memory_space<hbm>>
        %dma_start3A_22 = arith.constant 0 : i32
        %dma_start3A_23 = tpu.memref_slice %arg7[%mul3A_2, %dma_start3A_22] : memref<640x128xf32, #tpu.memory_space<hbm>> -> memref<40x128xf32, #tpu.memory_space<hbm>>
        tpu.enqueue_dma source(%arg11 : memref<40x128xf32, #tpu.memory_space<vmem>>) target(%dma_start3A_23 : memref<40x128xf32, #tpu.memory_space<hbm>>) target_semaphore(%run_scoped3A : memref<!tpu.dma_semaphore, #tpu.memory_space<semaphore_mem>>)
        %dma_wait3A = arith.constant 0 : i32
        %dma_wait3A_24 = tpu.memref_slice %arg7[%mul3A_2, %dma_wait3A] : memref<640x128xf32, #tpu.memory_space<hbm>> -> memref<40x128xf32, #tpu.memory_space<hbm>>
        %dma_wait3A_25 = arith.constant 0 : i32
        %dma_wait3A_26 = tpu.memref_slice %arg7[%mul3A_2, %dma_wait3A_25] : memref<640x128xf32, #tpu.memory_space<hbm>> -> memref<40x128xf32, #tpu.memory_space<hbm>>
        tpu.wait_dma2 semaphore(%run_scoped3A : memref<!tpu.dma_semaphore, #tpu.memory_space<semaphore_mem>>) src(%arg11 : memref<40x128xf32, #tpu.memory_space<vmem>>) dst(%dma_wait3A_26 : memref<40x128xf32, #tpu.memory_space<hbm>>)
        tpu.yield
      }) : () -> ()
    } else {
    }
    return
  }
}

module attributes {stable_mosaic.version = 14 : i64} {
  func.func @_tc_layer0_body(%arg0: i32, %arg1: memref<400x256xf32, #tpu.memory_space<vmem>>, %arg2: memref<400x1xi32, #tpu.memory_space<vmem>>, %arg3: memref<2x20xf32, #tpu.memory_space<vmem>>, %arg4: memref<20x256xf32, #tpu.memory_space<vmem>>, %arg5: memref<256x256xf32, #tpu.memory_space<vmem>>, %arg6: memref<256x4xf32, #tpu.memory_space<vmem>>, %arg7: memref<256x4xf32, #tpu.memory_space<vmem>>, %arg8: memref<2x20xf32, #tpu.memory_space<vmem>>, %arg9: memref<20x4xf32, #tpu.memory_space<vmem>>, %arg10: memref<400x256xf32, #tpu.memory_space<vmem>>, %arg11: memref<2x400x128xf32, #tpu.memory_space<vmem>>, %arg12: memref<2x400x16xf32, #tpu.memory_space<vmem>>, %arg13: memref<2x2x400x16xf32, #tpu.memory_space<vmem>>) attributes {dimension_semantics = [#tpu.dimension_semantics<arbitrary>], iteration_bounds = array<i64: 25>, scalar_prefetch = 0 : i64, scratch_operands = 0 : i64, tpu.core_type = #tpu.core_type<tc>, window_params = [{transform_indices = @transform_0, window_bounds = array<i64: 400, 256>}, {transform_indices = @transform_1, window_bounds = array<i64: 400, 1>}, {pipeline_mode = #tpu.pipeline_mode<synchronous>, transform_indices = @transform_2, window_bounds = array<i64: 2, 20>}, {pipeline_mode = #tpu.pipeline_mode<synchronous>, transform_indices = @transform_3, window_bounds = array<i64: 20, 256>}, {pipeline_mode = #tpu.pipeline_mode<synchronous>, transform_indices = @transform_4, window_bounds = array<i64: 256, 256>}, {pipeline_mode = #tpu.pipeline_mode<synchronous>, transform_indices = @transform_5, window_bounds = array<i64: 256, 4>}, {pipeline_mode = #tpu.pipeline_mode<synchronous>, transform_indices = @transform_6, window_bounds = array<i64: 256, 4>}, {pipeline_mode = #tpu.pipeline_mode<synchronous>, transform_indices = @transform_7, window_bounds = array<i64: 2, 20>}, {pipeline_mode = #tpu.pipeline_mode<synchronous>, transform_indices = @transform_8, window_bounds = array<i64: 20, 4>}, {transform_indices = @transform_9, window_bounds = array<i64: 400, 256>}, {transform_indices = @transform_10, window_bounds = array<i64: 2, 400, 128>}, {transform_indices = @transform_11, window_bounds = array<i64: 2, 400, 16>}, {transform_indices = @transform_12, window_bounds = array<i64: 2, 2, 400, 16>}]} {
    %get3A = arith.constant 0 : index
    %get3A_0 = arith.constant 0 : index
    %get3A_1 = vector.load %arg3[%get3A, %get3A_0] : memref<2x20xf32, #tpu.memory_space<vmem>>, vector<2x20xf32>
    %get3A_2 = arith.constant 0 : index
    %get3A_3 = arith.constant 0 : index
    %get3A_4 = vector.load %arg4[%get3A_2, %get3A_3] : memref<20x256xf32, #tpu.memory_space<vmem>>, vector<20x256xf32>
    %dot_general3A = arith.constant dense<0.000000e+00> : vector<2x256xf32>
    %dot_general3A_5 = tpu.matmul %get3A_1, %get3A_4, %dot_general3A {dimension_numbers = #tpu.dot_dimension_numbers<[1], [0], [0], [1], [0, 0, 1, 1], [], []>, transpose_lhs_hint = false} : vector<2x20xf32>, vector<20x256xf32>, vector<2x256xf32> -> vector<2x256xf32>
    %get3A_6 = arith.constant 0 : index
    %get3A_7 = arith.constant 0 : index
    %get3A_8 = vector.load %arg2[%get3A_6, %get3A_7] : memref<400x1xi32, #tpu.memory_space<vmem>>, vector<400x1xi32>
    %eq3A = arith.constant 0 : i32
    %eq3A_9 = vector.broadcast %eq3A : i32 to vector<400x1xi32>
    %eq3A_10 = arith.cmpi eq, %get3A_8, %eq3A_9 : vector<400x1xi32>
    %slice3A = vector.extract_strided_slice %dot_general3A_5 {offsets = [0, 0], sizes = [1, 256], strides = [1, 1]} : vector<2x256xf32> to vector<1x256xf32>
    %slice3A_11 = vector.extract_strided_slice %dot_general3A_5 {offsets = [1, 0], sizes = [1, 256], strides = [1, 1]} : vector<2x256xf32> to vector<1x256xf32>
    %broadcast_in_dim3A = vector.shape_cast %eq3A_10 : vector<400x1xi1> to vector<400x1xi1>
    %broadcast_in_dim3A_12 = vector.broadcast %broadcast_in_dim3A : vector<400x1xi1> to vector<400x256xi1>
    %broadcast_in_dim3A_13 = vector.shape_cast %slice3A : vector<1x256xf32> to vector<1x256xf32>
    %broadcast_in_dim3A_14 = vector.broadcast %broadcast_in_dim3A_13 : vector<1x256xf32> to vector<400x256xf32>
    %broadcast_in_dim3A_15 = vector.shape_cast %slice3A_11 : vector<1x256xf32> to vector<1x256xf32>
    %broadcast_in_dim3A_16 = vector.broadcast %broadcast_in_dim3A_15 : vector<1x256xf32> to vector<400x256xf32>
    %select_n3A = arith.select %broadcast_in_dim3A_12, %broadcast_in_dim3A_14, %broadcast_in_dim3A_16 : vector<400x256xi1>, vector<400x256xf32>
    %get3A_17 = arith.constant 0 : index
    %get3A_18 = arith.constant 0 : index
    %get3A_19 = vector.load %arg1[%get3A_17, %get3A_18] : memref<400x256xf32, #tpu.memory_space<vmem>>, vector<400x256xf32>
    %add3A = arith.addf %get3A_19, %select_n3A : vector<400x256xf32>
    %swap3A = arith.constant 0 : index
    %swap3A_20 = arith.constant 0 : index
    %swap3A_21 = vector.load %arg10[%swap3A, %swap3A_20] : memref<400x256xf32, #tpu.memory_space<vmem>>, vector<400x256xf32>
    tpu.vector_store %arg10[%swap3A, %swap3A_20], %add3A {strides = array<i32>} : memref<400x256xf32, #tpu.memory_space<vmem>>, vector<400x256xf32>,
    %get3A_22 = arith.constant 0 : index
    %get3A_23 = arith.constant 0 : index
    %get3A_24 = vector.load %arg5[%get3A_22, %get3A_23] : memref<256x256xf32, #tpu.memory_space<vmem>>, vector<256x256xf32>
    %dot_general3A_25 = arith.constant dense<0.000000e+00> : vector<400x256xf32>
    %dot_general3A_26 = tpu.matmul %add3A, %get3A_24, %dot_general3A_25 {dimension_numbers = #tpu.dot_dimension_numbers<[1], [0], [0], [1], [0, 0, 1, 1], [], []>, transpose_lhs_hint = false} : vector<400x256xf32>, vector<256x256xf32>, vector<400x256xf32> -> vector<400x256xf32>
    %slice3A_27 = vector.extract_strided_slice %dot_general3A_26 {offsets = [0, 0], sizes = [400, 128], strides = [1, 1]} : vector<400x256xf32> to vector<400x128xf32>
    %swap3A_28 = arith.constant 0 : index
    %swap3A_29 = arith.constant 0 : index
    %swap3A_30 = arith.constant 0 : index
    %swap3A_31 = vector.load %arg11[%swap3A_28, %swap3A_29, %swap3A_30] : memref<2x400x128xf32, #tpu.memory_space<vmem>>, vector<1x400x128xf32>
    %swap3A_32 = vector.shape_cast %swap3A_31 : vector<1x400x128xf32> to vector<400x128xf32>
    %swap3A_33 = vector.shape_cast %slice3A_27 : vector<400x128xf32> to vector<1x400x128xf32>
    tpu.vector_store %arg11[%swap3A_28, %swap3A_29, %swap3A_30], %swap3A_33 {strides = array<i32>} : memref<2x400x128xf32, #tpu.memory_space<vmem>>, vector<1x400x128xf32>,
    %slice3A_34 = vector.extract_strided_slice %dot_general3A_26 {offsets = [0, 128], sizes = [400, 128], strides = [1, 1]} : vector<400x256xf32> to vector<400x128xf32>
    %swap3A_35 = arith.constant 1 : index
    %swap3A_36 = arith.constant 0 : index
    %swap3A_37 = arith.constant 0 : index
    %swap3A_38 = vector.load %arg11[%swap3A_35, %swap3A_36, %swap3A_37] : memref<2x400x128xf32, #tpu.memory_space<vmem>>, vector<1x400x128xf32>
    %swap3A_39 = vector.shape_cast %swap3A_38 : vector<1x400x128xf32> to vector<400x128xf32>
    %swap3A_40 = vector.shape_cast %slice3A_34 : vector<400x128xf32> to vector<1x400x128xf32>
    tpu.vector_store %arg11[%swap3A_35, %swap3A_36, %swap3A_37], %swap3A_40 {strides = array<i32>} : memref<2x400x128xf32, #tpu.memory_space<vmem>>, vector<1x400x128xf32>,
    %get3A_41 = arith.constant 0 : index
    %get3A_42 = arith.constant 0 : index
    %get3A_43 = vector.load %arg6[%get3A_41, %get3A_42] : memref<256x4xf32, #tpu.memory_space<vmem>>, vector<256x4xf32>
    %dot_general3A_44 = arith.constant dense<0.000000e+00> : vector<400x4xf32>
    %dot_general3A_45 = tpu.matmul %dot_general3A_26, %get3A_43, %dot_general3A_44 {dimension_numbers = #tpu.dot_dimension_numbers<[1], [0], [0], [1], [0, 0, 1, 1], [], []>, transpose_lhs_hint = false} : vector<400x256xf32>, vector<256x4xf32>, vector<400x4xf32> -> vector<400x4xf32>
    %get3A_46 = arith.constant 0 : index
    %get3A_47 = arith.constant 0 : index
    %get3A_48 = vector.load %arg7[%get3A_46, %get3A_47] : memref<256x4xf32, #tpu.memory_space<vmem>>, vector<256x4xf32>
    %dot_general3A_49 = arith.constant dense<0.000000e+00> : vector<400x4xf32>
    %dot_general3A_50 = tpu.matmul %dot_general3A_26, %get3A_48, %dot_general3A_49 {dimension_numbers = #tpu.dot_dimension_numbers<[1], [0], [0], [1], [0, 0, 1, 1], [], []>, transpose_lhs_hint = false} : vector<400x256xf32>, vector<256x4xf32>, vector<400x4xf32> -> vector<400x4xf32>
    %get3A_51 = arith.constant 0 : index
    %get3A_52 = arith.constant 0 : index
    %get3A_53 = vector.load %arg8[%get3A_51, %get3A_52] : memref<2x20xf32, #tpu.memory_space<vmem>>, vector<2x20xf32>
    %get3A_54 = arith.constant 0 : index
    %get3A_55 = arith.constant 0 : index
    %get3A_56 = vector.load %arg9[%get3A_54, %get3A_55] : memref<20x4xf32, #tpu.memory_space<vmem>>, vector<20x4xf32>
    %dot_general3A_57 = arith.constant dense<0.000000e+00> : vector<2x4xf32>
    %dot_general3A_58 = tpu.matmul %get3A_53, %get3A_56, %dot_general3A_57 {dimension_numbers = #tpu.dot_dimension_numbers<[1], [0], [0], [1], [0, 0, 1, 1], [], []>, transpose_lhs_hint = false} : vector<2x20xf32>, vector<20x4xf32>, vector<2x4xf32> -> vector<2x4xf32>
    %broadcast_in_dim3A_59 = arith.constant 0.000000e+00 : f32
    %broadcast_in_dim3A_60 = vector.broadcast %broadcast_in_dim3A_59 : f32 to vector<400x14xf32>
    %slice3A_61 = vector.extract_strided_slice %dot_general3A_45 {offsets = [0, 0], sizes = [400, 2], strides = [1, 1]} : vector<400x4xf32> to vector<400x2xf32>
    %concatenate3A = tpu.concatenate %slice3A_61, %broadcast_in_dim3A_60 in 1 : vector<400x2xf32>, vector<400x14xf32> -> vector<400x16xf32>
    %swap3A_62 = arith.constant 0 : index
    %swap3A_63 = arith.constant 0 : index
    %swap3A_64 = arith.constant 0 : index
    %swap3A_65 = vector.load %arg12[%swap3A_62, %swap3A_63, %swap3A_64] : memref<2x400x16xf32, #tpu.memory_space<vmem>>, vector<1x400x16xf32>
    %swap3A_66 = vector.shape_cast %swap3A_65 : vector<1x400x16xf32> to vector<400x16xf32>
    %swap3A_67 = vector.shape_cast %concatenate3A : vector<400x16xf32> to vector<1x400x16xf32>
    tpu.vector_store %arg12[%swap3A_62, %swap3A_63, %swap3A_64], %swap3A_67 {strides = array<i32>} : memref<2x400x16xf32, #tpu.memory_space<vmem>>, vector<1x400x16xf32>,
    %slice3A_68 = vector.extract_strided_slice %dot_general3A_50 {offsets = [0, 0], sizes = [400, 2], strides = [1, 1]} : vector<400x4xf32> to vector<400x2xf32>
    %slice3A_69 = vector.extract_strided_slice %dot_general3A_58 {offsets = [0, 0], sizes = [1, 2], strides = [1, 1]} : vector<2x4xf32> to vector<1x2xf32>
    %add3A_70 = vector.broadcast %slice3A_69 : vector<1x2xf32> to vector<400x2xf32>
    %add3A_71 = arith.addf %slice3A_68, %add3A_70 : vector<400x2xf32>
    %concatenate3A_72 = tpu.concatenate %add3A_71, %broadcast_in_dim3A_60 in 1 : vector<400x2xf32>, vector<400x14xf32> -> vector<400x16xf32>
    %swap3A_73 = arith.constant 0 : index
    %swap3A_74 = arith.constant 0 : index
    %swap3A_75 = arith.constant 0 : index
    %swap3A_76 = arith.constant 0 : index
    %swap3A_77 = vector.load %arg13[%swap3A_73, %swap3A_74, %swap3A_75, %swap3A_76] : memref<2x2x400x16xf32, #tpu.memory_space<vmem>>, vector<1x1x400x16xf32>
    %swap3A_78 = vector.shape_cast %swap3A_77 : vector<1x1x400x16xf32> to vector<400x16xf32>
    %swap3A_79 = vector.shape_cast %concatenate3A_72 : vector<400x16xf32> to vector<1x1x400x16xf32>
    tpu.vector_store %arg13[%swap3A_73, %swap3A_74, %swap3A_75, %swap3A_76], %swap3A_79 {strides = array<i32>} : memref<2x2x400x16xf32, #tpu.memory_space<vmem>>, vector<1x1x400x16xf32>,
    %slice3A_80 = vector.extract_strided_slice %dot_general3A_50 {offsets = [0, 0], sizes = [400, 2], strides = [1, 1]} : vector<400x4xf32> to vector<400x2xf32>
    %slice3A_81 = vector.extract_strided_slice %dot_general3A_58 {offsets = [1, 0], sizes = [1, 2], strides = [1, 1]} : vector<2x4xf32> to vector<1x2xf32>
    %add3A_82 = vector.broadcast %slice3A_81 : vector<1x2xf32> to vector<400x2xf32>
    %add3A_83 = arith.addf %slice3A_80, %add3A_82 : vector<400x2xf32>
    %concatenate3A_84 = tpu.concatenate %add3A_83, %broadcast_in_dim3A_60 in 1 : vector<400x2xf32>, vector<400x14xf32> -> vector<400x16xf32>
    %swap3A_85 = arith.constant 0 : index
    %swap3A_86 = arith.constant 1 : index
    %swap3A_87 = arith.constant 0 : index
    %swap3A_88 = arith.constant 0 : index
    %swap3A_89 = vector.load %arg13[%swap3A_85, %swap3A_86, %swap3A_87, %swap3A_88] : memref<2x2x400x16xf32, #tpu.memory_space<vmem>>, vector<1x1x400x16xf32>
    %swap3A_90 = vector.shape_cast %swap3A_89 : vector<1x1x400x16xf32> to vector<400x16xf32>
    %swap3A_91 = vector.shape_cast %concatenate3A_84 : vector<400x16xf32> to vector<1x1x400x16xf32>
    tpu.vector_store %arg13[%swap3A_85, %swap3A_86, %swap3A_87, %swap3A_88], %swap3A_91 {strides = array<i32>} : memref<2x2x400x16xf32, #tpu.memory_space<vmem>>, vector<1x1x400x16xf32>,
    %slice3A_92 = vector.extract_strided_slice %dot_general3A_45 {offsets = [0, 2], sizes = [400, 2], strides = [1, 1]} : vector<400x4xf32> to vector<400x2xf32>
    %concatenate3A_93 = tpu.concatenate %slice3A_92, %broadcast_in_dim3A_60 in 1 : vector<400x2xf32>, vector<400x14xf32> -> vector<400x16xf32>
    %swap3A_94 = arith.constant 1 : index
    %swap3A_95 = arith.constant 0 : index
    %swap3A_96 = arith.constant 0 : index
    %swap3A_97 = vector.load %arg12[%swap3A_94, %swap3A_95, %swap3A_96] : memref<2x400x16xf32, #tpu.memory_space<vmem>>, vector<1x400x16xf32>
    %swap3A_98 = vector.shape_cast %swap3A_97 : vector<1x400x16xf32> to vector<400x16xf32>
    %swap3A_99 = vector.shape_cast %concatenate3A_93 : vector<400x16xf32> to vector<1x400x16xf32>
    tpu.vector_store %arg12[%swap3A_94, %swap3A_95, %swap3A_96], %swap3A_99 {strides = array<i32>} : memref<2x400x16xf32, #tpu.memory_space<vmem>>, vector<1x400x16xf32>,
    %slice3A_100 = vector.extract_strided_slice %dot_general3A_50 {offsets = [0, 2], sizes = [400, 2], strides = [1, 1]} : vector<400x4xf32> to vector<400x2xf32>
    %slice3A_101 = vector.extract_strided_slice %dot_general3A_58 {offsets = [0, 2], sizes = [1, 2], strides = [1, 1]} : vector<2x4xf32> to vector<1x2xf32>
    %add3A_102 = vector.broadcast %slice3A_101 : vector<1x2xf32> to vector<400x2xf32>
    %add3A_103 = arith.addf %slice3A_100, %add3A_102 : vector<400x2xf32>
    %concatenate3A_104 = tpu.concatenate %add3A_103, %broadcast_in_dim3A_60 in 1 : vector<400x2xf32>, vector<400x14xf32> -> vector<400x16xf32>
    %swap3A_105 = arith.constant 1 : index
    %swap3A_106 = arith.constant 0 : index
    %swap3A_107 = arith.constant 0 : index
    %swap3A_108 = arith.constant 0 : index
    %swap3A_109 = vector.load %arg13[%swap3A_105, %swap3A_106, %swap3A_107, %swap3A_108] : memref<2x2x400x16xf32, #tpu.memory_space<vmem>>, vector<1x1x400x16xf32>
    %swap3A_110 = vector.shape_cast %swap3A_109 : vector<1x1x400x16xf32> to vector<400x16xf32>
    %swap3A_111 = vector.shape_cast %concatenate3A_104 : vector<400x16xf32> to vector<1x1x400x16xf32>
    tpu.vector_store %arg13[%swap3A_105, %swap3A_106, %swap3A_107, %swap3A_108], %swap3A_111 {strides = array<i32>} : memref<2x2x400x16xf32, #tpu.memory_space<vmem>>, vector<1x1x400x16xf32>,
    %slice3A_112 = vector.extract_strided_slice %dot_general3A_50 {offsets = [0, 2], sizes = [400, 2], strides = [1, 1]} : vector<400x4xf32> to vector<400x2xf32>
    %slice3A_113 = vector.extract_strided_slice %dot_general3A_58 {offsets = [1, 2], sizes = [1, 2], strides = [1, 1]} : vector<2x4xf32> to vector<1x2xf32>
    %add3A_114 = vector.broadcast %slice3A_113 : vector<1x2xf32> to vector<400x2xf32>
    %add3A_115 = arith.addf %slice3A_112, %add3A_114 : vector<400x2xf32>
    %concatenate3A_116 = tpu.concatenate %add3A_115, %broadcast_in_dim3A_60 in 1 : vector<400x2xf32>, vector<400x14xf32> -> vector<400x16xf32>
    %swap3A_117 = arith.constant 1 : index
    %swap3A_118 = arith.constant 1 : index
    %swap3A_119 = arith.constant 0 : index
    %swap3A_120 = arith.constant 0 : index
    %swap3A_121 = vector.load %arg13[%swap3A_117, %swap3A_118, %swap3A_119, %swap3A_120] : memref<2x2x400x16xf32, #tpu.memory_space<vmem>>, vector<1x1x400x16xf32>
    %swap3A_122 = vector.shape_cast %swap3A_121 : vector<1x1x400x16xf32> to vector<400x16xf32>
    %swap3A_123 = vector.shape_cast %concatenate3A_116 : vector<400x16xf32> to vector<1x1x400x16xf32>
    tpu.vector_store %arg13[%swap3A_117, %swap3A_118, %swap3A_119, %swap3A_120], %swap3A_123 {strides = array<i32>} : memref<2x2x400x16xf32, #tpu.memory_space<vmem>>, vector<1x1x400x16xf32>,
    return
  }
  func.func @transform_0(%arg0: i32) -> (i32, i32) {
    %c0_i32 = arith.constant 0 : i32
    %c0_i32_0 = arith.constant 0 : i32
    return %arg0, %c0_i32 : i32, i32
  }
  func.func @transform_1(%arg0: i32) -> (i32, i32) {
    %c0_i32 = arith.constant 0 : i32
    %c0_i32_0 = arith.constant 0 : i32
    return %arg0, %c0_i32 : i32, i32
  }
  func.func @transform_2(%arg0: i32) -> (i32, i32) {
    %c0_i32 = arith.constant 0 : i32
    %c0_i32_0 = arith.constant 0 : i32
    %c0_i32_1 = arith.constant 0 : i32
    return %c0_i32, %c0_i32_0 : i32, i32
  }
  func.func @transform_3(%arg0: i32) -> (i32, i32) {
    %c0_i32 = arith.constant 0 : i32
    %c0_i32_0 = arith.constant 0 : i32
    %c0_i32_1 = arith.constant 0 : i32
    return %c0_i32, %c0_i32_0 : i32, i32
  }
  func.func @transform_4(%arg0: i32) -> (i32, i32) {
    %c0_i32 = arith.constant 0 : i32
    %c0_i32_0 = arith.constant 0 : i32
    %c0_i32_1 = arith.constant 0 : i32
    return %c0_i32, %c0_i32_0 : i32, i32
  }
  func.func @transform_5(%arg0: i32) -> (i32, i32) {
    %c0_i32 = arith.constant 0 : i32
    %c0_i32_0 = arith.constant 0 : i32
    %c0_i32_1 = arith.constant 0 : i32
    return %c0_i32, %c0_i32_0 : i32, i32
  }
  func.func @transform_6(%arg0: i32) -> (i32, i32) {
    %c0_i32 = arith.constant 0 : i32
    %c0_i32_0 = arith.constant 0 : i32
    %c0_i32_1 = arith.constant 0 : i32
    return %c0_i32, %c0_i32_0 : i32, i32
  }
  func.func @transform_7(%arg0: i32) -> (i32, i32) {
    %c0_i32 = arith.constant 0 : i32
    %c0_i32_0 = arith.constant 0 : i32
    %c0_i32_1 = arith.constant 0 : i32
    return %c0_i32, %c0_i32_0 : i32, i32
  }
  func.func @transform_8(%arg0: i32) -> (i32, i32) {
    %c0_i32 = arith.constant 0 : i32
    %c0_i32_0 = arith.constant 0 : i32
    %c0_i32_1 = arith.constant 0 : i32
    return %c0_i32, %c0_i32_0 : i32, i32
  }
  func.func @transform_9(%arg0: i32) -> (i32, i32) {
    %c0_i32 = arith.constant 0 : i32
    %c0_i32_0 = arith.constant 0 : i32
    return %arg0, %c0_i32 : i32, i32
  }
  func.func @transform_10(%arg0: i32) -> (i32, i32, i32) {
    %c0_i32 = arith.constant 0 : i32
    %c0_i32_0 = arith.constant 0 : i32
    %c0_i32_1 = arith.constant 0 : i32
    return %c0_i32, %arg0, %c0_i32_0 : i32, i32, i32
  }
  func.func @transform_11(%arg0: i32) -> (i32, i32, i32) {
    %c0_i32 = arith.constant 0 : i32
    %c0_i32_0 = arith.constant 0 : i32
    %c0_i32_1 = arith.constant 0 : i32
    return %c0_i32, %arg0, %c0_i32_0 : i32, i32, i32
  }
  func.func @transform_12(%arg0: i32) -> (i32, i32, i32, i32) {
    %c0_i32 = arith.constant 0 : i32
    %c0_i32_0 = arith.constant 0 : i32
    %c0_i32_1 = arith.constant 0 : i32
    %c0_i32_2 = arith.constant 0 : i32
    return %c0_i32, %c0_i32_0, %arg0, %c0_i32_1 : i32, i32, i32, i32
  }
}

module attributes {stable_mosaic.version = 14 : i64} {
  func.func @_tc_layer1_body(%arg0: i32, %arg1: memref<400x256xf32, #tpu.memory_space<vmem>>, %arg2: memref<2x400x128xf32, #tpu.memory_space<vmem>>, %arg3: memref<256x256xf32, #tpu.memory_space<vmem>>, %arg4: memref<256x4xf32, #tpu.memory_space<vmem>>, %arg5: memref<256x4xf32, #tpu.memory_space<vmem>>, %arg6: memref<2x20xf32, #tpu.memory_space<vmem>>, %arg7: memref<20x4xf32, #tpu.memory_space<vmem>>, %arg8: memref<400x256xf32, #tpu.memory_space<vmem>>, %arg9: memref<2x400x128xf32, #tpu.memory_space<vmem>>, %arg10: memref<2x400x16xf32, #tpu.memory_space<vmem>>, %arg11: memref<2x2x400x16xf32, #tpu.memory_space<vmem>>) attributes {dimension_semantics = [#tpu.dimension_semantics<arbitrary>], iteration_bounds = array<i64: 25>, scalar_prefetch = 0 : i64, scratch_operands = 0 : i64, tpu.core_type = #tpu.core_type<tc>, window_params = [{transform_indices = @transform_0, window_bounds = array<i64: 400, 256>}, {transform_indices = @transform_1, window_bounds = array<i64: 2, 400, 128>}, {pipeline_mode = #tpu.pipeline_mode<synchronous>, transform_indices = @transform_2, window_bounds = array<i64: 256, 256>}, {pipeline_mode = #tpu.pipeline_mode<synchronous>, transform_indices = @transform_3, window_bounds = array<i64: 256, 4>}, {pipeline_mode = #tpu.pipeline_mode<synchronous>, transform_indices = @transform_4, window_bounds = array<i64: 256, 4>}, {pipeline_mode = #tpu.pipeline_mode<synchronous>, transform_indices = @transform_5, window_bounds = array<i64: 2, 20>}, {pipeline_mode = #tpu.pipeline_mode<synchronous>, transform_indices = @transform_6, window_bounds = array<i64: 20, 4>}, {transform_indices = @transform_7, window_bounds = array<i64: 400, 256>}, {transform_indices = @transform_8, window_bounds = array<i64: 2, 400, 128>}, {transform_indices = @transform_9, window_bounds = array<i64: 2, 400, 16>}, {transform_indices = @transform_10, window_bounds = array<i64: 2, 2, 400, 16>}]} {
    %get3A = arith.constant 0 : index
    %get3A_0 = arith.constant 0 : index
    %get3A_1 = vector.load %arg1[%get3A, %get3A_0] : memref<400x256xf32, #tpu.memory_space<vmem>>, vector<400x256xf32>
    %get3A_2 = arith.constant 0 : index
    %get3A_3 = arith.constant 0 : index
    %get3A_4 = arith.constant 0 : index
    %get3A_5 = vector.load %arg2[%get3A_2, %get3A_3, %get3A_4] : memref<2x400x128xf32, #tpu.memory_space<vmem>>, vector<1x400x128xf32>
    %get3A_6 = vector.shape_cast %get3A_5 : vector<1x400x128xf32> to vector<400x128xf32>
    %get3A_7 = arith.constant 1 : index
    %get3A_8 = arith.constant 0 : index
    %get3A_9 = arith.constant 0 : index
    %get3A_10 = vector.load %arg2[%get3A_7, %get3A_8, %get3A_9] : memref<2x400x128xf32, #tpu.memory_space<vmem>>, vector<1x400x128xf32>
    %get3A_11 = vector.shape_cast %get3A_10 : vector<1x400x128xf32> to vector<400x128xf32>
    %concatenate3A = tpu.concatenate %get3A_6, %get3A_11 in 1 : vector<400x128xf32>, vector<400x128xf32> -> vector<400x256xf32>
    %add3A = arith.addf %get3A_1, %concatenate3A : vector<400x256xf32>
    %integer_pow3A = arith.mulf %add3A, %add3A : vector<400x256xf32>
    %integer_pow3A_12 = arith.mulf %add3A, %integer_pow3A : vector<400x256xf32>
    %mul3A = arith.constant 4.471500e-02 : f32
    %mul3A_13 = vector.broadcast %mul3A : f32 to vector<400x256xf32>
    %mul3A_14 = arith.mulf %mul3A_13, %integer_pow3A_12 : vector<400x256xf32>
    %add3A_15 = arith.addf %add3A, %mul3A_14 : vector<400x256xf32>
    %mul3A_16 = arith.constant 0.797884583 : f32
    %mul3A_17 = vector.broadcast %mul3A_16 : f32 to vector<400x256xf32>
    %mul3A_18 = arith.mulf %mul3A_17, %add3A_15 : vector<400x256xf32>
    %tanh3A = math.tanh %mul3A_18 : vector<400x256xf32>
    %add3A_19 = arith.constant 1.000000e+00 : f32
    %add3A_20 = vector.broadcast %add3A_19 : f32 to vector<400x256xf32>
    %add3A_21 = arith.addf %add3A_20, %tanh3A : vector<400x256xf32>
    %mul3A_22 = arith.constant 5.000000e-01 : f32
    %mul3A_23 = vector.broadcast %mul3A_22 : f32 to vector<400x256xf32>
    %mul3A_24 = arith.mulf %mul3A_23, %add3A_21 : vector<400x256xf32>
    %mul3A_25 = arith.mulf %add3A, %mul3A_24 : vector<400x256xf32>
    %swap3A = arith.constant 0 : index
    %swap3A_26 = arith.constant 0 : index
    %swap3A_27 = vector.load %arg8[%swap3A, %swap3A_26] : memref<400x256xf32, #tpu.memory_space<vmem>>, vector<400x256xf32>
    tpu.vector_store %arg8[%swap3A, %swap3A_26], %mul3A_25 {strides = array<i32>} : memref<400x256xf32, #tpu.memory_space<vmem>>, vector<400x256xf32>,
    %get3A_28 = arith.constant 0 : index
    %get3A_29 = arith.constant 0 : index
    %get3A_30 = vector.load %arg3[%get3A_28, %get3A_29] : memref<256x256xf32, #tpu.memory_space<vmem>>, vector<256x256xf32>
    %dot_general3A = arith.constant dense<0.000000e+00> : vector<400x256xf32>
    %dot_general3A_31 = tpu.matmul %mul3A_25, %get3A_30, %dot_general3A {dimension_numbers = #tpu.dot_dimension_numbers<[1], [0], [0], [1], [0, 0, 1, 1], [], []>, transpose_lhs_hint = false} : vector<400x256xf32>, vector<256x256xf32>, vector<400x256xf32> -> vector<400x256xf32>
    %slice3A = vector.extract_strided_slice %dot_general3A_31 {offsets = [0, 0], sizes = [400, 128], strides = [1, 1]} : vector<400x256xf32> to vector<400x128xf32>
    %swap3A_32 = arith.constant 0 : index
    %swap3A_33 = arith.constant 0 : index
    %swap3A_34 = arith.constant 0 : index
    %swap3A_35 = vector.load %arg9[%swap3A_32, %swap3A_33, %swap3A_34] : memref<2x400x128xf32, #tpu.memory_space<vmem>>, vector<1x400x128xf32>
    %swap3A_36 = vector.shape_cast %swap3A_35 : vector<1x400x128xf32> to vector<400x128xf32>
    %swap3A_37 = vector.shape_cast %slice3A : vector<400x128xf32> to vector<1x400x128xf32>
    tpu.vector_store %arg9[%swap3A_32, %swap3A_33, %swap3A_34], %swap3A_37 {strides = array<i32>} : memref<2x400x128xf32, #tpu.memory_space<vmem>>, vector<1x400x128xf32>,
    %slice3A_38 = vector.extract_strided_slice %dot_general3A_31 {offsets = [0, 128], sizes = [400, 128], strides = [1, 1]} : vector<400x256xf32> to vector<400x128xf32>
    %swap3A_39 = arith.constant 1 : index
    %swap3A_40 = arith.constant 0 : index
    %swap3A_41 = arith.constant 0 : index
    %swap3A_42 = vector.load %arg9[%swap3A_39, %swap3A_40, %swap3A_41] : memref<2x400x128xf32, #tpu.memory_space<vmem>>, vector<1x400x128xf32>
    %swap3A_43 = vector.shape_cast %swap3A_42 : vector<1x400x128xf32> to vector<400x128xf32>
    %swap3A_44 = vector.shape_cast %slice3A_38 : vector<400x128xf32> to vector<1x400x128xf32>
    tpu.vector_store %arg9[%swap3A_39, %swap3A_40, %swap3A_41], %swap3A_44 {strides = array<i32>} : memref<2x400x128xf32, #tpu.memory_space<vmem>>, vector<1x400x128xf32>,
    %get3A_45 = arith.constant 0 : index
    %get3A_46 = arith.constant 0 : index
    %get3A_47 = vector.load %arg4[%get3A_45, %get3A_46] : memref<256x4xf32, #tpu.memory_space<vmem>>, vector<256x4xf32>
    %dot_general3A_48 = arith.constant dense<0.000000e+00> : vector<400x4xf32>
    %dot_general3A_49 = tpu.matmul %dot_general3A_31, %get3A_47, %dot_general3A_48 {dimension_numbers = #tpu.dot_dimension_numbers<[1], [0], [0], [1], [0, 0, 1, 1], [], []>, transpose_lhs_hint = false} : vector<400x256xf32>, vector<256x4xf32>, vector<400x4xf32> -> vector<400x4xf32>
    %get3A_50 = arith.constant 0 : index
    %get3A_51 = arith.constant 0 : index
    %get3A_52 = vector.load %arg5[%get3A_50, %get3A_51] : memref<256x4xf32, #tpu.memory_space<vmem>>, vector<256x4xf32>
    %dot_general3A_53 = arith.constant dense<0.000000e+00> : vector<400x4xf32>
    %dot_general3A_54 = tpu.matmul %dot_general3A_31, %get3A_52, %dot_general3A_53 {dimension_numbers = #tpu.dot_dimension_numbers<[1], [0], [0], [1], [0, 0, 1, 1], [], []>, transpose_lhs_hint = false} : vector<400x256xf32>, vector<256x4xf32>, vector<400x4xf32> -> vector<400x4xf32>
    %get3A_55 = arith.constant 0 : index
    %get3A_56 = arith.constant 0 : index
    %get3A_57 = vector.load %arg6[%get3A_55, %get3A_56] : memref<2x20xf32, #tpu.memory_space<vmem>>, vector<2x20xf32>
    %get3A_58 = arith.constant 0 : index
    %get3A_59 = arith.constant 0 : index
    %get3A_60 = vector.load %arg7[%get3A_58, %get3A_59] : memref<20x4xf32, #tpu.memory_space<vmem>>, vector<20x4xf32>
    %dot_general3A_61 = arith.constant dense<0.000000e+00> : vector<2x4xf32>
    %dot_general3A_62 = tpu.matmul %get3A_57, %get3A_60, %dot_general3A_61 {dimension_numbers = #tpu.dot_dimension_numbers<[1], [0], [0], [1], [0, 0, 1, 1], [], []>, transpose_lhs_hint = false} : vector<2x20xf32>, vector<20x4xf32>, vector<2x4xf32> -> vector<2x4xf32>
    %broadcast_in_dim3A = arith.constant 0.000000e+00 : f32
    %broadcast_in_dim3A_63 = vector.broadcast %broadcast_in_dim3A : f32 to vector<400x14xf32>
    %slice3A_64 = vector.extract_strided_slice %dot_general3A_49 {offsets = [0, 0], sizes = [400, 2], strides = [1, 1]} : vector<400x4xf32> to vector<400x2xf32>
    %concatenate3A_65 = tpu.concatenate %slice3A_64, %broadcast_in_dim3A_63 in 1 : vector<400x2xf32>, vector<400x14xf32> -> vector<400x16xf32>
    %swap3A_66 = arith.constant 0 : index
    %swap3A_67 = arith.constant 0 : index
    %swap3A_68 = arith.constant 0 : index
    %swap3A_69 = vector.load %arg10[%swap3A_66, %swap3A_67, %swap3A_68] : memref<2x400x16xf32, #tpu.memory_space<vmem>>, vector<1x400x16xf32>
    %swap3A_70 = vector.shape_cast %swap3A_69 : vector<1x400x16xf32> to vector<400x16xf32>
    %swap3A_71 = vector.shape_cast %concatenate3A_65 : vector<400x16xf32> to vector<1x400x16xf32>
    tpu.vector_store %arg10[%swap3A_66, %swap3A_67, %swap3A_68], %swap3A_71 {strides = array<i32>} : memref<2x400x16xf32, #tpu.memory_space<vmem>>, vector<1x400x16xf32>,
    %slice3A_72 = vector.extract_strided_slice %dot_general3A_54 {offsets = [0, 0], sizes = [400, 2], strides = [1, 1]} : vector<400x4xf32> to vector<400x2xf32>
    %slice3A_73 = vector.extract_strided_slice %dot_general3A_62 {offsets = [0, 0], sizes = [1, 2], strides = [1, 1]} : vector<2x4xf32> to vector<1x2xf32>
    %add3A_74 = vector.broadcast %slice3A_73 : vector<1x2xf32> to vector<400x2xf32>
    %add3A_75 = arith.addf %slice3A_72, %add3A_74 : vector<400x2xf32>
    %concatenate3A_76 = tpu.concatenate %add3A_75, %broadcast_in_dim3A_63 in 1 : vector<400x2xf32>, vector<400x14xf32> -> vector<400x16xf32>
    %swap3A_77 = arith.constant 0 : index
    %swap3A_78 = arith.constant 0 : index
    %swap3A_79 = arith.constant 0 : index
    %swap3A_80 = arith.constant 0 : index
    %swap3A_81 = vector.load %arg11[%swap3A_77, %swap3A_78, %swap3A_79, %swap3A_80] : memref<2x2x400x16xf32, #tpu.memory_space<vmem>>, vector<1x1x400x16xf32>
    %swap3A_82 = vector.shape_cast %swap3A_81 : vector<1x1x400x16xf32> to vector<400x16xf32>
    %swap3A_83 = vector.shape_cast %concatenate3A_76 : vector<400x16xf32> to vector<1x1x400x16xf32>
    tpu.vector_store %arg11[%swap3A_77, %swap3A_78, %swap3A_79, %swap3A_80], %swap3A_83 {strides = array<i32>} : memref<2x2x400x16xf32, #tpu.memory_space<vmem>>, vector<1x1x400x16xf32>,
    %slice3A_84 = vector.extract_strided_slice %dot_general3A_54 {offsets = [0, 0], sizes = [400, 2], strides = [1, 1]} : vector<400x4xf32> to vector<400x2xf32>
    %slice3A_85 = vector.extract_strided_slice %dot_general3A_62 {offsets = [1, 0], sizes = [1, 2], strides = [1, 1]} : vector<2x4xf32> to vector<1x2xf32>
    %add3A_86 = vector.broadcast %slice3A_85 : vector<1x2xf32> to vector<400x2xf32>
    %add3A_87 = arith.addf %slice3A_84, %add3A_86 : vector<400x2xf32>
    %concatenate3A_88 = tpu.concatenate %add3A_87, %broadcast_in_dim3A_63 in 1 : vector<400x2xf32>, vector<400x14xf32> -> vector<400x16xf32>
    %swap3A_89 = arith.constant 0 : index
    %swap3A_90 = arith.constant 1 : index
    %swap3A_91 = arith.constant 0 : index
    %swap3A_92 = arith.constant 0 : index
    %swap3A_93 = vector.load %arg11[%swap3A_89, %swap3A_90, %swap3A_91, %swap3A_92] : memref<2x2x400x16xf32, #tpu.memory_space<vmem>>, vector<1x1x400x16xf32>
    %swap3A_94 = vector.shape_cast %swap3A_93 : vector<1x1x400x16xf32> to vector<400x16xf32>
    %swap3A_95 = vector.shape_cast %concatenate3A_88 : vector<400x16xf32> to vector<1x1x400x16xf32>
    tpu.vector_store %arg11[%swap3A_89, %swap3A_90, %swap3A_91, %swap3A_92], %swap3A_95 {strides = array<i32>} : memref<2x2x400x16xf32, #tpu.memory_space<vmem>>, vector<1x1x400x16xf32>,
    %slice3A_96 = vector.extract_strided_slice %dot_general3A_49 {offsets = [0, 2], sizes = [400, 2], strides = [1, 1]} : vector<400x4xf32> to vector<400x2xf32>
    %concatenate3A_97 = tpu.concatenate %slice3A_96, %broadcast_in_dim3A_63 in 1 : vector<400x2xf32>, vector<400x14xf32> -> vector<400x16xf32>
    %swap3A_98 = arith.constant 1 : index
    %swap3A_99 = arith.constant 0 : index
    %swap3A_100 = arith.constant 0 : index
    %swap3A_101 = vector.load %arg10[%swap3A_98, %swap3A_99, %swap3A_100] : memref<2x400x16xf32, #tpu.memory_space<vmem>>, vector<1x400x16xf32>
    %swap3A_102 = vector.shape_cast %swap3A_101 : vector<1x400x16xf32> to vector<400x16xf32>
    %swap3A_103 = vector.shape_cast %concatenate3A_97 : vector<400x16xf32> to vector<1x400x16xf32>
    tpu.vector_store %arg10[%swap3A_98, %swap3A_99, %swap3A_100], %swap3A_103 {strides = array<i32>} : memref<2x400x16xf32, #tpu.memory_space<vmem>>, vector<1x400x16xf32>,
    %slice3A_104 = vector.extract_strided_slice %dot_general3A_54 {offsets = [0, 2], sizes = [400, 2], strides = [1, 1]} : vector<400x4xf32> to vector<400x2xf32>
    %slice3A_105 = vector.extract_strided_slice %dot_general3A_62 {offsets = [0, 2], sizes = [1, 2], strides = [1, 1]} : vector<2x4xf32> to vector<1x2xf32>
    %add3A_106 = vector.broadcast %slice3A_105 : vector<1x2xf32> to vector<400x2xf32>
    %add3A_107 = arith.addf %slice3A_104, %add3A_106 : vector<400x2xf32>
    %concatenate3A_108 = tpu.concatenate %add3A_107, %broadcast_in_dim3A_63 in 1 : vector<400x2xf32>, vector<400x14xf32> -> vector<400x16xf32>
    %swap3A_109 = arith.constant 1 : index
    %swap3A_110 = arith.constant 0 : index
    %swap3A_111 = arith.constant 0 : index
    %swap3A_112 = arith.constant 0 : index
    %swap3A_113 = vector.load %arg11[%swap3A_109, %swap3A_110, %swap3A_111, %swap3A_112] : memref<2x2x400x16xf32, #tpu.memory_space<vmem>>, vector<1x1x400x16xf32>
    %swap3A_114 = vector.shape_cast %swap3A_113 : vector<1x1x400x16xf32> to vector<400x16xf32>
    %swap3A_115 = vector.shape_cast %concatenate3A_108 : vector<400x16xf32> to vector<1x1x400x16xf32>
    tpu.vector_store %arg11[%swap3A_109, %swap3A_110, %swap3A_111, %swap3A_112], %swap3A_115 {strides = array<i32>} : memref<2x2x400x16xf32, #tpu.memory_space<vmem>>, vector<1x1x400x16xf32>,
    %slice3A_116 = vector.extract_strided_slice %dot_general3A_54 {offsets = [0, 2], sizes = [400, 2], strides = [1, 1]} : vector<400x4xf32> to vector<400x2xf32>
    %slice3A_117 = vector.extract_strided_slice %dot_general3A_62 {offsets = [1, 2], sizes = [1, 2], strides = [1, 1]} : vector<2x4xf32> to vector<1x2xf32>
    %add3A_118 = vector.broadcast %slice3A_117 : vector<1x2xf32> to vector<400x2xf32>
    %add3A_119 = arith.addf %slice3A_116, %add3A_118 : vector<400x2xf32>
    %concatenate3A_120 = tpu.concatenate %add3A_119, %broadcast_in_dim3A_63 in 1 : vector<400x2xf32>, vector<400x14xf32> -> vector<400x16xf32>
    %swap3A_121 = arith.constant 1 : index
    %swap3A_122 = arith.constant 1 : index
    %swap3A_123 = arith.constant 0 : index
    %swap3A_124 = arith.constant 0 : index
    %swap3A_125 = vector.load %arg11[%swap3A_121, %swap3A_122, %swap3A_123, %swap3A_124] : memref<2x2x400x16xf32, #tpu.memory_space<vmem>>, vector<1x1x400x16xf32>
    %swap3A_126 = vector.shape_cast %swap3A_125 : vector<1x1x400x16xf32> to vector<400x16xf32>
    %swap3A_127 = vector.shape_cast %concatenate3A_120 : vector<400x16xf32> to vector<1x1x400x16xf32>
    tpu.vector_store %arg11[%swap3A_121, %swap3A_122, %swap3A_123, %swap3A_124], %swap3A_127 {strides = array<i32>} : memref<2x2x400x16xf32, #tpu.memory_space<vmem>>, vector<1x1x400x16xf32>,
    return
  }
  func.func @transform_0(%arg0: i32) -> (i32, i32) {
    %c0_i32 = arith.constant 0 : i32
    %c0_i32_0 = arith.constant 0 : i32
    return %arg0, %c0_i32 : i32, i32
  }
  func.func @transform_1(%arg0: i32) -> (i32, i32, i32) {
    %c0_i32 = arith.constant 0 : i32
    %c0_i32_0 = arith.constant 0 : i32
    %c0_i32_1 = arith.constant 0 : i32
    return %c0_i32, %arg0, %c0_i32_0 : i32, i32, i32
  }
  func.func @transform_2(%arg0: i32) -> (i32, i32) {
    %c0_i32 = arith.constant 0 : i32
    %c0_i32_0 = arith.constant 0 : i32
    %c0_i32_1 = arith.constant 0 : i32
    return %c0_i32, %c0_i32_0 : i32, i32
  }
  func.func @transform_3(%arg0: i32) -> (i32, i32) {
    %c0_i32 = arith.constant 0 : i32
    %c0_i32_0 = arith.constant 0 : i32
    %c0_i32_1 = arith.constant 0 : i32
    return %c0_i32, %c0_i32_0 : i32, i32
  }
  func.func @transform_4(%arg0: i32) -> (i32, i32) {
    %c0_i32 = arith.constant 0 : i32
    %c0_i32_0 = arith.constant 0 : i32
    %c0_i32_1 = arith.constant 0 : i32
    return %c0_i32, %c0_i32_0 : i32, i32
  }
  func.func @transform_5(%arg0: i32) -> (i32, i32) {
    %c0_i32 = arith.constant 0 : i32
    %c0_i32_0 = arith.constant 0 : i32
    %c0_i32_1 = arith.constant 0 : i32
    return %c0_i32, %c0_i32_0 : i32, i32
  }
  func.func @transform_6(%arg0: i32) -> (i32, i32) {
    %c0_i32 = arith.constant 0 : i32
    %c0_i32_0 = arith.constant 0 : i32
    %c0_i32_1 = arith.constant 0 : i32
    return %c0_i32, %c0_i32_0 : i32, i32
  }
  func.func @transform_7(%arg0: i32) -> (i32, i32) {
    %c0_i32 = arith.constant 0 : i32
    %c0_i32_0 = arith.constant 0 : i32
    return %arg0, %c0_i32 : i32, i32
  }
  func.func @transform_8(%arg0: i32) -> (i32, i32, i32) {
    %c0_i32 = arith.constant 0 : i32
    %c0_i32_0 = arith.constant 0 : i32
    %c0_i32_1 = arith.constant 0 : i32
    return %c0_i32, %arg0, %c0_i32_0 : i32, i32, i32
  }
  func.func @transform_9(%arg0: i32) -> (i32, i32, i32) {
    %c0_i32 = arith.constant 0 : i32
    %c0_i32_0 = arith.constant 0 : i32
    %c0_i32_1 = arith.constant 0 : i32
    return %c0_i32, %arg0, %c0_i32_0 : i32, i32, i32
  }
  func.func @transform_10(%arg0: i32) -> (i32, i32, i32, i32) {
    %c0_i32 = arith.constant 0 : i32
    %c0_i32_0 = arith.constant 0 : i32
    %c0_i32_1 = arith.constant 0 : i32
    %c0_i32_2 = arith.constant 0 : i32
    return %c0_i32, %c0_i32_0, %arg0, %c0_i32_1 : i32, i32, i32, i32
  }
}

module attributes {stable_mosaic.version = 14 : i64} {
  func.func @_tc_head_body(%arg0: memref<640x256xf32, #tpu.memory_space<vmem>>, %arg1: memref<640x128xf32, #tpu.memory_space<vmem>>, %arg2: memref<640x128xf32, #tpu.memory_space<vmem>>, %arg3: memref<256x256xf32, #tpu.memory_space<vmem>>, %arg4: memref<1x256xf32, #tpu.memory_space<vmem>>, %arg5: memref<256x1xf32, #tpu.memory_space<vmem>>, %arg6: memref<1x1xf32, #tpu.memory_space<vmem>>, %arg7: memref<640x1xf32, #tpu.memory_space<vmem>>) attributes {dimension_semantics = [], scalar_prefetch = 0 : i64, scratch_operands = 0 : i64, tpu.core_type = #tpu.core_type<tc>} {
    %get3A = arith.constant 0 : index
    %get3A_0 = arith.constant 0 : index
    %get3A_1 = vector.load %arg0[%get3A, %get3A_0] : memref<640x256xf32, #tpu.memory_space<vmem>>, vector<640x256xf32>
    %get3A_2 = arith.constant 0 : index
    %get3A_3 = arith.constant 0 : index
    %get3A_4 = vector.load %arg1[%get3A_2, %get3A_3] : memref<640x128xf32, #tpu.memory_space<vmem>>, vector<640x128xf32>
    %get3A_5 = arith.constant 0 : index
    %get3A_6 = arith.constant 0 : index
    %get3A_7 = vector.load %arg2[%get3A_5, %get3A_6] : memref<640x128xf32, #tpu.memory_space<vmem>>, vector<640x128xf32>
    %concatenate3A = tpu.concatenate %get3A_4, %get3A_7 in 1 : vector<640x128xf32>, vector<640x128xf32> -> vector<640x256xf32>
    %add3A = arith.addf %get3A_1, %concatenate3A : vector<640x256xf32>
    %get3A_8 = arith.constant 0 : index
    %get3A_9 = arith.constant 0 : index
    %get3A_10 = vector.load %arg3[%get3A_8, %get3A_9] : memref<256x256xf32, #tpu.memory_space<vmem>>, vector<256x256xf32>
    %dot_general3A = arith.constant dense<0.000000e+00> : vector<640x256xf32>
    %dot_general3A_11 = tpu.matmul %add3A, %get3A_10, %dot_general3A {dimension_numbers = #tpu.dot_dimension_numbers<[1], [0], [0], [1], [0, 0, 1, 1], [], []>, transpose_lhs_hint = false} : vector<640x256xf32>, vector<256x256xf32>, vector<640x256xf32> -> vector<640x256xf32>
    %get3A_12 = arith.constant 0 : index
    %get3A_13 = arith.constant 0 : index
    %get3A_14 = vector.load %arg4[%get3A_12, %get3A_13] : memref<1x256xf32, #tpu.memory_space<vmem>>, vector<1x256xf32>
    %add3A_15 = vector.broadcast %get3A_14 : vector<1x256xf32> to vector<640x256xf32>
    %add3A_16 = arith.addf %dot_general3A_11, %add3A_15 : vector<640x256xf32>
    %tanh3A = math.tanh %add3A_16 : vector<640x256xf32>
    %get3A_17 = arith.constant 0 : index
    %get3A_18 = arith.constant 0 : index
    %get3A_19 = vector.load %arg5[%get3A_17, %get3A_18] : memref<256x1xf32, #tpu.memory_space<vmem>>, vector<256x1xf32>
    %dot_general3A_20 = arith.constant dense<0.000000e+00> : vector<640x1xf32>
    %dot_general3A_21 = tpu.matmul %tanh3A, %get3A_19, %dot_general3A_20 {dimension_numbers = #tpu.dot_dimension_numbers<[1], [0], [0], [1], [0, 0, 1, 1], [], []>, transpose_lhs_hint = false} : vector<640x256xf32>, vector<256x1xf32>, vector<640x1xf32> -> vector<640x1xf32>
    %get3A_22 = arith.constant 0 : index
    %get3A_23 = arith.constant 0 : index
    %get3A_24 = vector.load %arg6[%get3A_22, %get3A_23] : memref<1x1xf32, #tpu.memory_space<vmem>>, vector<1x1xf32>
    %add3A_25 = vector.broadcast %get3A_24 : vector<1x1xf32> to vector<640x1xf32>
    %add3A_26 = arith.addf %dot_general3A_21, %add3A_25 : vector<640x1xf32>
    %swap3A = arith.constant 0 : index
    %swap3A_27 = arith.constant 0 : index
    %swap3A_28 = vector.load %arg7[%swap3A, %swap3A_27] : memref<640x1xf32, #tpu.memory_space<vmem>>, vector<640x1xf32>
    tpu.vector_store %arg7[%swap3A, %swap3A_27], %add3A_26 {strides = array<i32>} : memref<640x1xf32, #tpu.memory_space<vmem>>, vector<640x1xf32>,
    return
  }
}

module attributes {stable_mosaic.version = 14 : i64} {
  func.func @_tc_loss_body(%arg0: memref<32x20xf32, #tpu.memory_space<vmem>>, %arg1: memref<32x1xi32, #tpu.memory_space<vmem>>, %arg2: memref<1x1xf32, #tpu.memory_space<vmem>>) attributes {dimension_semantics = [], scalar_prefetch = 0 : i64, scratch_operands = 0 : i64, tpu.core_type = #tpu.core_type<tc>} {
    %get3A = arith.constant 0 : index
    %get3A_0 = arith.constant 0 : index
    %get3A_1 = vector.load %arg0[%get3A, %get3A_0] : memref<32x20xf32, #tpu.memory_space<vmem>>, vector<32x20xf32>
    %reduce_max3A = arith.constant dense<0xFF800000> : vector<32xf32>
    %reduce_max3A_2 = vector.multi_reduction <maximumf>, %get3A_1, %reduce_max3A [1] : vector<32x20xf32> to vector<32xf32>
    %broadcast_in_dim3A = vector.shape_cast %reduce_max3A_2 : vector<32xf32> to vector<32x1xf32>
    %sub3A = vector.broadcast %broadcast_in_dim3A : vector<32x1xf32> to vector<32x20xf32>
    %sub3A_3 = arith.subf %get3A_1, %sub3A : vector<32x20xf32>
    %exp3A = math.exp %sub3A_3 : vector<32x20xf32>
    %reduce_sum3A = arith.constant dense<0.000000e+00> : vector<32xf32>
    %reduce_sum3A_4 = vector.multi_reduction <add>, %exp3A, %reduce_sum3A [1] : vector<32x20xf32> to vector<32xf32>
    %broadcast_in_dim3A_5 = vector.shape_cast %reduce_sum3A_4 : vector<32xf32> to vector<32x1xf32>
    %log3A = math.log %broadcast_in_dim3A_5 : vector<32x1xf32>
    %add3A = arith.addf %broadcast_in_dim3A, %log3A : vector<32x1xf32>
    %iota3A = tpu.iota {dimensions = array<i32: 1>} : vector<32x20xi32>
    %get3A_6 = arith.constant 0 : index
    %get3A_7 = arith.constant 0 : index
    %get3A_8 = vector.load %arg1[%get3A_6, %get3A_7] : memref<32x1xi32, #tpu.memory_space<vmem>>, vector<32x1xi32>
    %eq3A = vector.broadcast %get3A_8 : vector<32x1xi32> to vector<32x20xi32>
    %eq3A_9 = arith.cmpi eq, %iota3A, %eq3A : vector<32x20xi32>
    %convert_element_type3A = arith.extui %eq3A_9 : vector<32x20xi1> to vector<32x20xi32>
    %convert_element_type3A_10 = arith.sitofp %convert_element_type3A : vector<32x20xi32> to vector<32x20xf32>
    %mul3A = arith.mulf %get3A_1, %convert_element_type3A_10 : vector<32x20xf32>
    %reduce_sum3A_11 = arith.constant dense<0.000000e+00> : vector<32xf32>
    %reduce_sum3A_12 = vector.multi_reduction <add>, %mul3A, %reduce_sum3A_11 [1] : vector<32x20xf32> to vector<32xf32>
    %broadcast_in_dim3A_13 = vector.shape_cast %reduce_sum3A_12 : vector<32xf32> to vector<32x1xf32>
    %sub3A_14 = arith.subf %broadcast_in_dim3A_13, %add3A : vector<32x1xf32>
    %reduce_sum3A_15 = vector.shape_cast %sub3A_14 : vector<32x1xf32> to vector<1x32x1xf32>
    %reduce_sum3A_16 = arith.constant dense<0.000000e+00> : vector<1xf32>
    %reduce_sum3A_17 = vector.multi_reduction <add>, %reduce_sum3A_15, %reduce_sum3A_16 [1, 2] : vector<1x32x1xf32> to vector<1xf32>
    %reduce_sum3A_18 = vector.shape_cast %reduce_sum3A_17 : vector<1xf32> to vector<1x1x1xf32>
    %reduce_sum3A_19 = vector.extract %reduce_sum3A_18[0, 0, 0] : f32 from vector<1x1x1xf32>
    %broadcast_in_dim3A_20 = vector.broadcast %reduce_sum3A_19 : f32 to vector<1x1xf32>
    %div3A = arith.constant 3.200000e+01 : f32
    %div3A_21 = vector.broadcast %div3A : f32 to vector<1x1xf32>
    %div3A_22 = arith.divf %broadcast_in_dim3A_20, %div3A_21 : vector<1x1xf32>
    %neg3A = arith.constant 0.000000e+00 : f32
    %neg3A_23 = vector.broadcast %neg3A : f32 to vector<1x1xf32>
    %neg3A_24 = arith.subf %neg3A_23, %div3A_22 : vector<1x1xf32>
    %swap3A = arith.constant 0 : index
    %swap3A_25 = arith.constant 0 : index
    %swap3A_26 = vector.load %arg2[%swap3A, %swap3A_25] : memref<1x1xf32, #tpu.memory_space<vmem>>, vector<1x1xf32>
    tpu.vector_store %arg2[%swap3A, %swap3A_25], %neg3A_24 {strides = array<i32>} : memref<1x1xf32, #tpu.memory_space<vmem>>, vector<1x1xf32>,
    return
  }
}

</mosaic_0001>

<sc_bundles>
// kernel: kernel.11.cloned.1.call-start
scs
__scs_entry_jumppad:
0x0: {  	(pc) =	sbr.rel $0x88, $3  }
0x1: {  	(tag) =	ssettag $0x0;
	lr =	simm.s32 $0x1  }
0x2: {  	[smem:$0x3F90] =	sst lr;
	_ =	strace $0xD0000000  }
0x3: {  	_ = 	snop  }
0x4: {  	_ = 	snop  }
0x5: {  	_ = 	snop  }
0x6: {  	_ = 	snop  }
0x7: {  	_ = 	snop  }
__scs_overlays_trampoline_lowered:
0x8: {  	[smem:$0x3F9F] =	sst s0  }
0x9: {  	[smem:$0x3FA0] =	sst s1  }
0xa: {  	[smem:$0x3FA1] =	sst s2  }
0xb: {  	[smem:$0x3FA2] =	sst s3  }
0xc: {  	[smem:$0x3FA3] =	sst s4  }
0xd: {  	[smem:$0x3FA4] =	sst s5  }
0xe: {  	[smem:$0x3FA5] =	sst s6  }
0xf: {  	[smem:$0x3FA6] =	sst s7  }
0x10: {  	[smem:$0x3FA7] =	sst s8  }
0x11: {  	[smem:$0x3FA8] =	sst s9;
	s0 =	simm.s32 @!p0 $0x0  }
0x12: {  	s1 =	sld [smem:$0x3F8E];
	s0 =	simm.s32 @p0 $0x1  }
0x13: {  	[smem:$0x3FA9] =	sst s0;
	s0 =	simm.s32 @!p1 $0x0  }
0x14: {  	s2 =	sld [smem:$0x3F8D];
	s0 =	simm.s32 @p1 $0x1  }
0x15: {  	[smem:$0x3FAA] =	sst s0;
	s0 =	simm.s32 @!p2 $0x0  }
0x16: {  	s3 =	sld [smem:$0x3FDB];
	s0 =	simm.s32 @p2 $0x1  }
0x17: {  	s4 =	simm.s32 $0x1BF5;
	[smem:$0x3FAC] =	sst s0  }
0x18: {  	s0 =	sld [smem:$0x3F8F];
	_ =	swait.ge [sflag:s4], $0x0  }
0x19: {  	s7 =	sld [smem:$0x3F90]  }
0x1a: {  	s8 =	sadd.s32 $0xFFFFE003, lr  }
0x1b: {  	s9 =	sadd.s32 $0xFFFFFEF7, lr;
	s5 =	simm.s32 $0xFFFFFFFF;
	p2 =	slt.u32 s8, $0xFFFFF086  }
0x1c: {  	p1 =	slt.u32 s9, $0xF7A;
	s5 =	simm.s32 @!p2 $0x0  }
0x1d: {  	s5 =	simm.s32 @p1 $0x1;
	p0 =	seq.s32 s7, s2  }
0x1e: {  	s7 =	smul.u32 @!p0 $0xF7A, s2;
	p2 =	seq.s32 @!p0 s5, $0x0  }
0x1f: {  	s9 =	smul.u32 $0xF7A, s1;
	s8 =	simm.s32 @!p0 $0x1BF5;
	p2 =	por !p2, p0  }
0x20: {  	[sflag:s8] =	ssyncset.s32 @!p0 $0xFFFFF086;
	s6 =	sadd.s32 @!p0 s3, s7;
	s7 =	simm.s32 @!p0 $0x108  }
0x21: {  	s3 =	sadd.s32 s3, s9;
	s6 =	sadd.s32 @!p0 $0x88, s6;
	s7 =	simm.s32 @p2 $0x1082  }
0x22: {  	[simem:s7], [sflag:s8] =	dma.local @!p0 [hbm:s6], $0xF7A  }
0x23: {  	s9 =	sor.u32 $0xD0000000, s2;
	s6 =	simm.s32 $0x108;
	_ =	swait.ge @!p0 [sflag:s8], $0x0  }
0x24: {  	s3 =	sadd.s32 $0x88, s3;
	s6 =	simm.s32 @!p1 $0x1082;
	[sflag:s4] =	ssyncset.s32 $0xFFFFF086  }
0x25: {  	[simem:s6], [sflag:s4] =	dma.local [hbm:s3], $0xF7A  }
0x26: {  	[smem:$0x3F90] =	sst s1;
	(tag) =	ssettag s2;
	_ =	strace s9  }
0x27: {  	s1 =	sld [smem:$0x3FA0]  }
0x28: {  	s2 =	sld [smem:$0x3FA1]  }
0x29: {  	s4 =	sld [smem:$0x3FA3]  }
0x2a: {  	p0 =	seq.s32 s5, $0x0;
	s5 =	sld [smem:$0x3FA4]  }
0x2b: {  	s6 =	sld [smem:$0x3FA5]  }
0x2c: {  	s7 =	sld [smem:$0x3FA6]  }
0x2d: {  	s3 =	simm.s32 $0x108;
	s8 =	sld [smem:$0x3FA7]  }
0x2e: {  	s3 =	simm.s32 @!p0 $0x1082;
	s9 =	sld [smem:$0x3FA8]  }
0x2f: {  	lr =	sadd.s32 s0, s3;
	s0 =	sld [smem:$0x3F9F]  }
0x30: {  	s3 =	sld [smem:$0x3FA2]  }
0x31: {  	[smem:$0x3FAB] =	sst s10  }
0x32: {  	s10 =	sld [smem:$0x3FA9];
	_ =	sdelay $0x3  }
0x33: {  	p0 =	seq.s32 s10, $0x1;
	s10 =	sld [smem:$0x3FAB];
	_ =	sdelay $0x3  }
0x34: {  	[smem:$0x3FAB] =	sst s10  }
0x35: {  	s10 =	sld [smem:$0x3FAA];
	_ =	sdelay $0x3  }
0x36: {  	p1 =	seq.s32 s10, $0x1;
	s10 =	sld [smem:$0x3FAB];
	_ =	sdelay $0x3  }
0x37: {  	[smem:$0x3FAB] =	sst s10  }
0x38: {  	s10 =	sld [smem:$0x3FAC]  }
0x39: {  	_ = 	snop;
	(pc) =	sbr.ind lr, $3  }
0x3a: {  	_ = 	snop  }
0x3b: {  	_ = 	snop  }
0x3c: {  	p2 =	seq.s32 s10, $0x1;
	s10 =	sld [smem:$0x3FAB]  }
0x3d: {  	_ =	shalt  }
0x3e: {  	_ =	shalt  }
0x3f: {  	_ =	shalt  }
0x40: {  	_ =	shalt  }
0x41: {  	_ =	shalt  }
0x42: {  	_ =	shalt  }
0x43: {  	_ =	shalt  }
0x44: {  	_ =	shalt  }
0x45: {  	_ =	shalt  }
0x46: {  	_ =	shalt  }
0x47: {  	_ =	shalt  }
0x48: {  	_ =	shalt  }
0x49: {  	_ =	shalt  }
0x4a: {  	_ =	shalt  }
0x4b: {  	_ =	shalt  }
0x4c: {  	_ =	shalt  }
0x4d: {  	_ =	shalt  }
0x4e: {  	_ =	shalt  }
0x4f: {  	_ =	shalt  }
0x50: {  	_ =	shalt  }
0x51: {  	_ =	shalt  }
0x52: {  	_ =	shalt  }
0x53: {  	_ =	shalt  }
0x54: {  	_ =	shalt  }
0x55: {  	_ =	shalt  }
0x56: {  	_ =	shalt  }
0x57: {  	_ =	shalt  }
0x58: {  	_ =	shalt  }
0x59: {  	_ =	shalt  }
0x5a: {  	_ =	shalt  }
0x5b: {  	_ =	shalt  }
0x5c: {  	_ =	shalt  }
0x5d: {  	_ =	shalt  }
0x5e: {  	_ =	shalt  }
0x5f: {  	_ =	shalt  }
0x60: {  	_ =	shalt  }
0x61: {  	_ =	shalt  }
0x62: {  	_ =	shalt  }
0x63: {  	_ =	shalt  }
0x64: {  	_ =	shalt  }
0x65: {  	_ =	shalt  }
0x66: {  	_ =	shalt  }
0x67: {  	_ =	shalt  }
0x68: {  	_ =	shalt  }
0x69: {  	_ =	shalt  }
0x6a: {  	_ =	shalt  }
0x6b: {  	_ =	shalt  }
0x6c: {  	_ =	shalt  }
0x6d: {  	_ =	shalt  }
0x6e: {  	_ =	shalt  }
0x6f: {  	_ =	shalt  }
0x70: {  	_ =	shalt  }
0x71: {  	_ =	shalt  }
0x72: {  	_ =	shalt  }
0x73: {  	_ =	shalt  }
0x74: {  	_ =	shalt  }
0x75: {  	_ =	shalt  }
0x76: {  	_ =	shalt  }
0x77: {  	_ =	shalt  }
0x78: {  	_ =	shalt  }
0x79: {  	_ =	shalt  }
0x7a: {  	_ =	shalt  }
0x7b: {  	_ =	shalt  }
0x7c: {  	_ =	shalt  }
0x7d: {  	_ =	shalt  }
0x7e: {  	_ =	shalt  }
0x7f: {  	_ =	shalt  }
0x80: {  	_ =	shalt  }
0x81: {  	_ =	shalt  }
0x82: {  	_ =	shalt  }
0x83: {  	_ =	shalt  }
0x84: {  	_ =	shalt  }
0x85: {  	_ =	shalt  }
0x86: {  	_ =	shalt  }
0x87: {  	_ =	shalt  }
.Lfunc_end0:
.L_simem_size_0:
called_computation_lowered:
.L_overlay_start_0:
0x88: {  	s2 =	sld [smem:$0x3FD9]  }
0x89: {  	s3 =	sld [smem:$0x3FFE];
	_ =	sdelay $0x1  }
0x8a: {  	s1 =	srdreg.scid  }
0x8b: {  	s0 =	sand.u32 $0x1, s1  }
0x8c: {  	s17 =	sshll.u32 s0, $0xA;
	s2 =	sadd.s32 s3, s2  }
0x8d: {  	s2 =	sadd.s32 s2, s17  }
0x8e: {  	[smem:$0x3FB7] =	sst s2  }
0x8f: {  	_ = 	snop  }
0x90: {  	s2 =	sld [smem:$0x3FC7];
	(tm) =	ssettm $0x1  }
0x91: {  	s18 =	sld [smem:$0x3FFB];
	_ =	sdelay $0x3  }
0x92: {  	_ =	strace s18  }
0x93: {  	s3 =	sld [smem:$0x3FFC];
	_ =	sdelay $0x3  }
0x94: {  	_ =	strace s3  }
0x95: {  	s3 =	sld [smem:$0x3FFD];
	_ =	sdelay $0x3  }
0x96: {  	_ =	strace s3  }
0x97: {  	_ =	strace $0x8FFFFFFF  }
0x98: {  	s19 =	sld [smem:$0x3FDB];
	_ =	sdelay $0x1  }
0x99: {  	s4 =	simm.s32 $_scs_section_size  }
0x9a: {  	s5 =	simm.s32 $_size__tile_overlayer_lowered;
	s6 =	simm.s32 $_tile_overlayer_lowered  }
0x9b: {  	s22 =	simm.s32 $0x1BFF;
	s21 =	sshll.u32 s6, $0x1;
	s3 =	sadd.s32 s4, s19  }
0x9c: {  	s7 =	simm.s32 $0x0;
	s20 =	sshll.u32 s5, $0x1;
	s5 =	sadd.s32 s21, s3  }
0x9d: {  	[timem:s7], [sflag:s22] =	dma.local [hbm:s5], s20  }
0x9e: {  	_ =	swait.ge [sflag:s22], s20  }
0x9f: {  	s4 =	ssub.s32 $0x0, s20;
	[sflag:s22] =	ssyncset.done $0x0  }
0xa0: {  	[sflag:s22] =	ssyncadd.s32 s4;
	_ =	sdelay $0x1  }
0xa1: {  	s23 =	simm.s32 $0x1B8B  }
0xa2: {  	_ =	swait.ge [sflag:s23], $0x1  }
0xa3: {  	[sflag:s23] =	ssyncset.done $0x0  }
0xa4: {  	s25 =	simm.s32 $0x1B8E;
	s24 =	sld [smem:$0x3FFE];
	[sflag:s23] =	ssyncadd.s32 $0xFFFFFFFF  }
0xa5: {  	s26 =	simm.s32 $execute0_lowered;
	[smem:$0x3FD2] =	sst s25  }
0xa6: {  	s5 =	sshll.u32 s26, $0x1;
	_ =	strace $0x80000046;
	[dreg:$0x1] =	wrdreg $0xFFFFFFFF  }
0xa7: {  	s28 =	simm.s32 $_size_execute0_lowered;
	s3 =	sadd.s32 s3, s5;
	[dreg:$0x0] =	wrdreg $0x0  }
0xa8: {  	s5 =	sshll.u32 s28, $0x1;
	[dreg:$0x2] =	wrdreg s3  }
0xa9: {  	[dreg:$0x3] =	wrdreg s5  }
0xaa: {  	[dreg:$0x4] =	wrdreg $0xC0  }
0xab: {  	_ =	task [dreg:s7], $0x5FFFF  }
0xac: {  	[dreg:$0x1] =	wrdreg $0xFFFFFFFF  }
0xad: {  	[dreg:$0x0] =	wrdreg $0x60  }
0xae: {  	[dreg:$0x2] =	wrdreg s24  }
0xaf: {  	[dreg:$0x3] =	wrdreg s2  }
0xb0: {  	[dreg:$0x4] =	wrdreg $0x4EC00  }
0xb1: {  	[dreg:$0x5] =	wrdreg $0x9  }
0xb2: {  	_ =	task.clear_ibuf [dreg:s7], $0x6FFFF;
	_ =	strace $0x90000046  }
0xb3: {  	s29 =	simm.s32 $0x9;
	_ =	strace $0x80000048  }
0xb4: {  	_ =	swait.ge [sflag:s29], $0x1  }
0xb5: {  	[sflag:s29] =	ssyncadd.s32 $0xFFFFFFFF  }
0xb6: {  	_ =	strace $0x90000048  }
0xb7: {  	_ =	sfence  }
0xb8: {  	s30 =	sld [smem:$0x0];
	_ =	sdelay $0x2  }
0xb9: {  	s31 =	sshll.u32 s1, $0xD;
	s1 =	sshrl.u32 s1, $0x2  }
0xba: {  	s3 =	sand.u32 $0x4000, s31;
	s1 =	sadd.s32 s1, s30  }
0xbb: {  	s0 =	sor.u32 s3, s0;
	s1 =	sshll.u32 s1, $0x11  }
0xbc: {  	s0 =	sor.u32 s1, s0  }
0xbd: {  	s0 =	sadd.s32 $0x8F2B, s0  }
0xbe: {  	[sflag:s0] =	ssyncadd.remote.s32 $0x1  }
0xbf: {  	_ =	sfence.sel $0xFFFF  }
0xc0: {  	[dreg:$0x0] =	wrdreg $0xFFFFFFFF;
	(pc) =	sbr.abs _section_cstart, $3  }
0xc1: {  	[dreg:$0x1] =	wrdreg $0xFFFFFFFF  }
0xc2: {  	_ =	task.clear_ibuf [dreg:s7], $0x2FFFF;
	_ =	strace $0x9FFFFFFF  }
0xc3: {  	(tm) =	ssettm $0x7FFFFFFF  }
tec
execute0_lowered:
.L_overlay_start_1:
0x0: {  	(tag) =	ssettag $0x1  }
0x1: {  	s10 =	rddreg [dreg:$0x0]  }
0x2: {  	s1 =	rddreg [dreg:$0x1]  }
0x3: {  	s2 =	rddreg [dreg:$0x2]  }
0x4: {  	s3 =	srdreg.scid;
	s4 =	simm.s32 $0x0;
	s16 =	simm.s32 $0x50  }
0x5: {  	s17 =	simm.s32 $0xA0;
	s18 =	simm.s32 $0x140;
	s12 =	sand.u32 $0x1, s3  }
0x6: {  	s19 =	simm.s32 $0xF0;
	s3 =	stileid.u32;
	s20 =	smul.u32 $0x2710, s12  }
0x7: {  	s22 =	simm.s32 $0x0;
	[smem:$0x7FF] =	sst s4;
	s8 =	smul.u32 $0x3E8, s3  }
0x8: {  	s5 =	sadd.s32 $0x12A00, s10;
	s6 =	sadd.s32 $0xDA00, s10;
	s13 =	smul.u32 $0xFA00, s3  }
0x9: {  	s7 =	sadd.s32 $0x3C00, s10;
	_ =	strace $0x80000047;
	s21 =	smul.u32 $0x4E20, s12  }
0xa: {  	s31 =	ssub.s32 $0x2, s12;
	s12 =	smul.u32 $0x27100, s12;
	p0 =	sgt.u32 s3, $0x9  }
0xb: {  	s15 =	sshrl.u32 s31, $0x1;
	s9 =	sadd.s32 s8, s20;
	s8 =	sadd.s32 $0x18A600, s10  }
0xc: {  	s13 =	sshrl.u32 s13, $0x2;
	s15 =	ssub.s32 s31, s15;
	v1 =	vmov s20;
	s20 =	simm.s32 $0x640  }
0xd: {  	v0 =	vmov s21;
	s21 =	simm.s32 $0xB40;
	s11 =	sshll.u32 s9, $0x1;
	s9 =	sadd.s32 $0x17A00, s10  }
0xe: {  	s14 =	sadd.s32 s11, s10;
	s10 =	smul.u32 $0x2710, s3;
	s11 =	sadd.s32 s13, s2  }
0xf: {  	v2 =	vimm.f32 $0.0e+00;
	s13 =	sadd.s32 $0xB3E00, s14;
	s14 =	smax.u32 s15, $0x1;
	s15 =	simm.s32 $0x1  }
.LBB2_1:
0x10: {  	s23 =	simm.s32 $0x40;
	s24 =	simm.s32 $0x0  }
.LBB2_2:
0x11: {  	p1 =	sne.s32 s23, $0xF9C0;
	[tilespmem:s24+$0x1040] =	vst v2;
	s24 =	smov.u32 s23;
	s23 =	sadd.s32 $0x40, s23  }
.Ltmp0:
0x12: {  	(pc) =	sbr.rel @p1 .LBB2_2-.Ltmp0, $2  }
0x13: {  	_ =	sdelay $0x2  }
0x14: {  	s24 =	sshra.s32 s24, $0x2  }
0x15: {  	[tilespmem:s24+$0x1040] =	vst v2;
	s23 =	simm.s32 @!p0 $0x1040  }
0x16: {  	[spmem:s11] =	stream.linear.scatter @!p0 [tilespmem:s23], [sflag:$0x1], $0x3E80, $0x38;
	[tilespmem:$0x75D0] =	vst v63  }
0x17: {  	s23 =	simm.s32 @!p0 $0x1  }
0x18: {  	_ =	swait.ge @!p0 [sflag:s23], $0x3E80  }
0x19: {  	[sflag:s23] =	ssyncset.done @!p0 $0x0  }
0x1a: {  	[sflag:s23] =	ssyncadd.s32 @!p0 $0xFFFFC180  }
0x1b: {  	s24 =	simm.s32 $0x0;
	s23 =	simm.s32 $0x0;
	[bflag:$0x0] =	sbarrier.arrive $0xFFFF  }
.LBB2_4:
0x1c: {  	s25 =	smul.u32 $0x50, s24;
	_ =	sdelay $0x1  }
0x1d: {  	s25 =	sadd.s32 s10, s25  }
0x1e: {  	s26 =	sshrl.u32 s25, $0x3  }
0x1f: {  	s28 =	sadd.s32 s5, s26  }
0x20: {  	[tilespmem:s23], [sflag:$0x1] =	stream.linear.gather [hbm4b:s28+s23], $0x50, $0x38;
	[tilespmem:$0x75D0] =	vst v63  }
0x21: {  	_ =	swait.ge [sflag:s15], $0x50  }
0x22: {  	[sflag:s15] =	ssyncset.done $0x0  }
0x23: {  	s28 =	sadd.s32 s6, s26;
	[sflag:s15] =	ssyncadd.s32 $0xFFFFFFB0  }
0x24: {  	[tilespmem:s16], [sflag:$0x1] =	stream.linear.gather [hbm4b:s28+s23], $0x50, $0x38;
	[tilespmem:$0x75D0] =	vst v63  }
0x25: {  	_ =	swait.ge [sflag:s15], $0x50  }
0x26: {  	[sflag:s15] =	ssyncset.done $0x0  }
0x27: {  	s26 =	sadd.s32 s1, s26;
	[sflag:s15] =	ssyncadd.s32 $0xFFFFFFB0  }
0x28: {  	[tilespmem:s17], [sflag:$0x1] =	stream.linear.gather [hbm4b:s26+s23], $0x50, $0x38;
	[tilespmem:$0x75D0] =	vst v63  }
0x29: {  	_ =	swait.ge [sflag:s15], $0x50  }
0x2a: {  	[sflag:s15] =	ssyncset.done $0x0  }
0x2b: {  	[sflag:s15] =	ssyncadd.s32 $0xFFFFFFB0  }
0x2c: {  	v3 =	vld [tilespmem:$0x50]  }
0x2d: {  	v4 =	vld [tilespmem:$0xA0]  }
0x2e: {  	v5 =	vld [tilespmem:$0x0]  }
0x2f: {  	v6 =	vld [tilespmem:$0x60]  }
0x30: {  	v7 =	vld [tilespmem:$0xB0]  }
0x31: {  	v8 =	vld [tilespmem:$0x10]  }
0x32: {  	v9 =	vld [tilespmem:$0x70]  }
0x33: {  	v10 =	vld [tilespmem:$0xC0]  }
0x34: {  	v11 =	vld [tilespmem:$0x20]  }
0x35: {  	v12 =	vld [tilespmem:$0x80];
	v4 =	vmul.u32 $0x2710, v4  }
0x36: {  	v13 =	vld [tilespmem:$0xD0];
	v3 =	vadd.s32 v0, v3  }
0x37: {  	v3 =	vadd.s32 v4, v3;
	v4 =	vmul.u32 $0x2710, v7;
	v7 =	vld [tilespmem:$0x30]  }
0x38: {  	[tilespmem:$0xF0] =	vst v3;
	v3 =	vadd.s32 v1, v5;
	v5 =	vadd.s32 v0, v6;
	v6 =	vld [tilespmem:$0xE0]  }
0x39: {  	[tilespmem:$0x0] =	vst v3;
	v3 =	vadd.s32 v4, v5;
	v4 =	vmul.u32 $0x2710, v10;
	v5 =	vld [tilespmem:$0x90]  }
0x3a: {  	[tilespmem:$0x100] =	vst v3;
	v3 =	vadd.s32 v1, v8;
	v8 =	vadd.s32 v0, v9  }
0x3b: {  	[tilespmem:$0x10] =	vst v3;
	v3 =	vadd.s32 v4, v8;
	v4 =	vmul.u32 $0x2710, v13;
	v8 =	vld [tilespmem:$0x40]  }
0x3c: {  	v63 =	vadd.s32 v0, v12;
	[tilespmem:$0x110] =	vst v3;
	v3 =	vadd.s32 v1, v11  }
0x3d: {  	[tilespmem:$0x20] =	vst v3;
	v3 =	vadd.s32 v4, v63;
	v4 =	vmul.u32 $0x2710, v6  }
0x3e: {  	[tilespmem:$0x120] =	vst v3;
	v3 =	vadd.s32 v1, v7;
	v5 =	vadd.s32 v0, v5  }
0x3f: {  	[tilespmem:$0x30] =	vst v3;
	v3 =	vadd.s32 v4, v5  }
0x40: {  	[tilespmem:$0x130] =	vst v3;
	v3 =	vadd.s32 v1, v8  }
0x41: {  	[tilespmem:$0x40] =	vst v3  }
0x42: {  	[tilespmem:s18], [sflag:$0x1] =	stream.indirect.gather [hbm4b:s7+s16], $0x10, s23, s16, $0xb8;
	[tilespmem:$0x75D0] =	vst v63  }
0x43: {  	_ =	swait.ge [sflag:s15], $0x500  }
0x44: {  	[sflag:s15] =	ssyncset.done $0x0  }
0x45: {  	[sflag:s15] =	ssyncadd.s32 $0xFFFFFB00  }
0x46: {  	[tilespmem:s20], [sflag:$0x1] =	stream.indirect.gather [hbm4b:s8+s16], $0x10, s19, s16, $0xb8;
	[tilespmem:$0x75D0] =	vst v63  }
0x47: {  	_ =	swait.ge [sflag:s15], $0x500  }
0x48: {  	[sflag:s15] =	ssyncset.done $0x0  }
0x49: {  	s26 =	simm.s32 $0x0;
	[sflag:s15] =	ssyncadd.s32 $0xFFFFFB00  }
0x4a: {  	v3 =	vld [tilespmem:s26+$0x140]  }
0x4b: {  	v4 =	vld [tilespmem:s26+$0x640];
	_ =	sdelay $0x4  }
0x4c: {  	v3 =	vadd.f32 v4, v3;
	_ =	sdelay $0x1  }
0x4d: {  	s28 =	simm.s32 $0x10;
	v4 =	vmul.f32 $2.000000030e-01, v3  }
0x4e: {  	v5 =	vld [tilespmem:s28+$0x140];
	vm0 =	vge.f32 v3, $0.0e+00  }
0x4f: {  	v6 =	vld [tilespmem:s28+$0x640];
	v3 =	vsel vm0, v3, v4  }
0x50: {  	s30 =	simm.s32 $0x20;
	v3 =	vmul.f32 $1.442695020e+00, v3  }
0x51: {  	v4 =	vld [tilespmem:s30+$0x140]  }
0x52: {  	(erf) = vpow2.f32 v3;
	v3 =	vld [tilespmem:s30+$0x640];
	_ =	sdelay $0x1  }
0x53: {  	v5 =	vadd.f32 v6, v5;
	_ =	sdelay $0x1  }
0x54: {  	v6 =	vmul.f32 $2.000000030e-01, v5  }
0x55: {  	vm14 =	vge.f32 v5, $0.0e+00;
	v7 =	vadd.f32 v3, v4  }
0x56: {  	v3 =	vsel vm14, v5, v6  }
0x57: {  	s29 =	simm.s32 $0x30;
	v4 =	vmul.f32 $1.442695020e+00, v3;
	v5 =	vmul.f32 $2.000000030e-01, v7  }
0x58: {  	v3 =	vld [tilespmem:s29+$0x140]  }
0x59: {  	(erf) = vpow2.f32 v4;
	v4 =	vld [tilespmem:s29+$0x640]  }
0x5a: {  	vm15 =	vge.f32 v7, $0.0e+00  }
0x5b: {  	s31 =	simm.s32 $0x100;
	v6 =	vsel vm15, v7, v5;
	v5 =	vpop (erf)  }
.LBB2_5:
0x5c: {  	s0 =	sshra.s32 s31, $0x2  }
0x5d: {  	v6 =	vmul.f32 $1.442695020e+00, v6;
	[tilespmem:s26+$0xB40] =	vst v5;
	s26 =	smov.u32 s28;
	s28 =	smov.u32 s30;
	p1 =	sne.s32 s31, $0x13C0  }
.Ltmp1:
0x5e: {  	s31 =	sadd.s32 $0x40, s31;
	v5 =	vadd.f32 v4, v3;
	v3 =	vld [tilespmem:s0+$0x140];
	(pc) =	sbr.rel @p1 .LBB2_5-.Ltmp1, $4  }
0x5f: {  	s30 =	smov.u32 s29;
	s29 =	smov.u32 s0;
	v4 =	vld [tilespmem:s0+$0x640];
	(erf) = vpow2.f32 v6  }
0x60: {  	v6 =	vmul.f32 $2.000000030e-01, v5  }
0x61: {  	vm0 =	vge.f32 v5, $0.0e+00  }
0x62: {  	v6 =	vsel vm0, v5, v6;
	v5 =	vpop (erf)  }
0x63: {  	_ = 	snop  }
0x64: {  	v3 =	vadd.f32 v4, v3;
	_ =	sdelay $0x1  }
0x65: {  	v4 =	vmul.f32 $2.000000030e-01, v3  }
0x66: {  	vm0 =	vge.f32 v3, $0.0e+00  }
0x67: {  	v63 =	vmul.f32 $1.442695020e+00, v6;
	v3 =	vsel vm0, v3, v4  }
0x68: {  	v3 =	vmul.f32 $1.442695020e+00, v3  }
0x69: {  	(erf) = vpow2.f32 v63  }
0x6a: {  	(erf) = vpow2.f32 v3;
	_ =	sdelay $0x6  }
0x6b: {  	[tilespmem:s26+$0xB40] =	vst v5;
	v3 =	vpop (erf)  }
0x6c: {  	s0 =	sadd.s32 s12, s25;
	[tilespmem:s28+$0xB40] =	vst v3;
	v3 =	vpop (erf)  }
0x6d: {  	s0 =	sshll.u32 s0, $0x1;
	[tilespmem:s30+$0xB40] =	vst v3;
	v3 =	vpop (erf)  }
0x6e: {  	s0 =	sadd.s32 s9, s0;
	[tilespmem:s29+$0xB40] =	vst v3  }
0x6f: {  	[hbm4b:s0+s4] =	stream.linear.scatter [tilespmem:s21], [sflag:$0x1], $0x500, $0x38;
	[tilespmem:$0x75D0] =	vst v63  }
0x70: {  	s24 =	sadd.s32 $0x1, s24;
	_ =	swait.ge [sflag:s15], $0x500  }
0x71: {  	p1 =	sne.s32 s24, $0x7D;
	[sflag:s15] =	ssyncset.done $0x0  }
.Ltmp2:
0x72: {  	[sflag:s15] =	ssyncadd.s32 $0xFFFFFB00;
	(pc) =	sbr.rel @p1 .LBB2_4-.Ltmp2, $4  }
0x73: {  	[spmem:s2] =	stream.indirect.scatter.add.f32 [tilespmem:s21], [sflag:$0x1], $0x10, s16, s16, $0xb8;
	[tilespmem:$0x75D0] =	vst v63  }
0x74: {  	_ =	swait.ge [sflag:s15], $0x500  }
0x75: {  	[sflag:s15] =	ssyncset.done $0x0  }
0x76: {  	[sflag:s15] =	ssyncadd.s32 $0xFFFFFB00  }
0x77: {  	s0 =	sshll.u32 @!p0 s3, $0x6;
	[bflag:$0x0] =	sbarrier.arrive $0xFFFF;
	s22 =	sadd.s32 $0x1, s22  }
0x78: {  	s23 =	sshrl.u32 @!p0 s11, $0x3;
	s0 =	sor.u32 @!p0 $0x1C01, s0;
	p1 =	sne.s32 s22, s14  }
0x79: {  	[hbm:s13], [sflag:s0] =	dma.local @!p0 [spmem:s23], $0x7D0  }
.Ltmp3:
0x7a: {  	_ = 	snop;
	(pc) =	sbr.rel @p1 .LBB2_1-.Ltmp3, $4  }
0x7b: {  	s0 =	simm.s32 @!p0 $0x1  }
0x7c: {  	_ =	swait.ge @!p0 [sflag:s0], $0x7D0  }
0x7d: {  	[sflag:s0] =	ssyncset.done @!p0 $0x0  }
0x7e: {  	[sflag:s0] =	ssyncadd.s32 @!p0 $0xFFFFF830  }
0x7f: {  	_ =	sfence.sel $0x180000  }
0x80: {  	[bflag:$0x0] =	sbarrier.arrive $0xFFFF  }
0x81: {  	_ =	strace $0x90000047  }
0x82: {  	[bflag:$0x2] =	sbarrier.arrive $0xFFFF  }
0x83: {  	p0 =	sne.s32 s3, $0x0;
	s0 =	rddreg [dreg:$0x3]  }
0x84: {  	s0 =	sadd.s32 @!p0 $0x100000, s0  }
0x85: {  	[sflag:s0] =	ssyncadd.tile.s32 @!p0 $0x1;
	_ =	shalt  }
.Lfunc_end2:
_tile_overlayer_lowered:
.L_overlay_start_2:
0x86: {  	(tag) =	ssettag $0x2  }
0x87: {  	s0 =	rddreg [dreg:$0x0];
	s2 =	stileid.u32  }
0x88: {  	s1 =	rddreg [dreg:$0x1];
	p0 =	sne.s32 s2, $0x0  }
0x89: {  	s3 =	rddreg [dreg:$0x2];
	[bflag:$0x3] =	sbarrier.arrive $0xFFFF;
	s2 =	simm.s32 @!p0 $0x1C01  }
0x8a: {  	[timem:s3], [sflag:s2] =	dma.local @!p0 [hbm:s0], s1  }
0x8b: {  	s0 =	simm.s32 @!p0 $0x1  }
0x8c: {  	_ =	swait.ge @!p0 [sflag:s0], s1  }
0x8d: {  	s1 =	ssub.s32 @!p0 $0x0, s1;
	[sflag:s0] =	ssyncset.done @!p0 $0x0  }
0x8e: {  	[sflag:s0] =	ssyncadd.s32 @!p0 s1  }
0x8f: {  	[bflag:$0x3] =	sbarrier.arrive $0xFFFF  }
0x90: {  	_ =	shalt  }

// kernel: kernel.14.cloned.1.call-start
scs
__scs_entry_jumppad:
0x0: {  	(pc) =	sbr.rel $0x88, $3  }
0x1: {  	(tag) =	ssettag $0x0;
	lr =	simm.s32 $0x1  }
0x2: {  	[smem:$0x3F90] =	sst lr;
	_ =	strace $0xD0000000  }
0x3: {  	_ = 	snop  }
0x4: {  	_ = 	snop  }
0x5: {  	_ = 	snop  }
0x6: {  	_ = 	snop  }
0x7: {  	_ = 	snop  }
__scs_overlays_trampoline_lowered:
0x8: {  	[smem:$0x3F9F] =	sst s0  }
0x9: {  	[smem:$0x3FA0] =	sst s1  }
0xa: {  	[smem:$0x3FA1] =	sst s2  }
0xb: {  	[smem:$0x3FA2] =	sst s3  }
0xc: {  	[smem:$0x3FA3] =	sst s4  }
0xd: {  	[smem:$0x3FA4] =	sst s5  }
0xe: {  	[smem:$0x3FA5] =	sst s6  }
0xf: {  	[smem:$0x3FA6] =	sst s7  }
0x10: {  	[smem:$0x3FA7] =	sst s8  }
0x11: {  	[smem:$0x3FA8] =	sst s9;
	s0 =	simm.s32 @!p0 $0x0  }
0x12: {  	s1 =	sld [smem:$0x3F8E];
	s0 =	simm.s32 @p0 $0x1  }
0x13: {  	[smem:$0x3FA9] =	sst s0;
	s0 =	simm.s32 @!p1 $0x0  }
0x14: {  	s2 =	sld [smem:$0x3F8D];
	s0 =	simm.s32 @p1 $0x1  }
0x15: {  	[smem:$0x3FAA] =	sst s0;
	s0 =	simm.s32 @!p2 $0x0  }
0x16: {  	s3 =	sld [smem:$0x3FDB];
	s0 =	simm.s32 @p2 $0x1  }
0x17: {  	s4 =	simm.s32 $0x1BF5;
	[smem:$0x3FAC] =	sst s0  }
0x18: {  	s0 =	sld [smem:$0x3F8F];
	_ =	swait.ge [sflag:s4], $0x0  }
0x19: {  	s7 =	sld [smem:$0x3F90]  }
0x1a: {  	s8 =	sadd.s32 $0xFFFFE003, lr  }
0x1b: {  	s9 =	sadd.s32 $0xFFFFFEF7, lr;
	s5 =	simm.s32 $0xFFFFFFFF;
	p2 =	slt.u32 s8, $0xFFFFF086  }
0x1c: {  	p1 =	slt.u32 s9, $0xF7A;
	s5 =	simm.s32 @!p2 $0x0  }
0x1d: {  	s5 =	simm.s32 @p1 $0x1;
	p0 =	seq.s32 s7, s2  }
0x1e: {  	s7 =	smul.u32 @!p0 $0xF7A, s2;
	p2 =	seq.s32 @!p0 s5, $0x0  }
0x1f: {  	s9 =	smul.u32 $0xF7A, s1;
	s8 =	simm.s32 @!p0 $0x1BF5;
	p2 =	por !p2, p0  }
0x20: {  	[sflag:s8] =	ssyncset.s32 @!p0 $0xFFFFF086;
	s6 =	sadd.s32 @!p0 s3, s7;
	s7 =	simm.s32 @!p0 $0x108  }
0x21: {  	s3 =	sadd.s32 s3, s9;
	s6 =	sadd.s32 @!p0 $0x88, s6;
	s7 =	simm.s32 @p2 $0x1082  }
0x22: {  	[simem:s7], [sflag:s8] =	dma.local @!p0 [hbm:s6], $0xF7A  }
0x23: {  	s9 =	sor.u32 $0xD0000000, s2;
	s6 =	simm.s32 $0x108;
	_ =	swait.ge @!p0 [sflag:s8], $0x0  }
0x24: {  	s3 =	sadd.s32 $0x88, s3;
	s6 =	simm.s32 @!p1 $0x1082;
	[sflag:s4] =	ssyncset.s32 $0xFFFFF086  }
0x25: {  	[simem:s6], [sflag:s4] =	dma.local [hbm:s3], $0xF7A  }
0x26: {  	[smem:$0x3F90] =	sst s1;
	(tag) =	ssettag s2;
	_ =	strace s9  }
0x27: {  	s1 =	sld [smem:$0x3FA0]  }
0x28: {  	s2 =	sld [smem:$0x3FA1]  }
0x29: {  	s4 =	sld [smem:$0x3FA3]  }
0x2a: {  	p0 =	seq.s32 s5, $0x0;
	s5 =	sld [smem:$0x3FA4]  }
0x2b: {  	s6 =	sld [smem:$0x3FA5]  }
0x2c: {  	s7 =	sld [smem:$0x3FA6]  }
0x2d: {  	s3 =	simm.s32 $0x108;
	s8 =	sld [smem:$0x3FA7]  }
0x2e: {  	s3 =	simm.s32 @!p0 $0x1082;
	s9 =	sld [smem:$0x3FA8]  }
0x2f: {  	lr =	sadd.s32 s0, s3;
	s0 =	sld [smem:$0x3F9F]  }
0x30: {  	s3 =	sld [smem:$0x3FA2]  }
0x31: {  	[smem:$0x3FAB] =	sst s10  }
0x32: {  	s10 =	sld [smem:$0x3FA9];
	_ =	sdelay $0x3  }
0x33: {  	p0 =	seq.s32 s10, $0x1;
	s10 =	sld [smem:$0x3FAB];
	_ =	sdelay $0x3  }
0x34: {  	[smem:$0x3FAB] =	sst s10  }
0x35: {  	s10 =	sld [smem:$0x3FAA];
	_ =	sdelay $0x3  }
0x36: {  	p1 =	seq.s32 s10, $0x1;
	s10 =	sld [smem:$0x3FAB];
	_ =	sdelay $0x3  }
0x37: {  	[smem:$0x3FAB] =	sst s10  }
0x38: {  	s10 =	sld [smem:$0x3FAC]  }
0x39: {  	_ = 	snop;
	(pc) =	sbr.ind lr, $3  }
0x3a: {  	_ = 	snop  }
0x3b: {  	_ = 	snop  }
0x3c: {  	p2 =	seq.s32 s10, $0x1;
	s10 =	sld [smem:$0x3FAB]  }
0x3d: {  	_ =	shalt  }
0x3e: {  	_ =	shalt  }
0x3f: {  	_ =	shalt  }
0x40: {  	_ =	shalt  }
0x41: {  	_ =	shalt  }
0x42: {  	_ =	shalt  }
0x43: {  	_ =	shalt  }
0x44: {  	_ =	shalt  }
0x45: {  	_ =	shalt  }
0x46: {  	_ =	shalt  }
0x47: {  	_ =	shalt  }
0x48: {  	_ =	shalt  }
0x49: {  	_ =	shalt  }
0x4a: {  	_ =	shalt  }
0x4b: {  	_ =	shalt  }
0x4c: {  	_ =	shalt  }
0x4d: {  	_ =	shalt  }
0x4e: {  	_ =	shalt  }
0x4f: {  	_ =	shalt  }
0x50: {  	_ =	shalt  }
0x51: {  	_ =	shalt  }
0x52: {  	_ =	shalt  }
0x53: {  	_ =	shalt  }
0x54: {  	_ =	shalt  }
0x55: {  	_ =	shalt  }
0x56: {  	_ =	shalt  }
0x57: {  	_ =	shalt  }
0x58: {  	_ =	shalt  }
0x59: {  	_ =	shalt  }
0x5a: {  	_ =	shalt  }
0x5b: {  	_ =	shalt  }
0x5c: {  	_ =	shalt  }
0x5d: {  	_ =	shalt  }
0x5e: {  	_ =	shalt  }
0x5f: {  	_ =	shalt  }
0x60: {  	_ =	shalt  }
0x61: {  	_ =	shalt  }
0x62: {  	_ =	shalt  }
0x63: {  	_ =	shalt  }
0x64: {  	_ =	shalt  }
0x65: {  	_ =	shalt  }
0x66: {  	_ =	shalt  }
0x67: {  	_ =	shalt  }
0x68: {  	_ =	shalt  }
0x69: {  	_ =	shalt  }
0x6a: {  	_ =	shalt  }
0x6b: {  	_ =	shalt  }
0x6c: {  	_ =	shalt  }
0x6d: {  	_ =	shalt  }
0x6e: {  	_ =	shalt  }
0x6f: {  	_ =	shalt  }
0x70: {  	_ =	shalt  }
0x71: {  	_ =	shalt  }
0x72: {  	_ =	shalt  }
0x73: {  	_ =	shalt  }
0x74: {  	_ =	shalt  }
0x75: {  	_ =	shalt  }
0x76: {  	_ =	shalt  }
0x77: {  	_ =	shalt  }
0x78: {  	_ =	shalt  }
0x79: {  	_ =	shalt  }
0x7a: {  	_ =	shalt  }
0x7b: {  	_ =	shalt  }
0x7c: {  	_ =	shalt  }
0x7d: {  	_ =	shalt  }
0x7e: {  	_ =	shalt  }
0x7f: {  	_ =	shalt  }
0x80: {  	_ =	shalt  }
0x81: {  	_ =	shalt  }
0x82: {  	_ =	shalt  }
0x83: {  	_ =	shalt  }
0x84: {  	_ =	shalt  }
0x85: {  	_ =	shalt  }
0x86: {  	_ =	shalt  }
0x87: {  	_ =	shalt  }
.Lfunc_end0:
.L_simem_size_0:
called_computation.1_lowered:
.L_overlay_start_0:
0x88: {  	s2 =	sld [smem:$0x3FD9]  }
0x89: {  	s3 =	sld [smem:$0x3FFE];
	_ =	sdelay $0x1  }
0x8a: {  	s1 =	srdreg.scid  }
0x8b: {  	s0 =	sand.u32 $0x1, s1  }
0x8c: {  	s16 =	sshll.u32 s0, $0xA;
	s2 =	sadd.s32 s3, s2  }
0x8d: {  	s2 =	sadd.s32 s2, s16  }
0x8e: {  	[smem:$0x3FB7] =	sst s2  }
0x8f: {  	_ = 	snop  }
0x90: {  	(tm) =	ssettm $0x1  }
0x91: {  	s17 =	sld [smem:$0x3FFB];
	_ =	sdelay $0x3  }
0x92: {  	_ =	strace s17  }
0x93: {  	s2 =	sld [smem:$0x3FFC];
	_ =	sdelay $0x3  }
0x94: {  	_ =	strace s2  }
0x95: {  	s2 =	sld [smem:$0x3FFD];
	_ =	sdelay $0x3  }
0x96: {  	_ =	strace s2  }
0x97: {  	_ =	strace $0x8FFFFFFF  }
0x98: {  	s18 =	sld [smem:$0x3FDB];
	_ =	sdelay $0x1  }
0x99: {  	s19 =	simm.s32 $_scs_section_size  }
0x9a: {  	s4 =	simm.s32 $_size__tile_overlayer_lowered;
	s5 =	simm.s32 $_tile_overlayer_lowered  }
0x9b: {  	s22 =	simm.s32 $0x1BFF;
	s21 =	sshll.u32 s5, $0x1;
	s2 =	sadd.s32 s19, s18  }
0x9c: {  	s6 =	simm.s32 $0x0;
	s20 =	sshll.u32 s4, $0x1;
	s4 =	sadd.s32 s21, s2  }
0x9d: {  	[timem:s6], [sflag:s22] =	dma.local [hbm:s4], s20  }
0x9e: {  	_ =	swait.ge [sflag:s22], s20  }
0x9f: {  	s3 =	ssub.s32 $0x0, s20;
	[sflag:s22] =	ssyncset.done $0x0  }
0xa0: {  	[sflag:s22] =	ssyncadd.s32 s3;
	_ =	sdelay $0x1  }
0xa1: {  	s23 =	simm.s32 $0x1B8B  }
0xa2: {  	_ =	swait.ge [sflag:s23], $0x1  }
0xa3: {  	[sflag:s23] =	ssyncset.done $0x0  }
0xa4: {  	s25 =	simm.s32 $0x1B8E;
	s24 =	sld [smem:$0x3FFE];
	[sflag:s23] =	ssyncadd.s32 $0xFFFFFFFF  }
0xa5: {  	s26 =	simm.s32 $execute0_lowered;
	[smem:$0x3FD2] =	sst s25  }
0xa6: {  	s4 =	sshll.u32 s26, $0x1;
	_ =	strace $0x80000049;
	[dreg:$0x1] =	wrdreg $0xFFFFFFFF  }
0xa7: {  	s28 =	simm.s32 $_size_execute0_lowered;
	s2 =	sadd.s32 s2, s4;
	[dreg:$0x0] =	wrdreg $0x0  }
0xa8: {  	s4 =	sshll.u32 s28, $0x1;
	[dreg:$0x2] =	wrdreg s2  }
0xa9: {  	[dreg:$0x3] =	wrdreg s4  }
0xaa: {  	[dreg:$0x4] =	wrdreg $0xC0  }
0xab: {  	_ =	task [dreg:s6], $0x5FFFF  }
0xac: {  	[dreg:$0x1] =	wrdreg $0xFFFFFFFF  }
0xad: {  	[dreg:$0x0] =	wrdreg $0x60  }
0xae: {  	[dreg:$0x2] =	wrdreg s24  }
0xaf: {  	[dreg:$0x3] =	wrdreg $0x3F700  }
0xb0: {  	[dreg:$0x4] =	wrdreg $0x9  }
0xb1: {  	_ =	task.clear_ibuf [dreg:s6], $0x5FFFF;
	_ =	strace $0x90000049  }
0xb2: {  	s29 =	simm.s32 $0x9;
	_ =	strace $0x8000004B  }
0xb3: {  	_ =	swait.ge [sflag:s29], $0x1  }
0xb4: {  	[sflag:s29] =	ssyncadd.s32 $0xFFFFFFFF  }
0xb5: {  	_ =	strace $0x9000004B  }
0xb6: {  	_ =	sfence  }
0xb7: {  	s30 =	sld [smem:$0x0];
	_ =	sdelay $0x2  }
0xb8: {  	s31 =	sshll.u32 s1, $0xD;
	s1 =	sshrl.u32 s1, $0x2  }
0xb9: {  	s3 =	sand.u32 $0x4000, s31;
	s1 =	sadd.s32 s1, s30  }
0xba: {  	s0 =	sor.u32 s3, s0;
	s1 =	sshll.u32 s1, $0x11  }
0xbb: {  	s0 =	sor.u32 s1, s0  }
0xbc: {  	s0 =	sadd.s32 $0x8F2B, s0  }
0xbd: {  	[sflag:s0] =	ssyncadd.remote.s32 $0x1  }
0xbe: {  	_ =	sfence.sel $0xFFFF  }
0xbf: {  	[dreg:$0x0] =	wrdreg $0xFFFFFFFF;
	(pc) =	sbr.abs _section_cstart, $3  }
0xc0: {  	[dreg:$0x1] =	wrdreg $0xFFFFFFFF  }
0xc1: {  	_ =	task.clear_ibuf [dreg:s6], $0x2FFFF;
	_ =	strace $0x9FFFFFFF  }
0xc2: {  	(tm) =	ssettm $0x7FFFFFFF  }
0xc3: {  	_ =	shalt  }
tec
execute0_lowered:
.L_overlay_start_1:
0x0: {  	(tag) =	ssettag $0x1  }
0x1: {  	s11 =	rddreg [dreg:$0x0]  }
0x2: {  	s1 =	rddreg [dreg:$0x1]  }
0x3: {  	s0 =	rddreg [dreg:$0x2];
	s2 =	simm.s32 $0x0;
	s3 =	srdreg.scid  }
0x4: {  	s18 =	simm.s32 $0xA0;
	s19 =	simm.s32 $0x5F0;
	s20 =	simm.s32 $0xAF0  }
0x5: {  	[smem:$0x7FF] =	sst s2;
	s12 =	sand.u32 $0x1, s3;
	s4 =	sadd.s32 $0x12A00, s11  }
0x6: {  	s3 =	stileid.u32;
	s6 =	sadd.s32 $0xDA00, s11;
	s5 =	smul.u32 $0x27100, s12  }
0x7: {  	s7 =	sadd.s32 $0x17A00, s11;
	s9 =	sadd.s32 $0xB3E00, s11;
	s8 =	smul.u32 $0x2710, s3  }
0x8: {  	s10 =	sadd.s32 $0xEE200, s11;
	s13 =	ssub.s32 $0x2, s12;
	s14 =	smul.u32 $0x3200, s3  }
0x9: {  	_ =	strace $0x8000004A;
	s16 =	smul.u32 $0x190, s3;
	s15 =	sshrl.u32 s13, $0x1  }
0xa: {  	s29 =	smul.u32 $0x2710, s12;
	s17 =	sadd.s32 s5, s11;
	s28 =	ssub.s32 s13, s15  }
0xb: {  	s30 =	sshrl.u32 s14, $0x2;
	s14 =	simm.s32 $0x32F0;
	s15 =	simm.s32 $0x1  }
0xc: {  	v1 =	vimm.f32 $0.0e+00;
	s11 =	smax.u32 s28, $0x1;
	s31 =	sadd.s32 s16, s17;
	s12 =	sadd.s32 s30, s1  }
0xd: {  	v2 =	vimm.s32 $0x0;
	v3 =	vimm.s32 $0x1;
	v0 =	vmov s29;
	s16 =	simm.s32 $0x50;
	s17 =	simm.s32 $0xF0;
	s13 =	sadd.s32 $0x18A600, s31  }
.LBB2_1:
0xe: {  	s21 =	simm.s32 $0x0;
	s22 =	simm.s32 $0x200  }
.LBB2_2:
0xf: {  	p0 =	sne.s32 s22, $0x3000;
	[tilespmem:s21+$0x3360] =	vst v1  }
0x10: {  	[tilespmem:s21+$0x32F0] =	vst v1  }
0x11: {  	[tilespmem:s21+$0x3300] =	vst v1  }
.Ltmp0:
0x12: {  	[tilespmem:s21+$0x3310] =	vst v1;
	(pc) =	sbr.rel @p0 .LBB2_2-.Ltmp0, $4  }
0x13: {  	[tilespmem:s21+$0x3320] =	vst v1  }
0x14: {  	[tilespmem:s21+$0x3330] =	vst v1  }
0x15: {  	[tilespmem:s21+$0x3340] =	vst v1  }
0x16: {  	[tilespmem:s21+$0x3350] =	vst v1;
	s21 =	sshra.s32 s22, $0x2;
	s22 =	sadd.s32 $0x200, s22  }
0x17: {  	[tilespmem:s21+$0x3360] =	vst v1  }
0x18: {  	[tilespmem:s21+$0x32F0] =	vst v1  }
0x19: {  	[tilespmem:s21+$0x3300] =	vst v1  }
0x1a: {  	[tilespmem:s21+$0x3310] =	vst v1  }
0x1b: {  	[tilespmem:s21+$0x3320] =	vst v1  }
0x1c: {  	[tilespmem:s21+$0x3330] =	vst v1  }
0x1d: {  	[tilespmem:s21+$0x3340] =	vst v1  }
0x1e: {  	[tilespmem:s21+$0x3350] =	vst v1;
	s31 =	sadd.s32 $0x0, s12  }
0x1f: {  	[spmem:s31] =	stream.linear.scatter [tilespmem:s14], [sflag:$0x1], $0xC80, $0x38;
	[tilespmem:$0x177F0] =	vst v63  }
0x20: {  	s21 =	simm.s32 $0x32000;
	_ =	swait.ge [sflag:s15], $0xC80  }
.LBB2_4:
0x21: {  	s22 =	sshra.s32 s21, $0x2;
	[sflag:s15] =	ssyncset.done $0x0;
	p0 =	sne.s32 s21, $0x4B0000  }
.Ltmp1:
0x22: {  	s22 =	sadd.s32 s22, s12;
	[sflag:s15] =	ssyncadd.s32 $0xFFFFF380;
	(pc) =	sbr.rel @p0 .LBB2_4-.Ltmp1, $3  }
0x23: {  	[spmem:s22] =	stream.linear.scatter [tilespmem:s14], [sflag:$0x1], $0xC80, $0x38;
	[tilespmem:$0x177F0] =	vst v63  }
0x24: {  	s21 =	sadd.s32 $0x32000, s21;
	_ =	sdelay $0x1  }
0x25: {  	_ =	swait.ge [sflag:s15], $0xC80  }
0x26: {  	[sflag:s15] =	ssyncset.done $0x0  }
0x27: {  	[sflag:s15] =	ssyncadd.s32 $0xFFFFF380  }
0x28: {  	s21 =	simm.s32 $0x0;
	s22 =	simm.s32 $0x0;
	[bflag:$0x0] =	sbarrier.arrive $0xFFFF  }
.LBB2_6:
0x29: {  	s23 =	smul.u32 $0x50, s22;
	_ =	sdelay $0x1  }
0x2a: {  	s23 =	sadd.s32 s8, s23  }
0x2b: {  	s24 =	sshrl.u32 s23, $0x3  }
0x2c: {  	s25 =	sadd.s32 s4, s24  }
0x2d: {  	[tilespmem:s21], [sflag:$0x1] =	stream.linear.gather [hbm4b:s25+s21], $0x50, $0x38;
	[tilespmem:$0x177F0] =	vst v63  }
0x2e: {  	_ =	swait.ge [sflag:s15], $0x50  }
0x2f: {  	[sflag:s15] =	ssyncset.done $0x0  }
0x30: {  	s24 =	sadd.s32 s6, s24;
	[sflag:s15] =	ssyncadd.s32 $0xFFFFFFB0  }
0x31: {  	[tilespmem:s16], [sflag:$0x1] =	stream.linear.gather [hbm4b:s24+s21], $0x50, $0x38;
	[tilespmem:$0x177F0] =	vst v63  }
0x32: {  	s23 =	sadd.s32 s5, s23;
	_ =	swait.ge [sflag:s15], $0x50  }
0x33: {  	s23 =	sshll.u32 s23, $0x1;
	[sflag:s15] =	ssyncset.done $0x0  }
0x34: {  	s23 =	sadd.s32 s7, s23;
	[sflag:s15] =	ssyncadd.s32 $0xFFFFFFB0  }
0x35: {  	[tilespmem:s17], [sflag:$0x1] =	stream.linear.gather [hbm4b:s23+s21], $0x500, $0x38;
	[tilespmem:$0x177F0] =	vst v63  }
0x36: {  	_ =	swait.ge [sflag:s15], $0x500  }
0x37: {  	[sflag:s15] =	ssyncset.done $0x0  }
0x38: {  	[sflag:s15] =	ssyncadd.s32 $0xFFFFFB00  }
0x39: {  	v4 =	vld [tilespmem:$0x50]  }
0x3a: {  	v5 =	vld [tilespmem:$0x0]  }
0x3b: {  	v6 =	vld [tilespmem:$0x60]  }
0x3c: {  	v7 =	vld [tilespmem:$0x10]  }
0x3d: {  	v8 =	vld [tilespmem:$0x70]  }
0x3e: {  	v9 =	vld [tilespmem:$0x20];
	v4 =	vadd.s32 v0, v4  }
0x3f: {  	[tilespmem:$0xA0] =	vst v4;
	v4 =	vadd.s32 v0, v5;
	v5 =	vld [tilespmem:$0x80]  }
0x40: {  	[tilespmem:$0x0] =	vst v4;
	v4 =	vadd.s32 v0, v6;
	v6 =	vld [tilespmem:$0x30]  }
0x41: {  	[tilespmem:$0xB0] =	vst v4;
	v4 =	vadd.s32 v0, v7;
	v7 =	vld [tilespmem:$0x90]  }
0x42: {  	v63 =	vld [tilespmem:$0x40];
	[tilespmem:$0x10] =	vst v4;
	v4 =	vadd.s32 v0, v8  }
0x43: {  	[tilespmem:$0xC0] =	vst v4;
	v4 =	vadd.s32 v0, v9  }
0x44: {  	[tilespmem:$0x20] =	vst v4;
	v4 =	vadd.s32 v0, v5  }
0x45: {  	[tilespmem:$0xD0] =	vst v4;
	v4 =	vadd.s32 v0, v6  }
0x46: {  	[tilespmem:$0x30] =	vst v4;
	v4 =	vadd.s32 v0, v7  }
0x47: {  	[tilespmem:$0xE0] =	vst v4;
	v4 =	vadd.s32 v0, v63  }
0x48: {  	[tilespmem:$0x40] =	vst v4  }
0x49: {  	[tilespmem:s19], [sflag:$0x1] =	stream.indirect.gather [hbm4b:s9+s16], $0x10, s18, s16, $0xb8;
	[tilespmem:$0x177F0] =	vst v63  }
0x4a: {  	_ =	swait.ge [sflag:s15], $0x500  }
0x4b: {  	[sflag:s15] =	ssyncset.done $0x0  }
0x4c: {  	s24 =	simm.s32 $0x0;
	[sflag:s15] =	ssyncadd.s32 $0xFFFFFB00  }
0x4d: {  	v4 =	vld [tilespmem:s24+$0x5F0];
	_ =	sdelay $0x4  }
0x4e: {  	v4 =	vadd.f32 $9.999999710e-10, v4  }
0x4f: {  	s23 =	simm.s32 $0x10  }
0x50: {  	v5 =	vld [tilespmem:s23+$0x5F0];
	(erf) = vrcp.f32 v4;
	_ =	sdelay $0x4  }
0x51: {  	v5 =	vadd.f32 $9.999999710e-10, v5;
	v4 =	vld [tilespmem:s24+$0xF0];
	_ =	sdelay $0x1  }
0x52: {  	(erf) = vrcp.f32 v5  }
0x53: {  	s26 =	simm.s32 $0xC0;
	s25 =	simm.s32 $0x20  }
.LBB2_7:
0x54: {  	p0 =	sne.s32 s26, $0x13C0;
	v5 =	vld [tilespmem:s25+$0x5F0];
	v6 =	vpop (erf)  }
0x55: {  	v4 =	vmul.f32 v6, v4;
	_ =	sdelay $0x1  }
.Ltmp2:
0x56: {  	[tilespmem:s24+$0xF0] =	vst v4;
	s24 =	smov.u32 s23;
	s23 =	smov.u32 s25;
	(pc) =	sbr.rel @p0 .LBB2_7-.Ltmp2, $3  }
0x57: {  	v4 =	vld [tilespmem:s24+$0xF0]  }
0x58: {  	v5 =	vadd.f32 $9.999999710e-10, v5;
	_ =	sdelay $0x1  }
0x59: {  	s25 =	sshra.s32 s26, $0x2;
	s26 =	sadd.s32 $0x40, s26;
	(erf) = vrcp.f32 v5  }
0x5a: {  	v5 =	vld [tilespmem:s25+$0x5F0]  }
0x5b: {  	v6 =	vpop (erf)  }
0x5c: {  	v4 =	vmul.f32 v6, v4;
	_ =	sdelay $0x1  }
0x5d: {  	[tilespmem:s24+$0xF0] =	vst v4  }
0x5e: {  	v4 =	vld [tilespmem:s23+$0xF0];
	v5 =	vadd.f32 $9.999999710e-10, v5;
	_ =	sdelay $0x2  }
0x5f: {  	(erf) = vrcp.f32 v5  }
0x60: {  	v5 =	vpop (erf)  }
0x61: {  	v4 =	vmul.f32 v5, v4;
	_ =	sdelay $0x1  }
0x62: {  	[tilespmem:s23+$0xF0] =	vst v4  }
0x63: {  	v4 =	vld [tilespmem:s25+$0xF0];
	_ =	sdelay $0x3  }
0x64: {  	v5 =	vpop (erf)  }
0x65: {  	v4 =	vmul.f32 v5, v4;
	_ =	sdelay $0x1  }
0x66: {  	s30 =	simm.s32 $0x0;
	[tilespmem:s25+$0xF0] =	vst v4  }
0x67: {  	[tilespmem:s20], [sflag:$0x1] =	stream.indirect.gather [hbm4b:s10+s16], $0x80, s30, s16, $0xb8;
	[tilespmem:$0x177F0] =	vst v63  }
0x68: {  	_ =	swait.ge [sflag:s15], $0x2800  }
0x69: {  	[sflag:s15] =	ssyncset.done $0x0  }
0x6a: {  	s23 =	simm.s32 $0xB30;
	[sflag:s15] =	ssyncadd.s32 $0xFFFFD800  }
0x6b: {  	s31 =	simm.s32 $0x0;
	v9 =	vld [tilespmem:s23+$0x30]  }
0x6c: {  	v6 =	vld [tilespmem:s31+$0xF0]  }
0x6d: {  	v12 =	vld [tilespmem:s23+$0x10]  }
0x6e: {  	v10 =	vld [tilespmem:s23+$0xFFFFFFC0]  }
0x6f: {  	v14 =	vld [tilespmem:s23+$0xFFFFFFE0]  }
0x70: {  	v4 =	vld [tilespmem:s23+$0xFFFFFFF0]  }
0x71: {  	v7 =	vld [tilespmem:s23+$0x20];
	v5 =	vperm.xlane v6, v2;
	v6 =	vperm.xlane v6, v3  }
0x72: {  	v8 =	vld [tilespmem:s23+$0xFFFFFFD0]  }
0x73: {  	v13 =	vmul.f32 v9, v6;
	v9 =	vld [tilespmem:s23+$0x0]  }
0x74: {  	v11 =	vmul.f32 v10, v5  }
0x75: {  	s24 =	simm.s32 $0x40;
	s25 =	simm.s32 $0xB30;
	v10 =	vmul.f32 v14, v5;
	v12 =	vmul.f32 v12, v6  }
.LBB2_9:
0x76: {  	p0 =	sne.s32 s24, $0x13C0  }
0x77: {  	v8 =	vmul.f32 v8, v5;
	v7 =	vmul.f32 v7, v6;
	[tilespmem:s23+$0x30] =	vst v13;
	s25 =	sadd.s32 $0x80, s25;
	s26 =	smov.u32 s24;
	s24 =	sadd.s32 $0x40, s24  }
0x78: {  	v4 =	vmul.f32 v4, v5;
	[tilespmem:s23+$0xFFFFFFC0] =	vst v11;
	v5 =	vmul.f32 v9, v6  }
0x79: {  	[tilespmem:s23+$0x10] =	vst v12  }
0x7a: {  	[tilespmem:s23+$0xFFFFFFE0] =	vst v10  }
0x7b: {  	[tilespmem:s23+$0xFFFFFFF0] =	vst v4  }
0x7c: {  	v4 =	vld [tilespmem:s25+$0xFFFFFFF0];
	[tilespmem:s23+$0x0] =	vst v5  }
0x7d: {  	v10 =	vld [tilespmem:s25+$0x30];
	[tilespmem:s23+$0x20] =	vst v7  }
0x7e: {  	s26 =	sshra.s32 s26, $0x2;
	v12 =	vld [tilespmem:s25+$0x10];
	[tilespmem:s23+$0xFFFFFFD0] =	vst v8;
	s23 =	smov.u32 s25  }
0x7f: {  	v6 =	vld [tilespmem:s26+$0xF0]  }
0x80: {  	v11 =	vld [tilespmem:s25+$0xFFFFFFC0]  }
0x81: {  	v14 =	vld [tilespmem:s25+$0xFFFFFFE0]  }
0x82: {  	v7 =	vld [tilespmem:s25+$0x20]  }
.Ltmp3:
0x83: {  	v8 =	vld [tilespmem:s25+$0xFFFFFFD0];
	(pc) =	sbr.rel @p0 .LBB2_9-.Ltmp3, $3  }
0x84: {  	v5 =	vperm.xlane v6, v2;
	v6 =	vperm.xlane v6, v3;
	v9 =	vld [tilespmem:s25+$0x0];
	_ =	sdelay $0x1  }
0x85: {  	v11 =	vmul.f32 v11, v5;
	v13 =	vmul.f32 v10, v6  }
0x86: {  	v10 =	vmul.f32 v14, v5;
	v12 =	vmul.f32 v12, v6  }
0x87: {  	[tilespmem:s23+$0x30] =	vst v13  }
0x88: {  	[tilespmem:s23+$0xFFFFFFC0] =	vst v11  }
0x89: {  	v4 =	vmul.f32 v4, v5;
	[tilespmem:s23+$0x10] =	vst v12  }
0x8a: {  	v63 =	vmul.f32 v7, v6;
	[tilespmem:s23+$0xFFFFFFE0] =	vst v10  }
0x8b: {  	v9 =	vmul.f32 v9, v6;
	[tilespmem:s23+$0xFFFFFFF0] =	vst v4  }
0x8c: {  	s22 =	sadd.s32 $0x1, s22;
	v4 =	vmul.f32 v8, v5;
	[tilespmem:s23+$0x20] =	vst v63  }
0x8d: {  	p0 =	sne.s32 s22, $0x7D;
	[tilespmem:s23+$0x0] =	vst v9  }
.Ltmp4:
0x8e: {  	[tilespmem:s23+$0xFFFFFFD0] =	vst v4;
	(pc) =	sbr.rel @p0 .LBB2_6-.Ltmp4, $4  }
0x8f: {  	[spmem:s1] =	stream.indirect.scatter.add.f32 [tilespmem:s20], [sflag:$0x1], $0x80, s16, s16, $0xb8;
	[tilespmem:$0x177F0] =	vst v63  }
0x90: {  	_ =	swait.ge [sflag:s15], $0x2800  }
0x91: {  	[sflag:s15] =	ssyncset.done $0x0  }
0x92: {  	[sflag:s15] =	ssyncadd.s32 $0xFFFFD800  }
0x93: {  	[bflag:$0x0] =	sbarrier.arrive $0xFFFF;
	s21 =	sshll.u32 s3, $0x6  }
0x94: {  	s22 =	sadd.s32 $0x0, s13;
	s23 =	sshrl.u32 s12, $0x3;
	s21 =	sor.u32 $0x1C01, s21  }
0x95: {  	[hbm:s22], [sflag:s21] =	dma.local [spmem:s23], $0x190  }
0x96: {  	s22 =	simm.s32 $0x1900;
	s23 =	sadd.s32 $0xC800, s12;
	_ =	swait.ge [sflag:s15], $0x190  }
.LBB2_12:
0x97: {  	s24 =	sadd.s32 s22, s13;
	[sflag:s15] =	ssyncset.done $0x0;
	p0 =	sne.s32 s22, $0x25800  }
.Ltmp5:
0x98: {  	s25 =	sshrl.u32 s23, $0x3;
	[sflag:s15] =	ssyncadd.s32 $0xFFFFFE70;
	(pc) =	sbr.rel @p0 .LBB2_12-.Ltmp5, $3  }
0x99: {  	[hbm:s24], [sflag:s21] =	dma.local [spmem:s25], $0x190  }
0x9a: {  	s22 =	sadd.s32 $0x1900, s22;
	_ =	sdelay $0x1  }
0x9b: {  	s23 =	sadd.s32 $0xC800, s23;
	_ =	swait.ge [sflag:s15], $0x190  }
0x9c: {  	s2 =	sadd.s32 $0x1, s2  }
0x9d: {  	p0 =	sne.s32 s2, s11  }
.Ltmp6:
0x9e: {  	_ = 	snop;
	(pc) =	sbr.rel @p0 .LBB2_1-.Ltmp6, $3  }
0x9f: {  	_ =	sdelay $0x1  }
0xa0: {  	[sflag:s15] =	ssyncset.done $0x0  }
0xa1: {  	[sflag:s15] =	ssyncadd.s32 $0xFFFFFE70  }
0xa2: {  	_ =	sfence.sel $0x180000  }
0xa3: {  	[bflag:$0x0] =	sbarrier.arrive $0xFFFF  }
0xa4: {  	p0 =	sne.s32 s3, $0x0;
	_ =	strace $0x9000004A  }
0xa5: {  	s0 =	sadd.s32 @!p0 $0x100000, s0;
	[bflag:$0x2] =	sbarrier.arrive $0xFFFF  }
0xa6: {  	[sflag:s0] =	ssyncadd.tile.s32 @!p0 $0x1;
	_ =	shalt  }
.Lfunc_end2:
_tile_overlayer_lowered:
.L_overlay_start_2:
0xa7: {  	(tag) =	ssettag $0x2  }
0xa8: {  	s0 =	rddreg [dreg:$0x0];
	s2 =	stileid.u32  }
0xa9: {  	s1 =	rddreg [dreg:$0x1];
	p0 =	sne.s32 s2, $0x0  }
0xaa: {  	s3 =	rddreg [dreg:$0x2];
	[bflag:$0x3] =	sbarrier.arrive $0xFFFF;
	s2 =	simm.s32 @!p0 $0x1C01  }
0xab: {  	[timem:s3], [sflag:s2] =	dma.local @!p0 [hbm:s0], s1  }
0xac: {  	s0 =	simm.s32 @!p0 $0x1  }
0xad: {  	_ =	swait.ge @!p0 [sflag:s0], s1  }
0xae: {  	s1 =	ssub.s32 @!p0 $0x0, s1;
	[sflag:s0] =	ssyncset.done @!p0 $0x0  }
0xaf: {  	[sflag:s0] =	ssyncadd.s32 @!p0 s1  }
0xb0: {  	[bflag:$0x3] =	sbarrier.arrive $0xFFFF  }
0xb1: {  	_ =	shalt  }

// kernel: kernel.17.cloned.1.call-start
scs
__scs_entry_jumppad:
0x0: {  	(pc) =	sbr.rel $0x88, $3  }
0x1: {  	(tag) =	ssettag $0x0;
	lr =	simm.s32 $0x1  }
0x2: {  	[smem:$0x3F90] =	sst lr;
	_ =	strace $0xD0000000  }
0x3: {  	_ = 	snop  }
0x4: {  	_ = 	snop  }
0x5: {  	_ = 	snop  }
0x6: {  	_ = 	snop  }
0x7: {  	_ = 	snop  }
__scs_overlays_trampoline_lowered:
0x8: {  	[smem:$0x3F9F] =	sst s0  }
0x9: {  	[smem:$0x3FA0] =	sst s1  }
0xa: {  	[smem:$0x3FA1] =	sst s2  }
0xb: {  	[smem:$0x3FA2] =	sst s3  }
0xc: {  	[smem:$0x3FA3] =	sst s4  }
0xd: {  	[smem:$0x3FA4] =	sst s5  }
0xe: {  	[smem:$0x3FA5] =	sst s6  }
0xf: {  	[smem:$0x3FA6] =	sst s7  }
0x10: {  	[smem:$0x3FA7] =	sst s8  }
0x11: {  	[smem:$0x3FA8] =	sst s9;
	s0 =	simm.s32 @!p0 $0x0  }
0x12: {  	s1 =	sld [smem:$0x3F8E];
	s0 =	simm.s32 @p0 $0x1  }
0x13: {  	[smem:$0x3FA9] =	sst s0;
	s0 =	simm.s32 @!p1 $0x0  }
0x14: {  	s2 =	sld [smem:$0x3F8D];
	s0 =	simm.s32 @p1 $0x1  }
0x15: {  	[smem:$0x3FAA] =	sst s0;
	s0 =	simm.s32 @!p2 $0x0  }
0x16: {  	s3 =	sld [smem:$0x3FDB];
	s0 =	simm.s32 @p2 $0x1  }
0x17: {  	s4 =	simm.s32 $0x1BF5;
	[smem:$0x3FAC] =	sst s0  }
0x18: {  	s0 =	sld [smem:$0x3F8F];
	_ =	swait.ge [sflag:s4], $0x0  }
0x19: {  	s7 =	sld [smem:$0x3F90]  }
0x1a: {  	s8 =	sadd.s32 $0xFFFFE003, lr  }
0x1b: {  	s9 =	sadd.s32 $0xFFFFFEF7, lr;
	s5 =	simm.s32 $0xFFFFFFFF;
	p2 =	slt.u32 s8, $0xFFFFF086  }
0x1c: {  	p1 =	slt.u32 s9, $0xF7A;
	s5 =	simm.s32 @!p2 $0x0  }
0x1d: {  	s5 =	simm.s32 @p1 $0x1;
	p0 =	seq.s32 s7, s2  }
0x1e: {  	s7 =	smul.u32 @!p0 $0xF7A, s2;
	p2 =	seq.s32 @!p0 s5, $0x0  }
0x1f: {  	s9 =	smul.u32 $0xF7A, s1;
	s8 =	simm.s32 @!p0 $0x1BF5;
	p2 =	por !p2, p0  }
0x20: {  	[sflag:s8] =	ssyncset.s32 @!p0 $0xFFFFF086;
	s6 =	sadd.s32 @!p0 s3, s7;
	s7 =	simm.s32 @!p0 $0x108  }
0x21: {  	s3 =	sadd.s32 s3, s9;
	s6 =	sadd.s32 @!p0 $0x88, s6;
	s7 =	simm.s32 @p2 $0x1082  }
0x22: {  	[simem:s7], [sflag:s8] =	dma.local @!p0 [hbm:s6], $0xF7A  }
0x23: {  	s9 =	sor.u32 $0xD0000000, s2;
	s6 =	simm.s32 $0x108;
	_ =	swait.ge @!p0 [sflag:s8], $0x0  }
0x24: {  	s3 =	sadd.s32 $0x88, s3;
	s6 =	simm.s32 @!p1 $0x1082;
	[sflag:s4] =	ssyncset.s32 $0xFFFFF086  }
0x25: {  	[simem:s6], [sflag:s4] =	dma.local [hbm:s3], $0xF7A  }
0x26: {  	[smem:$0x3F90] =	sst s1;
	(tag) =	ssettag s2;
	_ =	strace s9  }
0x27: {  	s1 =	sld [smem:$0x3FA0]  }
0x28: {  	s2 =	sld [smem:$0x3FA1]  }
0x29: {  	s4 =	sld [smem:$0x3FA3]  }
0x2a: {  	p0 =	seq.s32 s5, $0x0;
	s5 =	sld [smem:$0x3FA4]  }
0x2b: {  	s6 =	sld [smem:$0x3FA5]  }
0x2c: {  	s7 =	sld [smem:$0x3FA6]  }
0x2d: {  	s3 =	simm.s32 $0x108;
	s8 =	sld [smem:$0x3FA7]  }
0x2e: {  	s3 =	simm.s32 @!p0 $0x1082;
	s9 =	sld [smem:$0x3FA8]  }
0x2f: {  	lr =	sadd.s32 s0, s3;
	s0 =	sld [smem:$0x3F9F]  }
0x30: {  	s3 =	sld [smem:$0x3FA2]  }
0x31: {  	[smem:$0x3FAB] =	sst s10  }
0x32: {  	s10 =	sld [smem:$0x3FA9];
	_ =	sdelay $0x3  }
0x33: {  	p0 =	seq.s32 s10, $0x1;
	s10 =	sld [smem:$0x3FAB];
	_ =	sdelay $0x3  }
0x34: {  	[smem:$0x3FAB] =	sst s10  }
0x35: {  	s10 =	sld [smem:$0x3FAA];
	_ =	sdelay $0x3  }
0x36: {  	p1 =	seq.s32 s10, $0x1;
	s10 =	sld [smem:$0x3FAB];
	_ =	sdelay $0x3  }
0x37: {  	[smem:$0x3FAB] =	sst s10  }
0x38: {  	s10 =	sld [smem:$0x3FAC]  }
0x39: {  	_ = 	snop;
	(pc) =	sbr.ind lr, $3  }
0x3a: {  	_ = 	snop  }
0x3b: {  	_ = 	snop  }
0x3c: {  	p2 =	seq.s32 s10, $0x1;
	s10 =	sld [smem:$0x3FAB]  }
0x3d: {  	_ =	shalt  }
0x3e: {  	_ =	shalt  }
0x3f: {  	_ =	shalt  }
0x40: {  	_ =	shalt  }
0x41: {  	_ =	shalt  }
0x42: {  	_ =	shalt  }
0x43: {  	_ =	shalt  }
0x44: {  	_ =	shalt  }
0x45: {  	_ =	shalt  }
0x46: {  	_ =	shalt  }
0x47: {  	_ =	shalt  }
0x48: {  	_ =	shalt  }
0x49: {  	_ =	shalt  }
0x4a: {  	_ =	shalt  }
0x4b: {  	_ =	shalt  }
0x4c: {  	_ =	shalt  }
0x4d: {  	_ =	shalt  }
0x4e: {  	_ =	shalt  }
0x4f: {  	_ =	shalt  }
0x50: {  	_ =	shalt  }
0x51: {  	_ =	shalt  }
0x52: {  	_ =	shalt  }
0x53: {  	_ =	shalt  }
0x54: {  	_ =	shalt  }
0x55: {  	_ =	shalt  }
0x56: {  	_ =	shalt  }
0x57: {  	_ =	shalt  }
0x58: {  	_ =	shalt  }
0x59: {  	_ =	shalt  }
0x5a: {  	_ =	shalt  }
0x5b: {  	_ =	shalt  }
0x5c: {  	_ =	shalt  }
0x5d: {  	_ =	shalt  }
0x5e: {  	_ =	shalt  }
0x5f: {  	_ =	shalt  }
0x60: {  	_ =	shalt  }
0x61: {  	_ =	shalt  }
0x62: {  	_ =	shalt  }
0x63: {  	_ =	shalt  }
0x64: {  	_ =	shalt  }
0x65: {  	_ =	shalt  }
0x66: {  	_ =	shalt  }
0x67: {  	_ =	shalt  }
0x68: {  	_ =	shalt  }
0x69: {  	_ =	shalt  }
0x6a: {  	_ =	shalt  }
0x6b: {  	_ =	shalt  }
0x6c: {  	_ =	shalt  }
0x6d: {  	_ =	shalt  }
0x6e: {  	_ =	shalt  }
0x6f: {  	_ =	shalt  }
0x70: {  	_ =	shalt  }
0x71: {  	_ =	shalt  }
0x72: {  	_ =	shalt  }
0x73: {  	_ =	shalt  }
0x74: {  	_ =	shalt  }
0x75: {  	_ =	shalt  }
0x76: {  	_ =	shalt  }
0x77: {  	_ =	shalt  }
0x78: {  	_ =	shalt  }
0x79: {  	_ =	shalt  }
0x7a: {  	_ =	shalt  }
0x7b: {  	_ =	shalt  }
0x7c: {  	_ =	shalt  }
0x7d: {  	_ =	shalt  }
0x7e: {  	_ =	shalt  }
0x7f: {  	_ =	shalt  }
0x80: {  	_ =	shalt  }
0x81: {  	_ =	shalt  }
0x82: {  	_ =	shalt  }
0x83: {  	_ =	shalt  }
0x84: {  	_ =	shalt  }
0x85: {  	_ =	shalt  }
0x86: {  	_ =	shalt  }
0x87: {  	_ =	shalt  }
.Lfunc_end0:
.L_simem_size_0:
called_computation.2_lowered:
.L_overlay_start_0:
0x88: {  	s2 =	sld [smem:$0x3FD9]  }
0x89: {  	s3 =	sld [smem:$0x3FFE];
	_ =	sdelay $0x1  }
0x8a: {  	s1 =	srdreg.scid  }
0x8b: {  	s0 =	sand.u32 $0x1, s1  }
0x8c: {  	s17 =	sshll.u32 s0, $0xA;
	s2 =	sadd.s32 s3, s2  }
0x8d: {  	s2 =	sadd.s32 s2, s17  }
0x8e: {  	[smem:$0x3FB7] =	sst s2  }
0x8f: {  	_ = 	snop  }
0x90: {  	s2 =	sld [smem:$0x3FC7];
	(tm) =	ssettm $0x1  }
0x91: {  	s18 =	sld [smem:$0x3FFB];
	_ =	sdelay $0x3  }
0x92: {  	_ =	strace s18  }
0x93: {  	s3 =	sld [smem:$0x3FFC];
	_ =	sdelay $0x3  }
0x94: {  	_ =	strace s3  }
0x95: {  	s3 =	sld [smem:$0x3FFD];
	_ =	sdelay $0x3  }
0x96: {  	_ =	strace s3  }
0x97: {  	_ =	strace $0x8FFFFFFF  }
0x98: {  	s19 =	sld [smem:$0x3FDB];
	_ =	sdelay $0x1  }
0x99: {  	s4 =	simm.s32 $_scs_section_size  }
0x9a: {  	s5 =	simm.s32 $_size__tile_overlayer_lowered;
	s6 =	simm.s32 $_tile_overlayer_lowered  }
0x9b: {  	s22 =	simm.s32 $0x1BFF;
	s21 =	sshll.u32 s6, $0x1;
	s3 =	sadd.s32 s4, s19  }
0x9c: {  	s7 =	simm.s32 $0x0;
	s20 =	sshll.u32 s5, $0x1;
	s5 =	sadd.s32 s21, s3  }
0x9d: {  	[timem:s7], [sflag:s22] =	dma.local [hbm:s5], s20  }
0x9e: {  	_ =	swait.ge [sflag:s22], s20  }
0x9f: {  	s4 =	ssub.s32 $0x0, s20;
	[sflag:s22] =	ssyncset.done $0x0  }
0xa0: {  	[sflag:s22] =	ssyncadd.s32 s4;
	_ =	sdelay $0x1  }
0xa1: {  	s23 =	simm.s32 $0x1B8B  }
0xa2: {  	_ =	swait.ge [sflag:s23], $0x1  }
0xa3: {  	[sflag:s23] =	ssyncset.done $0x0  }
0xa4: {  	s25 =	simm.s32 $0x1B8E;
	s24 =	sld [smem:$0x3FFE];
	[sflag:s23] =	ssyncadd.s32 $0xFFFFFFFF  }
0xa5: {  	s26 =	simm.s32 $execute0_lowered;
	[smem:$0x3FD2] =	sst s25  }
0xa6: {  	s5 =	sshll.u32 s26, $0x1;
	_ =	strace $0x8000004C;
	[dreg:$0x1] =	wrdreg $0xFFFFFFFF  }
0xa7: {  	s28 =	simm.s32 $_size_execute0_lowered;
	s3 =	sadd.s32 s3, s5;
	[dreg:$0x0] =	wrdreg $0x0  }
0xa8: {  	s5 =	sshll.u32 s28, $0x1;
	[dreg:$0x2] =	wrdreg s3  }
0xa9: {  	[dreg:$0x3] =	wrdreg s5  }
0xaa: {  	[dreg:$0x4] =	wrdreg $0xC0  }
0xab: {  	_ =	task [dreg:s7], $0x5FFFF  }
0xac: {  	[dreg:$0x1] =	wrdreg $0xFFFFFFFF  }
0xad: {  	[dreg:$0x0] =	wrdreg $0x60  }
0xae: {  	[dreg:$0x2] =	wrdreg s24  }
0xaf: {  	[dreg:$0x3] =	wrdreg s2  }
0xb0: {  	[dreg:$0x4] =	wrdreg $0x4EC00  }
0xb1: {  	[dreg:$0x5] =	wrdreg $0x9  }
0xb2: {  	_ =	task.clear_ibuf [dreg:s7], $0x6FFFF;
	_ =	strace $0x9000004C  }
0xb3: {  	s29 =	simm.s32 $0x9;
	_ =	strace $0x8000004E  }
0xb4: {  	_ =	swait.ge [sflag:s29], $0x1  }
0xb5: {  	[sflag:s29] =	ssyncadd.s32 $0xFFFFFFFF  }
0xb6: {  	_ =	strace $0x9000004E  }
0xb7: {  	_ =	sfence  }
0xb8: {  	s30 =	sld [smem:$0x0];
	_ =	sdelay $0x2  }
0xb9: {  	s31 =	sshll.u32 s1, $0xD;
	s1 =	sshrl.u32 s1, $0x2  }
0xba: {  	s3 =	sand.u32 $0x4000, s31;
	s1 =	sadd.s32 s1, s30  }
0xbb: {  	s0 =	sor.u32 s3, s0;
	s1 =	sshll.u32 s1, $0x11  }
0xbc: {  	s0 =	sor.u32 s1, s0  }
0xbd: {  	s0 =	sadd.s32 $0x8F2B, s0  }
0xbe: {  	[sflag:s0] =	ssyncadd.remote.s32 $0x1  }
0xbf: {  	_ =	sfence.sel $0xFFFF  }
0xc0: {  	[dreg:$0x0] =	wrdreg $0xFFFFFFFF;
	(pc) =	sbr.abs _section_cstart, $3  }
0xc1: {  	[dreg:$0x1] =	wrdreg $0xFFFFFFFF  }
0xc2: {  	_ =	task.clear_ibuf [dreg:s7], $0x2FFFF;
	_ =	strace $0x9FFFFFFF  }
0xc3: {  	(tm) =	ssettm $0x7FFFFFFF  }
tec
execute0_lowered:
.L_overlay_start_1:
0x0: {  	(tag) =	ssettag $0x1  }
0x1: {  	s10 =	rddreg [dreg:$0x0]  }
0x2: {  	s1 =	rddreg [dreg:$0x1]  }
0x3: {  	s2 =	rddreg [dreg:$0x2]  }
0x4: {  	s3 =	srdreg.scid;
	s4 =	simm.s32 $0x0;
	s16 =	simm.s32 $0x50  }
0x5: {  	s17 =	simm.s32 $0xA0;
	s18 =	simm.s32 $0x140;
	s12 =	sand.u32 $0x1, s3  }
0x6: {  	s19 =	simm.s32 $0xF0;
	s3 =	stileid.u32;
	s20 =	smul.u32 $0x2710, s12  }
0x7: {  	s22 =	simm.s32 $0x0;
	[smem:$0x7FF] =	sst s4;
	s8 =	smul.u32 $0x3E8, s3  }
0x8: {  	s5 =	sadd.s32 $0x12A00, s10;
	s6 =	sadd.s32 $0xDA00, s10;
	s13 =	smul.u32 $0xFA00, s3  }
0x9: {  	s7 =	sadd.s32 $0x3C00, s10;
	_ =	strace $0x8000004D;
	s21 =	smul.u32 $0x4E20, s12  }
0xa: {  	s31 =	ssub.s32 $0x2, s12;
	s12 =	smul.u32 $0x27100, s12;
	p0 =	sgt.u32 s3, $0x9  }
0xb: {  	s15 =	sshrl.u32 s31, $0x1;
	s9 =	sadd.s32 s8, s20;
	s8 =	sadd.s32 $0x150200, s10  }
0xc: {  	s13 =	sshrl.u32 s13, $0x2;
	s15 =	ssub.s32 s31, s15;
	v1 =	vmov s20;
	s20 =	simm.s32 $0x640  }
0xd: {  	v0 =	vmov s21;
	s21 =	simm.s32 $0xB40;
	s11 =	sshll.u32 s9, $0x1;
	s9 =	sadd.s32 $0x17A00, s10  }
0xe: {  	s14 =	sadd.s32 s11, s10;
	s10 =	smul.u32 $0x2710, s3;
	s11 =	sadd.s32 s13, s2  }
0xf: {  	v2 =	vimm.f32 $0.0e+00;
	s13 =	sadd.s32 $0xB3E00, s14;
	s14 =	smax.u32 s15, $0x1;
	s15 =	simm.s32 $0x1  }
.LBB2_1:
0x10: {  	s23 =	simm.s32 $0x40;
	s24 =	simm.s32 $0x0  }
.LBB2_2:
0x11: {  	p1 =	sne.s32 s23, $0xF9C0;
	[tilespmem:s24+$0x1040] =	vst v2;
	s24 =	smov.u32 s23;
	s23 =	sadd.s32 $0x40, s23  }
.Ltmp0:
0x12: {  	(pc) =	sbr.rel @p1 .LBB2_2-.Ltmp0, $2  }
0x13: {  	_ =	sdelay $0x2  }
0x14: {  	s24 =	sshra.s32 s24, $0x2  }
0x15: {  	[tilespmem:s24+$0x1040] =	vst v2;
	s23 =	simm.s32 @!p0 $0x1040  }
0x16: {  	[spmem:s11] =	stream.linear.scatter @!p0 [tilespmem:s23], [sflag:$0x1], $0x3E80, $0x38;
	[tilespmem:$0x75D0] =	vst v63  }
0x17: {  	s23 =	simm.s32 @!p0 $0x1  }
0x18: {  	_ =	swait.ge @!p0 [sflag:s23], $0x3E80  }
0x19: {  	[sflag:s23] =	ssyncset.done @!p0 $0x0  }
0x1a: {  	[sflag:s23] =	ssyncadd.s32 @!p0 $0xFFFFC180  }
0x1b: {  	s24 =	simm.s32 $0x0;
	s23 =	simm.s32 $0x0;
	[bflag:$0x0] =	sbarrier.arrive $0xFFFF  }
.LBB2_4:
0x1c: {  	s25 =	smul.u32 $0x50, s24;
	_ =	sdelay $0x1  }
0x1d: {  	s25 =	sadd.s32 s10, s25  }
0x1e: {  	s26 =	sshrl.u32 s25, $0x3  }
0x1f: {  	s28 =	sadd.s32 s5, s26  }
0x20: {  	[tilespmem:s23], [sflag:$0x1] =	stream.linear.gather [hbm4b:s28+s23], $0x50, $0x38;
	[tilespmem:$0x75D0] =	vst v63  }
0x21: {  	_ =	swait.ge [sflag:s15], $0x50  }
0x22: {  	[sflag:s15] =	ssyncset.done $0x0  }
0x23: {  	s28 =	sadd.s32 s6, s26;
	[sflag:s15] =	ssyncadd.s32 $0xFFFFFFB0  }
0x24: {  	[tilespmem:s16], [sflag:$0x1] =	stream.linear.gather [hbm4b:s28+s23], $0x50, $0x38;
	[tilespmem:$0x75D0] =	vst v63  }
0x25: {  	_ =	swait.ge [sflag:s15], $0x50  }
0x26: {  	[sflag:s15] =	ssyncset.done $0x0  }
0x27: {  	s26 =	sadd.s32 s1, s26;
	[sflag:s15] =	ssyncadd.s32 $0xFFFFFFB0  }
0x28: {  	[tilespmem:s17], [sflag:$0x1] =	stream.linear.gather [hbm4b:s26+s23], $0x50, $0x38;
	[tilespmem:$0x75D0] =	vst v63  }
0x29: {  	_ =	swait.ge [sflag:s15], $0x50  }
0x2a: {  	[sflag:s15] =	ssyncset.done $0x0  }
0x2b: {  	[sflag:s15] =	ssyncadd.s32 $0xFFFFFFB0  }
0x2c: {  	v3 =	vld [tilespmem:$0x50]  }
0x2d: {  	v4 =	vld [tilespmem:$0xA0]  }
0x2e: {  	v5 =	vld [tilespmem:$0x0]  }
0x2f: {  	v6 =	vld [tilespmem:$0x60]  }
0x30: {  	v7 =	vld [tilespmem:$0xB0]  }
0x31: {  	v8 =	vld [tilespmem:$0x10]  }
0x32: {  	v9 =	vld [tilespmem:$0x70]  }
0x33: {  	v10 =	vld [tilespmem:$0xC0]  }
0x34: {  	v11 =	vld [tilespmem:$0x20]  }
0x35: {  	v12 =	vld [tilespmem:$0x80];
	v4 =	vmul.u32 $0x2710, v4  }
0x36: {  	v13 =	vld [tilespmem:$0xD0];
	v3 =	vadd.s32 v0, v3  }
0x37: {  	v3 =	vadd.s32 v4, v3;
	v4 =	vmul.u32 $0x2710, v7;
	v7 =	vld [tilespmem:$0x30]  }
0x38: {  	[tilespmem:$0xF0] =	vst v3;
	v3 =	vadd.s32 v1, v5;
	v5 =	vadd.s32 v0, v6;
	v6 =	vld [tilespmem:$0xE0]  }
0x39: {  	[tilespmem:$0x0] =	vst v3;
	v3 =	vadd.s32 v4, v5;
	v4 =	vmul.u32 $0x2710, v10;
	v5 =	vld [tilespmem:$0x90]  }
0x3a: {  	[tilespmem:$0x100] =	vst v3;
	v3 =	vadd.s32 v1, v8;
	v8 =	vadd.s32 v0, v9  }
0x3b: {  	[tilespmem:$0x10] =	vst v3;
	v3 =	vadd.s32 v4, v8;
	v4 =	vmul.u32 $0x2710, v13;
	v8 =	vld [tilespmem:$0x40]  }
0x3c: {  	v63 =	vadd.s32 v0, v12;
	[tilespmem:$0x110] =	vst v3;
	v3 =	vadd.s32 v1, v11  }
0x3d: {  	[tilespmem:$0x20] =	vst v3;
	v3 =	vadd.s32 v4, v63;
	v4 =	vmul.u32 $0x2710, v6  }
0x3e: {  	[tilespmem:$0x120] =	vst v3;
	v3 =	vadd.s32 v1, v7;
	v5 =	vadd.s32 v0, v5  }
0x3f: {  	[tilespmem:$0x30] =	vst v3;
	v3 =	vadd.s32 v4, v5  }
0x40: {  	[tilespmem:$0x130] =	vst v3;
	v3 =	vadd.s32 v1, v8  }
0x41: {  	[tilespmem:$0x40] =	vst v3  }
0x42: {  	[tilespmem:s18], [sflag:$0x1] =	stream.indirect.gather [hbm4b:s7+s16], $0x10, s23, s16, $0xb8;
	[tilespmem:$0x75D0] =	vst v63  }
0x43: {  	_ =	swait.ge [sflag:s15], $0x500  }
0x44: {  	[sflag:s15] =	ssyncset.done $0x0  }
0x45: {  	[sflag:s15] =	ssyncadd.s32 $0xFFFFFB00  }
0x46: {  	[tilespmem:s20], [sflag:$0x1] =	stream.indirect.gather [hbm4b:s8+s16], $0x10, s19, s16, $0xb8;
	[tilespmem:$0x75D0] =	vst v63  }
0x47: {  	_ =	swait.ge [sflag:s15], $0x500  }
0x48: {  	[sflag:s15] =	ssyncset.done $0x0  }
0x49: {  	s26 =	simm.s32 $0x0;
	[sflag:s15] =	ssyncadd.s32 $0xFFFFFB00  }
0x4a: {  	v3 =	vld [tilespmem:s26+$0x140]  }
0x4b: {  	v4 =	vld [tilespmem:s26+$0x640];
	_ =	sdelay $0x4  }
0x4c: {  	v3 =	vadd.f32 v4, v3;
	_ =	sdelay $0x1  }
0x4d: {  	s28 =	simm.s32 $0x10;
	v4 =	vmul.f32 $2.000000030e-01, v3  }
0x4e: {  	v5 =	vld [tilespmem:s28+$0x140];
	vm0 =	vge.f32 v3, $0.0e+00  }
0x4f: {  	v6 =	vld [tilespmem:s28+$0x640];
	v3 =	vsel vm0, v3, v4  }
0x50: {  	s30 =	simm.s32 $0x20;
	v3 =	vmul.f32 $1.442695020e+00, v3  }
0x51: {  	v4 =	vld [tilespmem:s30+$0x140]  }
0x52: {  	(erf) = vpow2.f32 v3;
	v3 =	vld [tilespmem:s30+$0x640];
	_ =	sdelay $0x1  }
0x53: {  	v5 =	vadd.f32 v6, v5;
	_ =	sdelay $0x1  }
0x54: {  	v6 =	vmul.f32 $2.000000030e-01, v5  }
0x55: {  	vm14 =	vge.f32 v5, $0.0e+00;
	v7 =	vadd.f32 v3, v4  }
0x56: {  	v3 =	vsel vm14, v5, v6  }
0x57: {  	s29 =	simm.s32 $0x30;
	v4 =	vmul.f32 $1.442695020e+00, v3;
	v5 =	vmul.f32 $2.000000030e-01, v7  }
0x58: {  	v3 =	vld [tilespmem:s29+$0x140]  }
0x59: {  	(erf) = vpow2.f32 v4;
	v4 =	vld [tilespmem:s29+$0x640]  }
0x5a: {  	vm15 =	vge.f32 v7, $0.0e+00  }
0x5b: {  	s31 =	simm.s32 $0x100;
	v6 =	vsel vm15, v7, v5;
	v5 =	vpop (erf)  }
.LBB2_5:
0x5c: {  	s0 =	sshra.s32 s31, $0x2  }
0x5d: {  	v6 =	vmul.f32 $1.442695020e+00, v6;
	[tilespmem:s26+$0xB40] =	vst v5;
	s26 =	smov.u32 s28;
	s28 =	smov.u32 s30;
	p1 =	sne.s32 s31, $0x13C0  }
.Ltmp1:
0x5e: {  	s31 =	sadd.s32 $0x40, s31;
	v5 =	vadd.f32 v4, v3;
	v3 =	vld [tilespmem:s0+$0x140];
	(pc) =	sbr.rel @p1 .LBB2_5-.Ltmp1, $4  }
0x5f: {  	s30 =	smov.u32 s29;
	s29 =	smov.u32 s0;
	v4 =	vld [tilespmem:s0+$0x640];
	(erf) = vpow2.f32 v6  }
0x60: {  	v6 =	vmul.f32 $2.000000030e-01, v5  }
0x61: {  	vm0 =	vge.f32 v5, $0.0e+00  }
0x62: {  	v6 =	vsel vm0, v5, v6;
	v5 =	vpop (erf)  }
0x63: {  	_ = 	snop  }
0x64: {  	v3 =	vadd.f32 v4, v3;
	_ =	sdelay $0x1  }
0x65: {  	v4 =	vmul.f32 $2.000000030e-01, v3  }
0x66: {  	vm0 =	vge.f32 v3, $0.0e+00  }
0x67: {  	v63 =	vmul.f32 $1.442695020e+00, v6;
	v3 =	vsel vm0, v3, v4  }
0x68: {  	v3 =	vmul.f32 $1.442695020e+00, v3  }
0x69: {  	(erf) = vpow2.f32 v63  }
0x6a: {  	(erf) = vpow2.f32 v3;
	_ =	sdelay $0x6  }
0x6b: {  	[tilespmem:s26+$0xB40] =	vst v5;
	v3 =	vpop (erf)  }
0x6c: {  	s0 =	sadd.s32 s12, s25;
	[tilespmem:s28+$0xB40] =	vst v3;
	v3 =	vpop (erf)  }
0x6d: {  	s0 =	sshll.u32 s0, $0x1;
	[tilespmem:s30+$0xB40] =	vst v3;
	v3 =	vpop (erf)  }
0x6e: {  	s0 =	sadd.s32 s9, s0;
	[tilespmem:s29+$0xB40] =	vst v3  }
0x6f: {  	[hbm4b:s0+s4] =	stream.linear.scatter [tilespmem:s21], [sflag:$0x1], $0x500, $0x38;
	[tilespmem:$0x75D0] =	vst v63  }
0x70: {  	s24 =	sadd.s32 $0x1, s24;
	_ =	swait.ge [sflag:s15], $0x500  }
0x71: {  	p1 =	sne.s32 s24, $0x7D;
	[sflag:s15] =	ssyncset.done $0x0  }
.Ltmp2:
0x72: {  	[sflag:s15] =	ssyncadd.s32 $0xFFFFFB00;
	(pc) =	sbr.rel @p1 .LBB2_4-.Ltmp2, $4  }
0x73: {  	[spmem:s2] =	stream.indirect.scatter.add.f32 [tilespmem:s21], [sflag:$0x1], $0x10, s16, s16, $0xb8;
	[tilespmem:$0x75D0] =	vst v63  }
0x74: {  	_ =	swait.ge [sflag:s15], $0x500  }
0x75: {  	[sflag:s15] =	ssyncset.done $0x0  }
0x76: {  	[sflag:s15] =	ssyncadd.s32 $0xFFFFFB00  }
0x77: {  	s0 =	sshll.u32 @!p0 s3, $0x6;
	[bflag:$0x0] =	sbarrier.arrive $0xFFFF;
	s22 =	sadd.s32 $0x1, s22  }
0x78: {  	s23 =	sshrl.u32 @!p0 s11, $0x3;
	s0 =	sor.u32 @!p0 $0x1C01, s0;
	p1 =	sne.s32 s22, s14  }
0x79: {  	[hbm:s13], [sflag:s0] =	dma.local @!p0 [spmem:s23], $0x7D0  }
.Ltmp3:
0x7a: {  	_ = 	snop;
	(pc) =	sbr.rel @p1 .LBB2_1-.Ltmp3, $4  }
0x7b: {  	s0 =	simm.s32 @!p0 $0x1  }
0x7c: {  	_ =	swait.ge @!p0 [sflag:s0], $0x7D0  }
0x7d: {  	[sflag:s0] =	ssyncset.done @!p0 $0x0  }
0x7e: {  	[sflag:s0] =	ssyncadd.s32 @!p0 $0xFFFFF830  }
0x7f: {  	_ =	sfence.sel $0x180000  }
0x80: {  	[bflag:$0x0] =	sbarrier.arrive $0xFFFF  }
0x81: {  	_ =	strace $0x9000004D  }
0x82: {  	[bflag:$0x2] =	sbarrier.arrive $0xFFFF  }
0x83: {  	p0 =	sne.s32 s3, $0x0;
	s0 =	rddreg [dreg:$0x3]  }
0x84: {  	s0 =	sadd.s32 @!p0 $0x100000, s0  }
0x85: {  	[sflag:s0] =	ssyncadd.tile.s32 @!p0 $0x1;
	_ =	shalt  }
.Lfunc_end2:
_tile_overlayer_lowered:
.L_overlay_start_2:
0x86: {  	(tag) =	ssettag $0x2  }
0x87: {  	s0 =	rddreg [dreg:$0x0];
	s2 =	stileid.u32  }
0x88: {  	s1 =	rddreg [dreg:$0x1];
	p0 =	sne.s32 s2, $0x0  }
0x89: {  	s3 =	rddreg [dreg:$0x2];
	[bflag:$0x3] =	sbarrier.arrive $0xFFFF;
	s2 =	simm.s32 @!p0 $0x1C01  }
0x8a: {  	[timem:s3], [sflag:s2] =	dma.local @!p0 [hbm:s0], s1  }
0x8b: {  	s0 =	simm.s32 @!p0 $0x1  }
0x8c: {  	_ =	swait.ge @!p0 [sflag:s0], s1  }
0x8d: {  	s1 =	ssub.s32 @!p0 $0x0, s1;
	[sflag:s0] =	ssyncset.done @!p0 $0x0  }
0x8e: {  	[sflag:s0] =	ssyncadd.s32 @!p0 s1  }
0x8f: {  	[bflag:$0x3] =	sbarrier.arrive $0xFFFF  }
0x90: {  	_ =	shalt  }

// kernel: kernel.20.cloned.1.call-start
scs
__scs_entry_jumppad:
0x0: {  	(pc) =	sbr.rel $0x88, $3  }
0x1: {  	(tag) =	ssettag $0x0;
	lr =	simm.s32 $0x1  }
0x2: {  	[smem:$0x3F90] =	sst lr;
	_ =	strace $0xD0000000  }
0x3: {  	_ = 	snop  }
0x4: {  	_ = 	snop  }
0x5: {  	_ = 	snop  }
0x6: {  	_ = 	snop  }
0x7: {  	_ = 	snop  }
__scs_overlays_trampoline_lowered:
0x8: {  	[smem:$0x3F9F] =	sst s0  }
0x9: {  	[smem:$0x3FA0] =	sst s1  }
0xa: {  	[smem:$0x3FA1] =	sst s2  }
0xb: {  	[smem:$0x3FA2] =	sst s3  }
0xc: {  	[smem:$0x3FA3] =	sst s4  }
0xd: {  	[smem:$0x3FA4] =	sst s5  }
0xe: {  	[smem:$0x3FA5] =	sst s6  }
0xf: {  	[smem:$0x3FA6] =	sst s7  }
0x10: {  	[smem:$0x3FA7] =	sst s8  }
0x11: {  	[smem:$0x3FA8] =	sst s9;
	s0 =	simm.s32 @!p0 $0x0  }
0x12: {  	s1 =	sld [smem:$0x3F8E];
	s0 =	simm.s32 @p0 $0x1  }
0x13: {  	[smem:$0x3FA9] =	sst s0;
	s0 =	simm.s32 @!p1 $0x0  }
0x14: {  	s2 =	sld [smem:$0x3F8D];
	s0 =	simm.s32 @p1 $0x1  }
0x15: {  	[smem:$0x3FAA] =	sst s0;
	s0 =	simm.s32 @!p2 $0x0  }
0x16: {  	s3 =	sld [smem:$0x3FDB];
	s0 =	simm.s32 @p2 $0x1  }
0x17: {  	s4 =	simm.s32 $0x1BF5;
	[smem:$0x3FAC] =	sst s0  }
0x18: {  	s0 =	sld [smem:$0x3F8F];
	_ =	swait.ge [sflag:s4], $0x0  }
0x19: {  	s7 =	sld [smem:$0x3F90]  }
0x1a: {  	s8 =	sadd.s32 $0xFFFFE003, lr  }
0x1b: {  	s9 =	sadd.s32 $0xFFFFFEF7, lr;
	s5 =	simm.s32 $0xFFFFFFFF;
	p2 =	slt.u32 s8, $0xFFFFF086  }
0x1c: {  	p1 =	slt.u32 s9, $0xF7A;
	s5 =	simm.s32 @!p2 $0x0  }
0x1d: {  	s5 =	simm.s32 @p1 $0x1;
	p0 =	seq.s32 s7, s2  }
0x1e: {  	s7 =	smul.u32 @!p0 $0xF7A, s2;
	p2 =	seq.s32 @!p0 s5, $0x0  }
0x1f: {  	s9 =	smul.u32 $0xF7A, s1;
	s8 =	simm.s32 @!p0 $0x1BF5;
	p2 =	por !p2, p0  }
0x20: {  	[sflag:s8] =	ssyncset.s32 @!p0 $0xFFFFF086;
	s6 =	sadd.s32 @!p0 s3, s7;
	s7 =	simm.s32 @!p0 $0x108  }
0x21: {  	s3 =	sadd.s32 s3, s9;
	s6 =	sadd.s32 @!p0 $0x88, s6;
	s7 =	simm.s32 @p2 $0x1082  }
0x22: {  	[simem:s7], [sflag:s8] =	dma.local @!p0 [hbm:s6], $0xF7A  }
0x23: {  	s9 =	sor.u32 $0xD0000000, s2;
	s6 =	simm.s32 $0x108;
	_ =	swait.ge @!p0 [sflag:s8], $0x0  }
0x24: {  	s3 =	sadd.s32 $0x88, s3;
	s6 =	simm.s32 @!p1 $0x1082;
	[sflag:s4] =	ssyncset.s32 $0xFFFFF086  }
0x25: {  	[simem:s6], [sflag:s4] =	dma.local [hbm:s3], $0xF7A  }
0x26: {  	[smem:$0x3F90] =	sst s1;
	(tag) =	ssettag s2;
	_ =	strace s9  }
0x27: {  	s1 =	sld [smem:$0x3FA0]  }
0x28: {  	s2 =	sld [smem:$0x3FA1]  }
0x29: {  	s4 =	sld [smem:$0x3FA3]  }
0x2a: {  	p0 =	seq.s32 s5, $0x0;
	s5 =	sld [smem:$0x3FA4]  }
0x2b: {  	s6 =	sld [smem:$0x3FA5]  }
0x2c: {  	s7 =	sld [smem:$0x3FA6]  }
0x2d: {  	s3 =	simm.s32 $0x108;
	s8 =	sld [smem:$0x3FA7]  }
0x2e: {  	s3 =	simm.s32 @!p0 $0x1082;
	s9 =	sld [smem:$0x3FA8]  }
0x2f: {  	lr =	sadd.s32 s0, s3;
	s0 =	sld [smem:$0x3F9F]  }
0x30: {  	s3 =	sld [smem:$0x3FA2]  }
0x31: {  	[smem:$0x3FAB] =	sst s10  }
0x32: {  	s10 =	sld [smem:$0x3FA9];
	_ =	sdelay $0x3  }
0x33: {  	p0 =	seq.s32 s10, $0x1;
	s10 =	sld [smem:$0x3FAB];
	_ =	sdelay $0x3  }
0x34: {  	[smem:$0x3FAB] =	sst s10  }
0x35: {  	s10 =	sld [smem:$0x3FAA];
	_ =	sdelay $0x3  }
0x36: {  	p1 =	seq.s32 s10, $0x1;
	s10 =	sld [smem:$0x3FAB];
	_ =	sdelay $0x3  }
0x37: {  	[smem:$0x3FAB] =	sst s10  }
0x38: {  	s10 =	sld [smem:$0x3FAC]  }
0x39: {  	_ = 	snop;
	(pc) =	sbr.ind lr, $3  }
0x3a: {  	_ = 	snop  }
0x3b: {  	_ = 	snop  }
0x3c: {  	p2 =	seq.s32 s10, $0x1;
	s10 =	sld [smem:$0x3FAB]  }
0x3d: {  	_ =	shalt  }
0x3e: {  	_ =	shalt  }
0x3f: {  	_ =	shalt  }
0x40: {  	_ =	shalt  }
0x41: {  	_ =	shalt  }
0x42: {  	_ =	shalt  }
0x43: {  	_ =	shalt  }
0x44: {  	_ =	shalt  }
0x45: {  	_ =	shalt  }
0x46: {  	_ =	shalt  }
0x47: {  	_ =	shalt  }
0x48: {  	_ =	shalt  }
0x49: {  	_ =	shalt  }
0x4a: {  	_ =	shalt  }
0x4b: {  	_ =	shalt  }
0x4c: {  	_ =	shalt  }
0x4d: {  	_ =	shalt  }
0x4e: {  	_ =	shalt  }
0x4f: {  	_ =	shalt  }
0x50: {  	_ =	shalt  }
0x51: {  	_ =	shalt  }
0x52: {  	_ =	shalt  }
0x53: {  	_ =	shalt  }
0x54: {  	_ =	shalt  }
0x55: {  	_ =	shalt  }
0x56: {  	_ =	shalt  }
0x57: {  	_ =	shalt  }
0x58: {  	_ =	shalt  }
0x59: {  	_ =	shalt  }
0x5a: {  	_ =	shalt  }
0x5b: {  	_ =	shalt  }
0x5c: {  	_ =	shalt  }
0x5d: {  	_ =	shalt  }
0x5e: {  	_ =	shalt  }
0x5f: {  	_ =	shalt  }
0x60: {  	_ =	shalt  }
0x61: {  	_ =	shalt  }
0x62: {  	_ =	shalt  }
0x63: {  	_ =	shalt  }
0x64: {  	_ =	shalt  }
0x65: {  	_ =	shalt  }
0x66: {  	_ =	shalt  }
0x67: {  	_ =	shalt  }
0x68: {  	_ =	shalt  }
0x69: {  	_ =	shalt  }
0x6a: {  	_ =	shalt  }
0x6b: {  	_ =	shalt  }
0x6c: {  	_ =	shalt  }
0x6d: {  	_ =	shalt  }
0x6e: {  	_ =	shalt  }
0x6f: {  	_ =	shalt  }
0x70: {  	_ =	shalt  }
0x71: {  	_ =	shalt  }
0x72: {  	_ =	shalt  }
0x73: {  	_ =	shalt  }
0x74: {  	_ =	shalt  }
0x75: {  	_ =	shalt  }
0x76: {  	_ =	shalt  }
0x77: {  	_ =	shalt  }
0x78: {  	_ =	shalt  }
0x79: {  	_ =	shalt  }
0x7a: {  	_ =	shalt  }
0x7b: {  	_ =	shalt  }
0x7c: {  	_ =	shalt  }
0x7d: {  	_ =	shalt  }
0x7e: {  	_ =	shalt  }
0x7f: {  	_ =	shalt  }
0x80: {  	_ =	shalt  }
0x81: {  	_ =	shalt  }
0x82: {  	_ =	shalt  }
0x83: {  	_ =	shalt  }
0x84: {  	_ =	shalt  }
0x85: {  	_ =	shalt  }
0x86: {  	_ =	shalt  }
0x87: {  	_ =	shalt  }
.Lfunc_end0:
.L_simem_size_0:
called_computation.3_lowered:
.L_overlay_start_0:
0x88: {  	s2 =	sld [smem:$0x3FD9]  }
0x89: {  	s3 =	sld [smem:$0x3FFE];
	_ =	sdelay $0x1  }
0x8a: {  	s1 =	srdreg.scid  }
0x8b: {  	s0 =	sand.u32 $0x1, s1  }
0x8c: {  	s16 =	sshll.u32 s0, $0xA;
	s2 =	sadd.s32 s3, s2  }
0x8d: {  	s2 =	sadd.s32 s2, s16  }
0x8e: {  	[smem:$0x3FB7] =	sst s2  }
0x8f: {  	_ = 	snop  }
0x90: {  	(tm) =	ssettm $0x1  }
0x91: {  	s17 =	sld [smem:$0x3FFB];
	_ =	sdelay $0x3  }
0x92: {  	_ =	strace s17  }
0x93: {  	s2 =	sld [smem:$0x3FFC];
	_ =	sdelay $0x3  }
0x94: {  	_ =	strace s2  }
0x95: {  	s2 =	sld [smem:$0x3FFD];
	_ =	sdelay $0x3  }
0x96: {  	_ =	strace s2  }
0x97: {  	_ =	strace $0x8FFFFFFF  }
0x98: {  	s18 =	sld [smem:$0x3FDB];
	_ =	sdelay $0x1  }
0x99: {  	s19 =	simm.s32 $_scs_section_size  }
0x9a: {  	s4 =	simm.s32 $_size__tile_overlayer_lowered;
	s5 =	simm.s32 $_tile_overlayer_lowered  }
0x9b: {  	s22 =	simm.s32 $0x1BFF;
	s21 =	sshll.u32 s5, $0x1;
	s2 =	sadd.s32 s19, s18  }
0x9c: {  	s6 =	simm.s32 $0x0;
	s20 =	sshll.u32 s4, $0x1;
	s4 =	sadd.s32 s21, s2  }
0x9d: {  	[timem:s6], [sflag:s22] =	dma.local [hbm:s4], s20  }
0x9e: {  	_ =	swait.ge [sflag:s22], s20  }
0x9f: {  	s3 =	ssub.s32 $0x0, s20;
	[sflag:s22] =	ssyncset.done $0x0  }
0xa0: {  	[sflag:s22] =	ssyncadd.s32 s3;
	_ =	sdelay $0x1  }
0xa1: {  	s23 =	simm.s32 $0x1B8B  }
0xa2: {  	_ =	swait.ge [sflag:s23], $0x1  }
0xa3: {  	[sflag:s23] =	ssyncset.done $0x0  }
0xa4: {  	s25 =	simm.s32 $0x1B8E;
	s24 =	sld [smem:$0x3FFE];
	[sflag:s23] =	ssyncadd.s32 $0xFFFFFFFF  }
0xa5: {  	s26 =	simm.s32 $execute0_lowered;
	[smem:$0x3FD2] =	sst s25  }
0xa6: {  	s4 =	sshll.u32 s26, $0x1;
	_ =	strace $0x8000004F;
	[dreg:$0x1] =	wrdreg $0xFFFFFFFF  }
0xa7: {  	s28 =	simm.s32 $_size_execute0_lowered;
	s2 =	sadd.s32 s2, s4;
	[dreg:$0x0] =	wrdreg $0x0  }
0xa8: {  	s4 =	sshll.u32 s28, $0x1;
	[dreg:$0x2] =	wrdreg s2  }
0xa9: {  	[dreg:$0x3] =	wrdreg s4  }
0xaa: {  	[dreg:$0x4] =	wrdreg $0xC0  }
0xab: {  	_ =	task [dreg:s6], $0x5FFFF  }
0xac: {  	[dreg:$0x1] =	wrdreg $0xFFFFFFFF  }
0xad: {  	[dreg:$0x0] =	wrdreg $0x60  }
0xae: {  	[dreg:$0x2] =	wrdreg s24  }
0xaf: {  	[dreg:$0x3] =	wrdreg $0x3F700  }
0xb0: {  	[dreg:$0x4] =	wrdreg $0x9  }
0xb1: {  	_ =	task.clear_ibuf [dreg:s6], $0x5FFFF;
	_ =	strace $0x9000004F  }
0xb2: {  	s29 =	simm.s32 $0x9;
	_ =	strace $0x80000051  }
0xb3: {  	_ =	swait.ge [sflag:s29], $0x1  }
0xb4: {  	[sflag:s29] =	ssyncadd.s32 $0xFFFFFFFF  }
0xb5: {  	_ =	strace $0x90000051  }
0xb6: {  	_ =	sfence  }
0xb7: {  	s30 =	sld [smem:$0x0];
	_ =	sdelay $0x2  }
0xb8: {  	s31 =	sshll.u32 s1, $0xD;
	s1 =	sshrl.u32 s1, $0x2  }
0xb9: {  	s3 =	sand.u32 $0x4000, s31;
	s1 =	sadd.s32 s1, s30  }
0xba: {  	s0 =	sor.u32 s3, s0;
	s1 =	sshll.u32 s1, $0x11  }
0xbb: {  	s0 =	sor.u32 s1, s0  }
0xbc: {  	s0 =	sadd.s32 $0x8F2B, s0  }
0xbd: {  	[sflag:s0] =	ssyncadd.remote.s32 $0x1  }
0xbe: {  	_ =	sfence.sel $0xFFFF  }
0xbf: {  	[dreg:$0x0] =	wrdreg $0xFFFFFFFF;
	(pc) =	sbr.abs _section_cstart, $3  }
0xc0: {  	[dreg:$0x1] =	wrdreg $0xFFFFFFFF  }
0xc1: {  	_ =	task.clear_ibuf [dreg:s6], $0x2FFFF;
	_ =	strace $0x9FFFFFFF  }
0xc2: {  	(tm) =	ssettm $0x7FFFFFFF  }
0xc3: {  	_ =	shalt  }
tec
execute0_lowered:
.L_overlay_start_1:
0x0: {  	(tag) =	ssettag $0x1  }
0x1: {  	s11 =	rddreg [dreg:$0x0]  }
0x2: {  	s1 =	rddreg [dreg:$0x1]  }
0x3: {  	s0 =	rddreg [dreg:$0x2];
	s2 =	simm.s32 $0x0;
	s3 =	srdreg.scid  }
0x4: {  	s18 =	simm.s32 $0xA0;
	s19 =	simm.s32 $0x5F0;
	s20 =	simm.s32 $0xAF0  }
0x5: {  	[smem:$0x7FF] =	sst s2;
	s12 =	sand.u32 $0x1, s3;
	s4 =	sadd.s32 $0x12A00, s11  }
0x6: {  	s3 =	stileid.u32;
	s6 =	sadd.s32 $0xDA00, s11;
	s5 =	smul.u32 $0x27100, s12  }
0x7: {  	s7 =	sadd.s32 $0x17A00, s11;
	s9 =	sadd.s32 $0xB3E00, s11;
	s8 =	smul.u32 $0x2710, s3  }
0x8: {  	s10 =	sadd.s32 $0x102000, s11;
	s13 =	ssub.s32 $0x2, s12;
	s14 =	smul.u32 $0x3200, s3  }
0x9: {  	_ =	strace $0x80000050;
	s16 =	smul.u32 $0x190, s3;
	s15 =	sshrl.u32 s13, $0x1  }
0xa: {  	s29 =	smul.u32 $0x2710, s12;
	s17 =	sadd.s32 s5, s11;
	s28 =	ssub.s32 s13, s15  }
0xb: {  	s30 =	sshrl.u32 s14, $0x2;
	s14 =	simm.s32 $0x32F0;
	s15 =	simm.s32 $0x1  }
0xc: {  	v1 =	vimm.f32 $0.0e+00;
	s11 =	smax.u32 s28, $0x1;
	s31 =	sadd.s32 s16, s17;
	s12 =	sadd.s32 s30, s1  }
0xd: {  	v2 =	vimm.s32 $0x0;
	v3 =	vimm.s32 $0x1;
	v0 =	vmov s29;
	s16 =	simm.s32 $0x50;
	s17 =	simm.s32 $0xF0;
	s13 =	sadd.s32 $0x150200, s31  }
.LBB2_1:
0xe: {  	s21 =	simm.s32 $0x0;
	s22 =	simm.s32 $0x200  }
.LBB2_2:
0xf: {  	p0 =	sne.s32 s22, $0x3000;
	[tilespmem:s21+$0x3360] =	vst v1  }
0x10: {  	[tilespmem:s21+$0x32F0] =	vst v1  }
0x11: {  	[tilespmem:s21+$0x3300] =	vst v1  }
.Ltmp0:
0x12: {  	[tilespmem:s21+$0x3310] =	vst v1;
	(pc) =	sbr.rel @p0 .LBB2_2-.Ltmp0, $4  }
0x13: {  	[tilespmem:s21+$0x3320] =	vst v1  }
0x14: {  	[tilespmem:s21+$0x3330] =	vst v1  }
0x15: {  	[tilespmem:s21+$0x3340] =	vst v1  }
0x16: {  	[tilespmem:s21+$0x3350] =	vst v1;
	s21 =	sshra.s32 s22, $0x2;
	s22 =	sadd.s32 $0x200, s22  }
0x17: {  	[tilespmem:s21+$0x3360] =	vst v1  }
0x18: {  	[tilespmem:s21+$0x32F0] =	vst v1  }
0x19: {  	[tilespmem:s21+$0x3300] =	vst v1  }
0x1a: {  	[tilespmem:s21+$0x3310] =	vst v1  }
0x1b: {  	[tilespmem:s21+$0x3320] =	vst v1  }
0x1c: {  	[tilespmem:s21+$0x3330] =	vst v1  }
0x1d: {  	[tilespmem:s21+$0x3340] =	vst v1  }
0x1e: {  	[tilespmem:s21+$0x3350] =	vst v1;
	s31 =	sadd.s32 $0x0, s12  }
0x1f: {  	[spmem:s31] =	stream.linear.scatter [tilespmem:s14], [sflag:$0x1], $0xC80, $0x38;
	[tilespmem:$0x177F0] =	vst v63  }
0x20: {  	s21 =	simm.s32 $0x32000;
	_ =	swait.ge [sflag:s15], $0xC80  }
.LBB2_4:
0x21: {  	s22 =	sshra.s32 s21, $0x2;
	[sflag:s15] =	ssyncset.done $0x0;
	p0 =	sne.s32 s21, $0x4B0000  }
.Ltmp1:
0x22: {  	s22 =	sadd.s32 s22, s12;
	[sflag:s15] =	ssyncadd.s32 $0xFFFFF380;
	(pc) =	sbr.rel @p0 .LBB2_4-.Ltmp1, $3  }
0x23: {  	[spmem:s22] =	stream.linear.scatter [tilespmem:s14], [sflag:$0x1], $0xC80, $0x38;
	[tilespmem:$0x177F0] =	vst v63  }
0x24: {  	s21 =	sadd.s32 $0x32000, s21;
	_ =	sdelay $0x1  }
0x25: {  	_ =	swait.ge [sflag:s15], $0xC80  }
0x26: {  	[sflag:s15] =	ssyncset.done $0x0  }
0x27: {  	[sflag:s15] =	ssyncadd.s32 $0xFFFFF380  }
0x28: {  	s21 =	simm.s32 $0x0;
	s22 =	simm.s32 $0x0;
	[bflag:$0x0] =	sbarrier.arrive $0xFFFF  }
.LBB2_6:
0x29: {  	s23 =	smul.u32 $0x50, s22;
	_ =	sdelay $0x1  }
0x2a: {  	s23 =	sadd.s32 s8, s23  }
0x2b: {  	s24 =	sshrl.u32 s23, $0x3  }
0x2c: {  	s25 =	sadd.s32 s4, s24  }
0x2d: {  	[tilespmem:s21], [sflag:$0x1] =	stream.linear.gather [hbm4b:s25+s21], $0x50, $0x38;
	[tilespmem:$0x177F0] =	vst v63  }
0x2e: {  	_ =	swait.ge [sflag:s15], $0x50  }
0x2f: {  	[sflag:s15] =	ssyncset.done $0x0  }
0x30: {  	s24 =	sadd.s32 s6, s24;
	[sflag:s15] =	ssyncadd.s32 $0xFFFFFFB0  }
0x31: {  	[tilespmem:s16], [sflag:$0x1] =	stream.linear.gather [hbm4b:s24+s21], $0x50, $0x38;
	[tilespmem:$0x177F0] =	vst v63  }
0x32: {  	s23 =	sadd.s32 s5, s23;
	_ =	swait.ge [sflag:s15], $0x50  }
0x33: {  	s23 =	sshll.u32 s23, $0x1;
	[sflag:s15] =	ssyncset.done $0x0  }
0x34: {  	s23 =	sadd.s32 s7, s23;
	[sflag:s15] =	ssyncadd.s32 $0xFFFFFFB0  }
0x35: {  	[tilespmem:s17], [sflag:$0x1] =	stream.linear.gather [hbm4b:s23+s21], $0x500, $0x38;
	[tilespmem:$0x177F0] =	vst v63  }
0x36: {  	_ =	swait.ge [sflag:s15], $0x500  }
0x37: {  	[sflag:s15] =	ssyncset.done $0x0  }
0x38: {  	[sflag:s15] =	ssyncadd.s32 $0xFFFFFB00  }
0x39: {  	v4 =	vld [tilespmem:$0x50]  }
0x3a: {  	v5 =	vld [tilespmem:$0x0]  }
0x3b: {  	v6 =	vld [tilespmem:$0x60]  }
0x3c: {  	v7 =	vld [tilespmem:$0x10]  }
0x3d: {  	v8 =	vld [tilespmem:$0x70]  }
0x3e: {  	v9 =	vld [tilespmem:$0x20];
	v4 =	vadd.s32 v0, v4  }
0x3f: {  	[tilespmem:$0xA0] =	vst v4;
	v4 =	vadd.s32 v0, v5;
	v5 =	vld [tilespmem:$0x80]  }
0x40: {  	[tilespmem:$0x0] =	vst v4;
	v4 =	vadd.s32 v0, v6;
	v6 =	vld [tilespmem:$0x30]  }
0x41: {  	[tilespmem:$0xB0] =	vst v4;
	v4 =	vadd.s32 v0, v7;
	v7 =	vld [tilespmem:$0x90]  }
0x42: {  	v63 =	vld [tilespmem:$0x40];
	[tilespmem:$0x10] =	vst v4;
	v4 =	vadd.s32 v0, v8  }
0x43: {  	[tilespmem:$0xC0] =	vst v4;
	v4 =	vadd.s32 v0, v9  }
0x44: {  	[tilespmem:$0x20] =	vst v4;
	v4 =	vadd.s32 v0, v5  }
0x45: {  	[tilespmem:$0xD0] =	vst v4;
	v4 =	vadd.s32 v0, v6  }
0x46: {  	[tilespmem:$0x30] =	vst v4;
	v4 =	vadd.s32 v0, v7  }
0x47: {  	[tilespmem:$0xE0] =	vst v4;
	v4 =	vadd.s32 v0, v63  }
0x48: {  	[tilespmem:$0x40] =	vst v4  }
0x49: {  	[tilespmem:s19], [sflag:$0x1] =	stream.indirect.gather [hbm4b:s9+s16], $0x10, s18, s16, $0xb8;
	[tilespmem:$0x177F0] =	vst v63  }
0x4a: {  	_ =	swait.ge [sflag:s15], $0x500  }
0x4b: {  	[sflag:s15] =	ssyncset.done $0x0  }
0x4c: {  	s24 =	simm.s32 $0x0;
	[sflag:s15] =	ssyncadd.s32 $0xFFFFFB00  }
0x4d: {  	v4 =	vld [tilespmem:s24+$0x5F0];
	_ =	sdelay $0x4  }
0x4e: {  	v4 =	vadd.f32 $9.999999710e-10, v4  }
0x4f: {  	s23 =	simm.s32 $0x10  }
0x50: {  	v5 =	vld [tilespmem:s23+$0x5F0];
	(erf) = vrcp.f32 v4;
	_ =	sdelay $0x4  }
0x51: {  	v5 =	vadd.f32 $9.999999710e-10, v5;
	v4 =	vld [tilespmem:s24+$0xF0];
	_ =	sdelay $0x1  }
0x52: {  	(erf) = vrcp.f32 v5  }
0x53: {  	s26 =	simm.s32 $0xC0;
	s25 =	simm.s32 $0x20  }
.LBB2_7:
0x54: {  	p0 =	sne.s32 s26, $0x13C0;
	v5 =	vld [tilespmem:s25+$0x5F0];
	v6 =	vpop (erf)  }
0x55: {  	v4 =	vmul.f32 v6, v4;
	_ =	sdelay $0x1  }
.Ltmp2:
0x56: {  	[tilespmem:s24+$0xF0] =	vst v4;
	s24 =	smov.u32 s23;
	s23 =	smov.u32 s25;
	(pc) =	sbr.rel @p0 .LBB2_7-.Ltmp2, $3  }
0x57: {  	v4 =	vld [tilespmem:s24+$0xF0]  }
0x58: {  	v5 =	vadd.f32 $9.999999710e-10, v5;
	_ =	sdelay $0x1  }
0x59: {  	s25 =	sshra.s32 s26, $0x2;
	s26 =	sadd.s32 $0x40, s26;
	(erf) = vrcp.f32 v5  }
0x5a: {  	v5 =	vld [tilespmem:s25+$0x5F0]  }
0x5b: {  	v6 =	vpop (erf)  }
0x5c: {  	v4 =	vmul.f32 v6, v4;
	_ =	sdelay $0x1  }
0x5d: {  	[tilespmem:s24+$0xF0] =	vst v4  }
0x5e: {  	v4 =	vld [tilespmem:s23+$0xF0];
	v5 =	vadd.f32 $9.999999710e-10, v5;
	_ =	sdelay $0x2  }
0x5f: {  	(erf) = vrcp.f32 v5  }
0x60: {  	v5 =	vpop (erf)  }
0x61: {  	v4 =	vmul.f32 v5, v4;
	_ =	sdelay $0x1  }
0x62: {  	[tilespmem:s23+$0xF0] =	vst v4  }
0x63: {  	v4 =	vld [tilespmem:s25+$0xF0];
	_ =	sdelay $0x3  }
0x64: {  	v5 =	vpop (erf)  }
0x65: {  	v4 =	vmul.f32 v5, v4;
	_ =	sdelay $0x1  }
0x66: {  	s30 =	simm.s32 $0x0;
	[tilespmem:s25+$0xF0] =	vst v4  }
0x67: {  	[tilespmem:s20], [sflag:$0x1] =	stream.indirect.gather [hbm4b:s10+s16], $0x80, s30, s16, $0xb8;
	[tilespmem:$0x177F0] =	vst v63  }
0x68: {  	_ =	swait.ge [sflag:s15], $0x2800  }
0x69: {  	[sflag:s15] =	ssyncset.done $0x0  }
0x6a: {  	s23 =	simm.s32 $0xB30;
	[sflag:s15] =	ssyncadd.s32 $0xFFFFD800  }
0x6b: {  	s31 =	simm.s32 $0x0;
	v9 =	vld [tilespmem:s23+$0x30]  }
0x6c: {  	v6 =	vld [tilespmem:s31+$0xF0]  }
0x6d: {  	v12 =	vld [tilespmem:s23+$0x10]  }
0x6e: {  	v10 =	vld [tilespmem:s23+$0xFFFFFFC0]  }
0x6f: {  	v14 =	vld [tilespmem:s23+$0xFFFFFFE0]  }
0x70: {  	v4 =	vld [tilespmem:s23+$0xFFFFFFF0]  }
0x71: {  	v7 =	vld [tilespmem:s23+$0x20];
	v5 =	vperm.xlane v6, v2;
	v6 =	vperm.xlane v6, v3  }
0x72: {  	v8 =	vld [tilespmem:s23+$0xFFFFFFD0]  }
0x73: {  	v13 =	vmul.f32 v9, v6;
	v9 =	vld [tilespmem:s23+$0x0]  }
0x74: {  	v11 =	vmul.f32 v10, v5  }
0x75: {  	s24 =	simm.s32 $0x40;
	s25 =	simm.s32 $0xB30;
	v10 =	vmul.f32 v14, v5;
	v12 =	vmul.f32 v12, v6  }
.LBB2_9:
0x76: {  	p0 =	sne.s32 s24, $0x13C0  }
0x77: {  	v8 =	vmul.f32 v8, v5;
	v7 =	vmul.f32 v7, v6;
	[tilespmem:s23+$0x30] =	vst v13;
	s25 =	sadd.s32 $0x80, s25;
	s26 =	smov.u32 s24;
	s24 =	sadd.s32 $0x40, s24  }
0x78: {  	v4 =	vmul.f32 v4, v5;
	[tilespmem:s23+$0xFFFFFFC0] =	vst v11;
	v5 =	vmul.f32 v9, v6  }
0x79: {  	[tilespmem:s23+$0x10] =	vst v12  }
0x7a: {  	[tilespmem:s23+$0xFFFFFFE0] =	vst v10  }
0x7b: {  	[tilespmem:s23+$0xFFFFFFF0] =	vst v4  }
0x7c: {  	v4 =	vld [tilespmem:s25+$0xFFFFFFF0];
	[tilespmem:s23+$0x0] =	vst v5  }
0x7d: {  	v10 =	vld [tilespmem:s25+$0x30];
	[tilespmem:s23+$0x20] =	vst v7  }
0x7e: {  	s26 =	sshra.s32 s26, $0x2;
	v12 =	vld [tilespmem:s25+$0x10];
	[tilespmem:s23+$0xFFFFFFD0] =	vst v8;
	s23 =	smov.u32 s25  }
0x7f: {  	v6 =	vld [tilespmem:s26+$0xF0]  }
0x80: {  	v11 =	vld [tilespmem:s25+$0xFFFFFFC0]  }
0x81: {  	v14 =	vld [tilespmem:s25+$0xFFFFFFE0]  }
0x82: {  	v7 =	vld [tilespmem:s25+$0x20]  }
.Ltmp3:
0x83: {  	v8 =	vld [tilespmem:s25+$0xFFFFFFD0];
	(pc) =	sbr.rel @p0 .LBB2_9-.Ltmp3, $3  }
0x84: {  	v5 =	vperm.xlane v6, v2;
	v6 =	vperm.xlane v6, v3;
	v9 =	vld [tilespmem:s25+$0x0];
	_ =	sdelay $0x1  }
0x85: {  	v11 =	vmul.f32 v11, v5;
	v13 =	vmul.f32 v10, v6  }
0x86: {  	v10 =	vmul.f32 v14, v5;
	v12 =	vmul.f32 v12, v6  }
0x87: {  	[tilespmem:s23+$0x30] =	vst v13  }
0x88: {  	[tilespmem:s23+$0xFFFFFFC0] =	vst v11  }
0x89: {  	v4 =	vmul.f32 v4, v5;
	[tilespmem:s23+$0x10] =	vst v12  }
0x8a: {  	v63 =	vmul.f32 v7, v6;
	[tilespmem:s23+$0xFFFFFFE0] =	vst v10  }
0x8b: {  	v9 =	vmul.f32 v9, v6;
	[tilespmem:s23+$0xFFFFFFF0] =	vst v4  }
0x8c: {  	s22 =	sadd.s32 $0x1, s22;
	v4 =	vmul.f32 v8, v5;
	[tilespmem:s23+$0x20] =	vst v63  }
0x8d: {  	p0 =	sne.s32 s22, $0x7D;
	[tilespmem:s23+$0x0] =	vst v9  }
.Ltmp4:
0x8e: {  	[tilespmem:s23+$0xFFFFFFD0] =	vst v4;
	(pc) =	sbr.rel @p0 .LBB2_6-.Ltmp4, $4  }
0x8f: {  	[spmem:s1] =	stream.indirect.scatter.add.f32 [tilespmem:s20], [sflag:$0x1], $0x80, s16, s16, $0xb8;
	[tilespmem:$0x177F0] =	vst v63  }
0x90: {  	_ =	swait.ge [sflag:s15], $0x2800  }
0x91: {  	[sflag:s15] =	ssyncset.done $0x0  }
0x92: {  	[sflag:s15] =	ssyncadd.s32 $0xFFFFD800  }
0x93: {  	[bflag:$0x0] =	sbarrier.arrive $0xFFFF;
	s21 =	sshll.u32 s3, $0x6  }
0x94: {  	s22 =	sadd.s32 $0x0, s13;
	s23 =	sshrl.u32 s12, $0x3;
	s21 =	sor.u32 $0x1C01, s21  }
0x95: {  	[hbm:s22], [sflag:s21] =	dma.local [spmem:s23], $0x190  }
0x96: {  	s22 =	simm.s32 $0x1900;
	s23 =	sadd.s32 $0xC800, s12;
	_ =	swait.ge [sflag:s15], $0x190  }
.LBB2_12:
0x97: {  	s24 =	sadd.s32 s22, s13;
	[sflag:s15] =	ssyncset.done $0x0;
	p0 =	sne.s32 s22, $0x25800  }
.Ltmp5:
0x98: {  	s25 =	sshrl.u32 s23, $0x3;
	[sflag:s15] =	ssyncadd.s32 $0xFFFFFE70;
	(pc) =	sbr.rel @p0 .LBB2_12-.Ltmp5, $3  }
0x99: {  	[hbm:s24], [sflag:s21] =	dma.local [spmem:s25], $0x190  }
0x9a: {  	s22 =	sadd.s32 $0x1900, s22;
	_ =	sdelay $0x1  }
0x9b: {  	s23 =	sadd.s32 $0xC800, s23;
	_ =	swait.ge [sflag:s15], $0x190  }
0x9c: {  	s2 =	sadd.s32 $0x1, s2  }
0x9d: {  	p0 =	sne.s32 s2, s11  }
.Ltmp6:
0x9e: {  	_ = 	snop;
	(pc) =	sbr.rel @p0 .LBB2_1-.Ltmp6, $3  }
0x9f: {  	_ =	sdelay $0x1  }
0xa0: {  	[sflag:s15] =	ssyncset.done $0x0  }
0xa1: {  	[sflag:s15] =	ssyncadd.s32 $0xFFFFFE70  }
0xa2: {  	_ =	sfence.sel $0x180000  }
0xa3: {  	[bflag:$0x0] =	sbarrier.arrive $0xFFFF  }
0xa4: {  	p0 =	sne.s32 s3, $0x0;
	_ =	strace $0x90000050  }
0xa5: {  	s0 =	sadd.s32 @!p0 $0x100000, s0;
	[bflag:$0x2] =	sbarrier.arrive $0xFFFF  }
0xa6: {  	[sflag:s0] =	ssyncadd.tile.s32 @!p0 $0x1;
	_ =	shalt  }
.Lfunc_end2:
_tile_overlayer_lowered:
.L_overlay_start_2:
0xa7: {  	(tag) =	ssettag $0x2  }
0xa8: {  	s0 =	rddreg [dreg:$0x0];
	s2 =	stileid.u32  }
0xa9: {  	s1 =	rddreg [dreg:$0x1];
	p0 =	sne.s32 s2, $0x0  }
0xaa: {  	s3 =	rddreg [dreg:$0x2];
	[bflag:$0x3] =	sbarrier.arrive $0xFFFF;
	s2 =	simm.s32 @!p0 $0x1C01  }
0xab: {  	[timem:s3], [sflag:s2] =	dma.local @!p0 [hbm:s0], s1  }
0xac: {  	s0 =	simm.s32 @!p0 $0x1  }
0xad: {  	_ =	swait.ge @!p0 [sflag:s0], s1  }
0xae: {  	s1 =	ssub.s32 @!p0 $0x0, s1;
	[sflag:s0] =	ssyncset.done @!p0 $0x0  }
0xaf: {  	[sflag:s0] =	ssyncadd.s32 @!p0 s1  }
0xb0: {  	[bflag:$0x3] =	sbarrier.arrive $0xFFFF  }
0xb1: {  	_ =	shalt  }

// kernel: kernel.23.cloned.1.call-start
scs
__scs_entry_jumppad:
0x0: {  	(pc) =	sbr.rel $0x88, $3  }
0x1: {  	(tag) =	ssettag $0x0;
	lr =	simm.s32 $0x1  }
0x2: {  	[smem:$0x3F90] =	sst lr;
	_ =	strace $0xD0000000  }
0x3: {  	_ = 	snop  }
0x4: {  	_ = 	snop  }
0x5: {  	_ = 	snop  }
0x6: {  	_ = 	snop  }
0x7: {  	_ = 	snop  }
__scs_overlays_trampoline_lowered:
0x8: {  	[smem:$0x3F9F] =	sst s0  }
0x9: {  	[smem:$0x3FA0] =	sst s1  }
0xa: {  	[smem:$0x3FA1] =	sst s2  }
0xb: {  	[smem:$0x3FA2] =	sst s3  }
0xc: {  	[smem:$0x3FA3] =	sst s4  }
0xd: {  	[smem:$0x3FA4] =	sst s5  }
0xe: {  	[smem:$0x3FA5] =	sst s6  }
0xf: {  	[smem:$0x3FA6] =	sst s7  }
0x10: {  	[smem:$0x3FA7] =	sst s8  }
0x11: {  	[smem:$0x3FA8] =	sst s9;
	s0 =	simm.s32 @!p0 $0x0  }
0x12: {  	s1 =	sld [smem:$0x3F8E];
	s0 =	simm.s32 @p0 $0x1  }
0x13: {  	[smem:$0x3FA9] =	sst s0;
	s0 =	simm.s32 @!p1 $0x0  }
0x14: {  	s2 =	sld [smem:$0x3F8D];
	s0 =	simm.s32 @p1 $0x1  }
0x15: {  	[smem:$0x3FAA] =	sst s0;
	s0 =	simm.s32 @!p2 $0x0  }
0x16: {  	s3 =	sld [smem:$0x3FDB];
	s0 =	simm.s32 @p2 $0x1  }
0x17: {  	s4 =	simm.s32 $0x1BF5;
	[smem:$0x3FAC] =	sst s0  }
0x18: {  	s0 =	sld [smem:$0x3F8F];
	_ =	swait.ge [sflag:s4], $0x0  }
0x19: {  	s7 =	sld [smem:$0x3F90]  }
0x1a: {  	s8 =	sadd.s32 $0xFFFFE003, lr  }
0x1b: {  	s9 =	sadd.s32 $0xFFFFFEF7, lr;
	s5 =	simm.s32 $0xFFFFFFFF;
	p2 =	slt.u32 s8, $0xFFFFF086  }
0x1c: {  	p1 =	slt.u32 s9, $0xF7A;
	s5 =	simm.s32 @!p2 $0x0  }
0x1d: {  	s5 =	simm.s32 @p1 $0x1;
	p0 =	seq.s32 s7, s2  }
0x1e: {  	s7 =	smul.u32 @!p0 $0xF7A, s2;
	p2 =	seq.s32 @!p0 s5, $0x0  }
0x1f: {  	s9 =	smul.u32 $0xF7A, s1;
	s8 =	simm.s32 @!p0 $0x1BF5;
	p2 =	por !p2, p0  }
0x20: {  	[sflag:s8] =	ssyncset.s32 @!p0 $0xFFFFF086;
	s6 =	sadd.s32 @!p0 s3, s7;
	s7 =	simm.s32 @!p0 $0x108  }
0x21: {  	s3 =	sadd.s32 s3, s9;
	s6 =	sadd.s32 @!p0 $0x88, s6;
	s7 =	simm.s32 @p2 $0x1082  }
0x22: {  	[simem:s7], [sflag:s8] =	dma.local @!p0 [hbm:s6], $0xF7A  }
0x23: {  	s9 =	sor.u32 $0xD0000000, s2;
	s6 =	simm.s32 $0x108;
	_ =	swait.ge @!p0 [sflag:s8], $0x0  }
0x24: {  	s3 =	sadd.s32 $0x88, s3;
	s6 =	simm.s32 @!p1 $0x1082;
	[sflag:s4] =	ssyncset.s32 $0xFFFFF086  }
0x25: {  	[simem:s6], [sflag:s4] =	dma.local [hbm:s3], $0xF7A  }
0x26: {  	[smem:$0x3F90] =	sst s1;
	(tag) =	ssettag s2;
	_ =	strace s9  }
0x27: {  	s1 =	sld [smem:$0x3FA0]  }
0x28: {  	s2 =	sld [smem:$0x3FA1]  }
0x29: {  	s4 =	sld [smem:$0x3FA3]  }
0x2a: {  	p0 =	seq.s32 s5, $0x0;
	s5 =	sld [smem:$0x3FA4]  }
0x2b: {  	s6 =	sld [smem:$0x3FA5]  }
0x2c: {  	s7 =	sld [smem:$0x3FA6]  }
0x2d: {  	s3 =	simm.s32 $0x108;
	s8 =	sld [smem:$0x3FA7]  }
0x2e: {  	s3 =	simm.s32 @!p0 $0x1082;
	s9 =	sld [smem:$0x3FA8]  }
0x2f: {  	lr =	sadd.s32 s0, s3;
	s0 =	sld [smem:$0x3F9F]  }
0x30: {  	s3 =	sld [smem:$0x3FA2]  }
0x31: {  	[smem:$0x3FAB] =	sst s10  }
0x32: {  	s10 =	sld [smem:$0x3FA9];
	_ =	sdelay $0x3  }
0x33: {  	p0 =	seq.s32 s10, $0x1;
	s10 =	sld [smem:$0x3FAB];
	_ =	sdelay $0x3  }
0x34: {  	[smem:$0x3FAB] =	sst s10  }
0x35: {  	s10 =	sld [smem:$0x3FAA];
	_ =	sdelay $0x3  }
0x36: {  	p1 =	seq.s32 s10, $0x1;
	s10 =	sld [smem:$0x3FAB];
	_ =	sdelay $0x3  }
0x37: {  	[smem:$0x3FAB] =	sst s10  }
0x38: {  	s10 =	sld [smem:$0x3FAC]  }
0x39: {  	_ = 	snop;
	(pc) =	sbr.ind lr, $3  }
0x3a: {  	_ = 	snop  }
0x3b: {  	_ = 	snop  }
0x3c: {  	p2 =	seq.s32 s10, $0x1;
	s10 =	sld [smem:$0x3FAB]  }
0x3d: {  	_ =	shalt  }
0x3e: {  	_ =	shalt  }
0x3f: {  	_ =	shalt  }
0x40: {  	_ =	shalt  }
0x41: {  	_ =	shalt  }
0x42: {  	_ =	shalt  }
0x43: {  	_ =	shalt  }
0x44: {  	_ =	shalt  }
0x45: {  	_ =	shalt  }
0x46: {  	_ =	shalt  }
0x47: {  	_ =	shalt  }
0x48: {  	_ =	shalt  }
0x49: {  	_ =	shalt  }
0x4a: {  	_ =	shalt  }
0x4b: {  	_ =	shalt  }
0x4c: {  	_ =	shalt  }
0x4d: {  	_ =	shalt  }
0x4e: {  	_ =	shalt  }
0x4f: {  	_ =	shalt  }
0x50: {  	_ =	shalt  }
0x51: {  	_ =	shalt  }
0x52: {  	_ =	shalt  }
0x53: {  	_ =	shalt  }
0x54: {  	_ =	shalt  }
0x55: {  	_ =	shalt  }
0x56: {  	_ =	shalt  }
0x57: {  	_ =	shalt  }
0x58: {  	_ =	shalt  }
0x59: {  	_ =	shalt  }
0x5a: {  	_ =	shalt  }
0x5b: {  	_ =	shalt  }
0x5c: {  	_ =	shalt  }
0x5d: {  	_ =	shalt  }
0x5e: {  	_ =	shalt  }
0x5f: {  	_ =	shalt  }
0x60: {  	_ =	shalt  }
0x61: {  	_ =	shalt  }
0x62: {  	_ =	shalt  }
0x63: {  	_ =	shalt  }
0x64: {  	_ =	shalt  }
0x65: {  	_ =	shalt  }
0x66: {  	_ =	shalt  }
0x67: {  	_ =	shalt  }
0x68: {  	_ =	shalt  }
0x69: {  	_ =	shalt  }
0x6a: {  	_ =	shalt  }
0x6b: {  	_ =	shalt  }
0x6c: {  	_ =	shalt  }
0x6d: {  	_ =	shalt  }
0x6e: {  	_ =	shalt  }
0x6f: {  	_ =	shalt  }
0x70: {  	_ =	shalt  }
0x71: {  	_ =	shalt  }
0x72: {  	_ =	shalt  }
0x73: {  	_ =	shalt  }
0x74: {  	_ =	shalt  }
0x75: {  	_ =	shalt  }
0x76: {  	_ =	shalt  }
0x77: {  	_ =	shalt  }
0x78: {  	_ =	shalt  }
0x79: {  	_ =	shalt  }
0x7a: {  	_ =	shalt  }
0x7b: {  	_ =	shalt  }
0x7c: {  	_ =	shalt  }
0x7d: {  	_ =	shalt  }
0x7e: {  	_ =	shalt  }
0x7f: {  	_ =	shalt  }
0x80: {  	_ =	shalt  }
0x81: {  	_ =	shalt  }
0x82: {  	_ =	shalt  }
0x83: {  	_ =	shalt  }
0x84: {  	_ =	shalt  }
0x85: {  	_ =	shalt  }
0x86: {  	_ =	shalt  }
0x87: {  	_ =	shalt  }
.Lfunc_end0:
.L_simem_size_0:
called_computation.4_lowered:
.L_overlay_start_0:
0x88: {  	s2 =	sld [smem:$0x3FD9]  }
0x89: {  	s3 =	sld [smem:$0x3FFE];
	_ =	sdelay $0x1  }
0x8a: {  	s1 =	srdreg.scid  }
0x8b: {  	s0 =	sand.u32 $0x1, s1  }
0x8c: {  	s17 =	sshll.u32 s0, $0xA;
	s2 =	sadd.s32 s3, s2  }
0x8d: {  	s2 =	sadd.s32 s2, s17  }
0x8e: {  	[smem:$0x3FB7] =	sst s2  }
0x8f: {  	_ = 	snop  }
0x90: {  	s2 =	sld [smem:$0x3FC5];
	(tm) =	ssettm $0x1  }
0x91: {  	s18 =	sld [smem:$0x3FFB];
	_ =	sdelay $0x3  }
0x92: {  	_ =	strace s18  }
0x93: {  	s3 =	sld [smem:$0x3FFC];
	_ =	sdelay $0x3  }
0x94: {  	_ =	strace s3  }
0x95: {  	s3 =	sld [smem:$0x3FFD];
	_ =	sdelay $0x3  }
0x96: {  	_ =	strace s3  }
0x97: {  	_ =	strace $0x8FFFFFFF  }
0x98: {  	s19 =	sld [smem:$0x3FDB];
	_ =	sdelay $0x1  }
0x99: {  	s4 =	simm.s32 $_scs_section_size  }
0x9a: {  	s5 =	simm.s32 $_size__tile_overlayer_lowered;
	s6 =	simm.s32 $_tile_overlayer_lowered  }
0x9b: {  	s22 =	simm.s32 $0x1BFF;
	s21 =	sshll.u32 s6, $0x1;
	s3 =	sadd.s32 s4, s19  }
0x9c: {  	s7 =	simm.s32 $0x0;
	s20 =	sshll.u32 s5, $0x1;
	s5 =	sadd.s32 s21, s3  }
0x9d: {  	[timem:s7], [sflag:s22] =	dma.local [hbm:s5], s20  }
0x9e: {  	_ =	swait.ge [sflag:s22], s20  }
0x9f: {  	s4 =	ssub.s32 $0x0, s20;
	[sflag:s22] =	ssyncset.done $0x0  }
0xa0: {  	[sflag:s22] =	ssyncadd.s32 s4;
	_ =	sdelay $0x1  }
0xa1: {  	s23 =	simm.s32 $0x1B8B  }
0xa2: {  	_ =	swait.ge [sflag:s23], $0x1  }
0xa3: {  	[sflag:s23] =	ssyncset.done $0x0  }
0xa4: {  	s25 =	simm.s32 $0x1B8E;
	s24 =	sld [smem:$0x3FFE];
	[sflag:s23] =	ssyncadd.s32 $0xFFFFFFFF  }
0xa5: {  	s26 =	simm.s32 $execute0_lowered;
	[smem:$0x3FD2] =	sst s25  }
0xa6: {  	s5 =	sshll.u32 s26, $0x1;
	_ =	strace $0x80000052;
	[dreg:$0x1] =	wrdreg $0xFFFFFFFF  }
0xa7: {  	s28 =	simm.s32 $_size_execute0_lowered;
	s3 =	sadd.s32 s3, s5;
	[dreg:$0x0] =	wrdreg $0x0  }
0xa8: {  	s5 =	sshll.u32 s28, $0x1;
	[dreg:$0x2] =	wrdreg s3  }
0xa9: {  	[dreg:$0x3] =	wrdreg s5  }
0xaa: {  	[dreg:$0x4] =	wrdreg $0xC0  }
0xab: {  	_ =	task [dreg:s7], $0x5FFFF  }
0xac: {  	[dreg:$0x1] =	wrdreg $0xFFFFFFFF  }
0xad: {  	[dreg:$0x0] =	wrdreg $0x60  }
0xae: {  	[dreg:$0x2] =	wrdreg s2  }
0xaf: {  	[dreg:$0x3] =	wrdreg s24  }
0xb0: {  	[dreg:$0x4] =	wrdreg $0x9  }
0xb1: {  	_ =	task.clear_ibuf [dreg:s7], $0x5FFFF;
	_ =	strace $0x90000052  }
0xb2: {  	s29 =	simm.s32 $0x9;
	_ =	strace $0x80000054  }
0xb3: {  	_ =	swait.ge [sflag:s29], $0x1  }
0xb4: {  	[sflag:s29] =	ssyncadd.s32 $0xFFFFFFFF  }
0xb5: {  	_ =	strace $0x90000054  }
0xb6: {  	_ =	sfence  }
0xb7: {  	s30 =	sld [smem:$0x0];
	_ =	sdelay $0x2  }
0xb8: {  	s31 =	sshll.u32 s1, $0xD;
	s1 =	sshrl.u32 s1, $0x2  }
0xb9: {  	s3 =	sand.u32 $0x4000, s31;
	s1 =	sadd.s32 s1, s30  }
0xba: {  	s0 =	sor.u32 s3, s0;
	s1 =	sshll.u32 s1, $0x11  }
0xbb: {  	s0 =	sor.u32 s1, s0  }
0xbc: {  	s0 =	sadd.s32 $0x8F2B, s0  }
0xbd: {  	[sflag:s0] =	ssyncadd.remote.s32 $0x1  }
0xbe: {  	_ =	sfence.sel $0xFFFF  }
0xbf: {  	[dreg:$0x0] =	wrdreg $0xFFFFFFFF;
	(pc) =	sbr.abs _section_cstart, $3  }
0xc0: {  	[dreg:$0x1] =	wrdreg $0xFFFFFFFF  }
0xc1: {  	_ =	task.clear_ibuf [dreg:s7], $0x2FFFF;
	_ =	strace $0x9FFFFFFF  }
0xc2: {  	(tm) =	ssettm $0x7FFFFFFF  }
0xc3: {  	_ =	shalt  }
tec
execute0_lowered:
.L_overlay_start_1:
0x0: {  	(tag) =	ssettag $0x1  }
0x1: {  	s0 =	srdreg.scid;
	s2 =	rddreg [dreg:$0x0]  }
0x2: {  	s3 =	rddreg [dreg:$0x1];
	s0 =	sand.u32 $0x1, s0  }
0x3: {  	s1 =	stileid.u32;
	s4 =	simm.s32 $0x0;
	p0 =	seq.s32 s0, $0x1  }
0x4: {  	[smem:$0x7FF] =	sst s4;
	s5 =	smul.u32 @!p0 $0x5, s1  }
0x5: {  	s0 =	rddreg [dreg:$0x2]  }
0x6: {  	_ =	strace $0x80000053;
	s4 =	simm.s32 @!p0 $0x0;
	s2 =	sadd.s32 @!p0 s2, s5  }
0x7: {  	[tilespmem:s4], [sflag:$0x1] =	stream.linear.gather @!p0 [hbm4b:s2+s4], $0x28, $0x38;
	[tilespmem:$0x3C50] =	vst v63  }
0x8: {  	s2 =	simm.s32 @!p0 $0x1  }
0x9: {  	_ =	swait.ge @!p0 [sflag:s2], $0x28  }
0xa: {  	s6 =	simm.s32 @!p0 $0x28;
	[sflag:s2] =	ssyncset.done @!p0 $0x0  }
0xb: {  	s7 =	simm.s32 @!p0 $0x50;
	s5 =	sadd.s32 $0x19E400, s3;
	[sflag:s2] =	ssyncadd.s32 @!p0 $0xFFFFFFD8  }
0xc: {  	[tilespmem:s7], [sflag:$0x1] =	stream.indirect.gather @!p0 [hbm4b:s5+s6], $0x100, s4, s6, $0xb8;
	[tilespmem:$0x3C50] =	vst v63  }
0xd: {  	s5 =	smul.u32 @!p0 $0x500, s1;
	_ =	swait.ge @!p0 [sflag:s2], $0x2800  }
0xe: {  	s8 =	sadd.s32 $0x3C00, s3;
	[sflag:s2] =	ssyncset.done @!p0 $0x0  }
0xf: {  	s5 =	sadd.s32 @!p0 s8, s5;
	[sflag:s2] =	ssyncadd.s32 @!p0 $0xFFFFD800  }
0x10: {  	[hbm4b:s5+s4] =	stream.linear.scatter @!p0 [tilespmem:s7], [sflag:$0x1], $0x2800, $0x38;
	[tilespmem:$0x3C50] =	vst v63  }
0x11: {  	_ =	swait.ge @!p0 [sflag:s2], $0x2800  }
0x12: {  	[sflag:s2] =	ssyncset.done @!p0 $0x0  }
0x13: {  	s5 =	sadd.s32 $0x150200, s3;
	s7 =	simm.s32 @!p0 $0x2850;
	[sflag:s2] =	ssyncadd.s32 @!p0 $0xFFFFD800  }
0x14: {  	[tilespmem:s7], [sflag:$0x1] =	stream.indirect.gather @!p0 [hbm4b:s5+s6], $0x80, s4, s6, $0xb8;
	[tilespmem:$0x3C50] =	vst v63  }
0x15: {  	s8 =	smul.u32 @!p0 $0x280, s1;
	_ =	swait.ge @!p0 [sflag:s2], $0x1400  }
0x16: {  	s9 =	sadd.s32 $0x8C00, s3;
	[sflag:s2] =	ssyncset.done @!p0 $0x0  }
0x17: {  	s9 =	sadd.s32 @!p0 s9, s8;
	[sflag:s2] =	ssyncadd.s32 @!p0 $0xFFFFEC00  }
0x18: {  	[hbm4b:s9+s4] =	stream.linear.scatter @!p0 [tilespmem:s7], [sflag:$0x1], $0x1400, $0x38;
	[tilespmem:$0x3C50] =	vst v63  }
0x19: {  	_ =	swait.ge @!p0 [sflag:s2], $0x1400  }
0x1a: {  	[sflag:s2] =	ssyncset.done @!p0 $0x0  }
0x1b: {  	[sflag:s2] =	ssyncadd.s32 @!p0 $0xFFFFEC00  }
0x1c: {  	v0 =	vld @!p0 [tilespmem:$0x0]  }
0x1d: {  	v1 =	vld @!p0 [tilespmem:$0x10]  }
0x1e: {  	v2 =	vld @!p0 [tilespmem:$0x18];
	_ =	sdelay $0x2  }
0x1f: {  	v0 =	vadd.s32 @!p0 $0x2710, v0  }
0x20: {  	[tilespmem:$0x28] =	vst @!p0 v0;
	v0 =	vadd.s32 @!p0 $0x2710, v1  }
0x21: {  	[tilespmem:$0x38] =	vst @!p0 v0;
	v0 =	vadd.s32 @!p0 $0x2710, v2  }
0x22: {  	[tilespmem:$0x40] =	vst @!p0 v0  }
0x23: {  	[tilespmem:s7], [sflag:$0x1] =	stream.indirect.gather @!p0 [hbm4b:s5+s6], $0x80, s6, s6, $0xb8;
	[tilespmem:$0x3C50] =	vst v63  }
0x24: {  	_ =	swait.ge @!p0 [sflag:s2], $0x1400  }
0x25: {  	s3 =	sadd.s32 $0xB400, s3;
	[sflag:s2] =	ssyncset.done @!p0 $0x0  }
0x26: {  	s3 =	sadd.s32 @!p0 s3, s8;
	[sflag:s2] =	ssyncadd.s32 @!p0 $0xFFFFEC00  }
0x27: {  	[hbm4b:s3+s4] =	stream.linear.scatter @!p0 [tilespmem:s7], [sflag:$0x1], $0x1400, $0x38;
	[tilespmem:$0x3C50] =	vst v63  }
0x28: {  	_ =	swait.ge @!p0 [sflag:s2], $0x1400  }
0x29: {  	[sflag:s2] =	ssyncset.done @!p0 $0x0  }
0x2a: {  	[sflag:s2] =	ssyncadd.s32 @!p0 $0xFFFFEC00  }
0x2b: {  	_ =	sfence.sel $0x180000  }
0x2c: {  	[bflag:$0x0] =	sbarrier.arrive $0xFFFF  }
0x2d: {  	p0 =	sne.s32 s1, $0x0;
	_ =	strace $0x90000053  }
0x2e: {  	s0 =	sadd.s32 @!p0 $0x100000, s0;
	[bflag:$0x2] =	sbarrier.arrive $0xFFFF  }
0x2f: {  	[sflag:s0] =	ssyncadd.tile.s32 @!p0 $0x1;
	_ =	shalt  }
.Lfunc_end2:
_tile_overlayer_lowered:
.L_overlay_start_2:
0x30: {  	(tag) =	ssettag $0x2  }
0x31: {  	s0 =	rddreg [dreg:$0x0];
	s2 =	stileid.u32  }
0x32: {  	s1 =	rddreg [dreg:$0x1];
	p0 =	sne.s32 s2, $0x0  }
0x33: {  	s3 =	rddreg [dreg:$0x2];
	[bflag:$0x3] =	sbarrier.arrive $0xFFFF;
	s2 =	simm.s32 @!p0 $0x1C01  }
0x34: {  	[timem:s3], [sflag:s2] =	dma.local @!p0 [hbm:s0], s1  }
0x35: {  	s0 =	simm.s32 @!p0 $0x1  }
0x36: {  	_ =	swait.ge @!p0 [sflag:s0], s1  }
0x37: {  	s1 =	ssub.s32 @!p0 $0x0, s1;
	[sflag:s0] =	ssyncset.done @!p0 $0x0  }
0x38: {  	[sflag:s0] =	ssyncadd.s32 @!p0 s1  }
0x39: {  	[bflag:$0x3] =	sbarrier.arrive $0xFFFF  }
0x3a: {  	_ =	shalt  }

</sc_bundles>
